<compile_context>
chip_gen: v7x
topology: tpu7x:2x2x1
jax: 0.10.2.dev20260603
libtpu: 0.0.44.dev20260713+nightly
codegen_flags: <defaults>
</compile_context>

<pallas_src>
import functools

import jax
import jax.numpy as jnp
from jax import lax
from jax.experimental import pallas as pl
from jax.experimental.pallas import tpu as pltpu
from jax.experimental.pallas import tpu_sc as plsc

NC = 2
NS = 16
NW = NC * NS
L = 16

CT = 512
CHUNK = 512
NBUF = 5


@functools.lru_cache(maxsize=None)
def _make_transpose(dim: int, vocab: int):
    n_full = (vocab // CT) // NW * NW
    n_w = n_full // NW
    rem = vocab - n_full * CT
    rem_pad = -(-rem // 128) * 128
    assert n_w >= 3 and rem_pad <= 2 * CT
    mesh = plsc.VectorSubcoreMesh(core_axis_name="c", subcore_axis_name="s")

    @functools.partial(
        pl.kernel,
        mesh=mesh,
        compiler_params=pltpu.CompilerParams(needs_layout_passes=False),
        out_type=jax.ShapeDtypeStruct((vocab * dim,), jnp.float32),
        scratch_types=[
            *[pltpu.VMEM((dim, CT), jnp.float32) for _ in range(2)],
            *[pltpu.VMEM((CT * dim,), jnp.float32) for _ in range(2)],
            pltpu.VMEM((dim, rem_pad), jnp.float32),
            pltpu.VMEM((rem_pad * dim,), jnp.float32),
            *[pltpu.SemaphoreType.DMA for _ in range(2)],
            *[pltpu.SemaphoreType.DMA for _ in range(2)],
        ],
    )
    def transpose_kernel(tablet_hbm, tail_hbm, out_hbm,
                         va0, va1, vb0, vb1, vat, vbt, sr0, sr1, sw0, sw1):
        va = (va0, va1, vat)
        vb = (vb0, vb1, vbt)
        sr = (sr0, sr1)
        sw = (sw0, sw1)
        wid = lax.axis_index("s") * NC + lax.axis_index("c")
        lane32 = lax.iota(jnp.int32, L) * dim

        def col0(k):
            return pl.multiple_of((k * NW + wid) * CT, CT)

        def read(k, p):
            pltpu.async_copy(
                tablet_hbm.at[:, pl.ds(col0(k), CT)], va[p], sr[p]
            )

        def wait_read(p):
            pltpu.make_async_copy(
                tablet_hbm.at[:, pl.ds(0, CT)], va[p], sr[p]
            ).wait()

        def compute(p, n_cols, batch=16):
            for d0 in range(0, dim, batch):
                def jb(j, cc):
                    vs = [
                        va[p][d0 + u, pl.ds(j * L, L)] for u in range(batch)
                    ]
                    for u in range(batch):
                        plsc.store_scatter(
                            vb[p], [lane32 + (j * (L * dim) + d0 + u)], vs[u]
                        )
                    return cc

                lax.fori_loop(0, n_cols // L, jb, 0)

        def write(k, p):
            pltpu.async_copy(
                vb[p], out_hbm.at[pl.ds(col0(k) * dim, CT * dim)], sw[p]
            )

        def wait_write(p):
            pltpu.make_async_copy(
                vb[p], out_hbm.at[pl.ds(0, CT * dim)], sw[p]
            ).wait()

        read(0, 0)

        def body(i, carry):
            for p in range(2):
                k = 2 * i + p
                wait_read(p)
                read(k + 1, 1 - p)

                @pl.when(i > 0)
                def _ww():
                    wait_write(p)

                compute(p, CT)
                write(k, p)
            return carry

        half = (n_w - 1) // 2
        lax.fori_loop(0, half, body, 0)
        for k in range(2 * half, n_w):
            p = k % 2
            wait_read(p)
            if k + 1 < n_w:
                read(k + 1, 1 - p)
            wait_write(p)
            compute(p, CT)
            write(k, p)
        wait_write(0)
        wait_write(1)

        if rem:
            @pl.when(wid == 0)
            def _tail():
                pltpu.sync_copy(tail_hbm, va[2])
                compute(2, rem, batch=4)
                pltpu.sync_copy(
                    vb[2].at[pl.ds(0, rem * dim)],
                    out_hbm.at[pl.ds((vocab - rem) * dim, rem * dim)],
                )

    return transpose_kernel


@functools.lru_cache(maxsize=None)
def _make_gather(n_flat: int, dim: int):
    assert n_flat % NW == 0
    per_w = n_flat // NW
    assert per_w % (CHUNK * NBUF) == 0
    n_rounds = per_w // (CHUNK * NBUF)

    mesh = plsc.VectorSubcoreMesh(core_axis_name="c", subcore_axis_name="s")

    @functools.partial(
        pl.kernel,
        mesh=mesh,
        compiler_params=pltpu.CompilerParams(use_tc_tiling_on_sc=False),
        out_type=jax.ShapeDtypeStruct((n_flat, 128), jnp.float32),
        scratch_types=[
            pltpu.VMEM((per_w,), jnp.int32),
            *[pltpu.VMEM((CHUNK, dim), jnp.float32) for _ in range(NBUF)],
            *[pltpu.SemaphoreType.DMA for _ in range(NBUF)],
            *[pltpu.SemaphoreType.DMA for _ in range(NBUF)],
        ],
    )
    def gather_kernel(idx_hbm, table_hbm, out_hbm, idx_v, *bufs_and_sems):
        rows = bufs_and_sems[:NBUF]
        sem_g = bufs_and_sems[NBUF:2 * NBUF]
        sem_w = bufs_and_sems[2 * NBUF:3 * NBUF]

        wid = lax.axis_index("s") * NC + lax.axis_index("c")
        base = wid * per_w
        pltpu.sync_copy(idx_hbm.at[pl.ds(base, per_w)], idx_v)

        def body(i, carry):
            rbase = i * (CHUNK * NBUF)
            for b in range(NBUF):
                off = rbase + b * CHUNK

                @pl.when(i > 0)
                def _wait_prev_write():
                    pltpu.make_async_copy(
                        rows[b],
                        out_hbm.at[pl.ds(base + off, CHUNK), pl.ds(0, dim)],
                        sem_w[b],
                    ).wait()

                pltpu.async_copy(
                    table_hbm.at[idx_v.at[pl.ds(off, CHUNK)]], rows[b], sem_g[b]
                )
            for b in range(NBUF):
                off = rbase + b * CHUNK
                pltpu.make_async_copy(
                    table_hbm.at[idx_v.at[pl.ds(off, CHUNK)]], rows[b], sem_g[b]
                ).wait()
                pltpu.async_copy(
                    rows[b],
                    out_hbm.at[pl.ds(base + off, CHUNK), pl.ds(0, dim)],
                    sem_w[b],
                )
            return carry

        lax.fori_loop(0, n_rounds, body, 0)
        for b in range(NBUF):
            pltpu.make_async_copy(
                rows[b], out_hbm.at[pl.ds(base, CHUNK), pl.ds(0, dim)], sem_w[b]
            ).wait()

    return gather_kernel


def kernel(x, table):
    b, t = x.shape
    vocab, dim = table.shape
    flat = jnp.reshape(x, (-1,)).astype(jnp.int32)
    tablet = jnp.transpose(table)
    rem = vocab - (vocab // CT) // NW * NW * CT
    rem_pad = -(-rem // 128) * 128
    tail = jnp.pad(tablet[:, vocab - rem:], ((0, 0), (0, rem_pad - rem)))
    flat_table = _make_transpose(dim, vocab)(tablet, tail)
    tablec = jnp.reshape(flat_table, (vocab, dim))
    out128 = _make_gather(b * t, dim)(flat, tablec)
    return jnp.reshape(out128[:, :dim], (b, t, dim))

# --- scband reference (transcript-rebuilt; emitter-appended) ---
"""Pipeline reference for scband-zt-oram-emb-38405597561599 (READ-ONLY COPY).

The authoritative reference and input builder live on the scoring server;
editing this copy changes nothing except your own understanding.
"""

import jax, jax.numpy as jnp
import numpy as np

VOCAB = 1000000
EMBED_DIM = 32
B = 4096
T = 200

def setup_inputs(seed: int = 0) -> dict:
    key = jax.random.key(seed)
    k1, k2 = jax.random.split(key)
    x = jax.random.randint(k1, (B, T), 0, VOCAB, dtype=jnp.int64 if jax.config.jax_enable_x64 else jnp.int32)
    table = jax.random.normal(k2, (VOCAB, EMBED_DIM), dtype=jnp.float32) * 0.02
    return {"x": x, "table": table}

def reference(x, table):
    # ZT_ORAM_Emb.forward: flatten indices, offsets=arange(len) makes each
    # EmbeddingBag bag contain exactly one index, so mean-reduction over a
    # single element is a plain embedding gather; then reshape to (b, t, -1).
    b = x.shape[0]
    t = x.shape[1]
    flat = jnp.reshape(x, (-1,))
    gathered = jnp.take(table, flat, axis=0)
    out = jnp.reshape(gathered, (b, t, -1))
    return out

if __name__ == "__main__":
    import jax
    _d = setup_inputs()
    print(jax.jit(kernel)(*tuple(_d.values())))

</pallas_src>

<mosaic_0001>
#map = affine_map<(d0, d1) -> (0, 0)>
#map1 = affine_map<(d0, d1) -> (0)>
module attributes {stable_mosaic.version = 14 : i64} {
  func.func @transpose_kernel(%arg0: i32, %arg1: i32, %arg2: memref<32x1000000xf32, #tpu.memory_space<hbm>>, %arg3: memref<32x640xf32, #tpu.memory_space<hbm>>, %arg4: memref<32000000xf32, #tpu.memory_space<hbm>>, %arg5: memref<32x512xf32, #tpu.memory_space<vmem>>, %arg6: memref<32x512xf32, #tpu.memory_space<vmem>>, %arg7: memref<16384xf32, #tpu.memory_space<vmem>>, %arg8: memref<16384xf32, #tpu.memory_space<vmem>>, %arg9: memref<32x640xf32, #tpu.memory_space<vmem>>, %arg10: memref<20480xf32, #tpu.memory_space<vmem>>, %arg11: memref<!tpu.dma_semaphore, #tpu.memory_space<semaphore_mem>>, %arg12: memref<!tpu.dma_semaphore, #tpu.memory_space<semaphore_mem>>, %arg13: memref<!tpu.dma_semaphore, #tpu.memory_space<semaphore_mem>>, %arg14: memref<!tpu.dma_semaphore, #tpu.memory_space<semaphore_mem>>) attributes {dimension_semantics = [#tpu.dimension_semantics<core_parallel>, #tpu.dimension_semantics<subcore_parallel>], iteration_bounds = array<i64: 2, 16>, scalar_prefetch = 0 : i64, scratch_operands = 10 : i64, tpu.core_type = #tpu.core_type<sc_vector_subcore>, window_params = [{transform_indices = #map}, {transform_indices = #map}, {transform_indices = #map1}]} {
    %mul3A = arith.constant 2 : i32
    %mul3A_0 = arith.muli %arg1, %mul3A : i32
    %add3A = arith.addi %mul3A_0, %arg0 : i32
    %iota3A = tpu.iota {dimensions = array<i32: 0>} : vector<16xi32>
    %mul3A_1 = arith.constant 32 : i32
    %mul3A_2 = vector.broadcast %mul3A_1 : i32 to vector<16xi32>
    %mul3A_3 = arith.muli %iota3A, %mul3A_2 : vector<16xi32>
    %add3A_4 = arith.constant 0 : i32
    %add3A_5 = arith.addi %add3A_4, %add3A : i32
    %mul3A_6 = arith.constant 512 : i32
    %mul3A_7 = arith.muli %add3A_5, %mul3A_6 : i32
    %multiple_of3A = tpu.assume_multiple %mul3A_7, 512 : i32
    %dma_start3A = arith.constant 0 : i32
    %dma_start3A_8 = tpu.memref_slice %arg2[%dma_start3A, %multiple_of3A] : memref<32x1000000xf32, #tpu.memory_space<hbm>> -> memref<32x512xf32, #tpu.memory_space<hbm>>
    %dma_start3A_9 = arith.constant 0 : i32
    %dma_start3A_10 = tpu.memref_slice %arg2[%dma_start3A_9, %multiple_of3A] : memref<32x1000000xf32, #tpu.memory_space<hbm>> -> memref<32x512xf32, #tpu.memory_space<hbm>>
    tpu.enqueue_dma source(%dma_start3A_10 : memref<32x512xf32, #tpu.memory_space<hbm>>) target(%arg5 : memref<32x512xf32, #tpu.memory_space<vmem>>) target_semaphore(%arg11 : memref<!tpu.dma_semaphore, #tpu.memory_space<semaphore_mem>>)
    %scan3A = arith.constant 0 : i32
    %scan3A_11 = arith.constant 0 : i32
    %scan3A_12 = arith.constant 30 : i32
    %scan3A_13 = arith.addi %scan3A_11, %scan3A_12 : i32
    %scan3A_14 = arith.constant 1 : i32
    scf.for %scan3A_56 = %scan3A_11 to %scan3A_13 step %scan3A_14  : i32 {
      %mul3A_57 = arith.constant 2 : i32
      %mul3A_58 = arith.muli %mul3A_57, %scan3A_56 : i32
      %add3A_59 = arith.constant 0 : i32
      %add3A_60 = arith.addi %mul3A_58, %add3A_59 : i32
      %dma_wait3A_61 = arith.constant 0 : i32
      %dma_wait3A_62 = arith.constant 0 : i32
      %dma_wait3A_63 = tpu.memref_slice %arg2[%dma_wait3A_61, %dma_wait3A_62] : memref<32x1000000xf32, #tpu.memory_space<hbm>> -> memref<32x512xf32, #tpu.memory_space<hbm>>
      %dma_wait3A_64 = arith.constant 0 : i32
      %dma_wait3A_65 = arith.constant 0 : i32
      %dma_wait3A_66 = tpu.memref_slice %arg2[%dma_wait3A_64, %dma_wait3A_65] : memref<32x1000000xf32, #tpu.memory_space<hbm>> -> memref<32x512xf32, #tpu.memory_space<hbm>>
      tpu.wait_dma2 semaphore(%arg11 : memref<!tpu.dma_semaphore, #tpu.memory_space<semaphore_mem>>) src(%dma_wait3A_66 : memref<32x512xf32, #tpu.memory_space<hbm>>) dst(%arg5 : memref<32x512xf32, #tpu.memory_space<vmem>>)
      %add3A_67 = arith.constant 1 : i32
      %add3A_68 = arith.addi %add3A_60, %add3A_67 : i32
      %mul3A_69 = arith.constant 32 : i32
      %mul3A_70 = arith.muli %add3A_68, %mul3A_69 : i32
      %add3A_71 = arith.addi %mul3A_70, %add3A : i32
      %mul3A_72 = arith.constant 512 : i32
      %mul3A_73 = arith.muli %add3A_71, %mul3A_72 : i32
      %multiple_of3A_74 = tpu.assume_multiple %mul3A_73, 512 : i32
      %dma_start3A_75 = arith.constant 0 : i32
      %dma_start3A_76 = tpu.memref_slice %arg2[%dma_start3A_75, %multiple_of3A_74] : memref<32x1000000xf32, #tpu.memory_space<hbm>> -> memref<32x512xf32, #tpu.memory_space<hbm>>
      %dma_start3A_77 = arith.constant 0 : i32
      %dma_start3A_78 = tpu.memref_slice %arg2[%dma_start3A_77, %multiple_of3A_74] : memref<32x1000000xf32, #tpu.memory_space<hbm>> -> memref<32x512xf32, #tpu.memory_space<hbm>>
      tpu.enqueue_dma source(%dma_start3A_78 : memref<32x512xf32, #tpu.memory_space<hbm>>) target(%arg6 : memref<32x512xf32, #tpu.memory_space<vmem>>) target_semaphore(%arg12 : memref<!tpu.dma_semaphore, #tpu.memory_space<semaphore_mem>>)
      %gt3A = arith.constant 0 : i32
      %gt3A_79 = arith.cmpi sgt, %scan3A_56, %gt3A : i32
      %convert_element_type3A_80 = arith.extui %gt3A_79 : i1 to i32
      %cond3A_81 = arith.constant 0 : i32
      %cond3A_82 = arith.cmpi ne, %convert_element_type3A_80, %cond3A_81 : i32
      scf.if %cond3A_82 {
        %dma_wait3A_154 = arith.constant 0 : i32
        %dma_wait3A_155 = tpu.memref_slice %arg4[%dma_wait3A_154] : memref<32000000xf32, #tpu.memory_space<hbm>> -> memref<16384xf32, #tpu.memory_space<hbm>>
        %dma_wait3A_156 = arith.constant 0 : i32
        %dma_wait3A_157 = tpu.memref_slice %arg4[%dma_wait3A_156] : memref<32000000xf32, #tpu.memory_space<hbm>> -> memref<16384xf32, #tpu.memory_space<hbm>>
        tpu.wait_dma2 semaphore(%arg13 : memref<!tpu.dma_semaphore, #tpu.memory_space<semaphore_mem>>) src(%arg7 : memref<16384xf32, #tpu.memory_space<vmem>>) dst(%dma_wait3A_157 : memref<16384xf32, #tpu.memory_space<hbm>>)
      } else {
      }
      %scan3A_83 = arith.constant 0 : i32
      %scan3A_84 = arith.constant 0 : i32
      %scan3A_85 = arith.constant 32 : i32
      %scan3A_86 = arith.addi %scan3A_84, %scan3A_85 : i32
      %scan3A_87 = arith.constant 1 : i32
      scf.for %scan3A_154 = %scan3A_84 to %scan3A_86 step %scan3A_87  : i32 {
        %mul3A_155 = arith.constant 16 : i32
        %mul3A_156 = arith.muli %scan3A_154, %mul3A_155 : i32
        %get3A = arith.constant 0 : i32
        %get3A_157 = arith.index_cast %get3A : i32 to index
        %get3A_158 = arith.index_cast %mul3A_156 : i32 to index
        %get3A_159 = tpu.vector_load %arg5[%get3A_157, %get3A_158] {strides = array<i32>} : memref<32x512xf32, #tpu.memory_space<vmem>>, vector<16xf32>,
        %mul3A_160 = arith.constant 16 : i32
        %mul3A_161 = arith.muli %scan3A_154, %mul3A_160 : i32
        %get3A_162 = arith.constant 1 : i32
        %get3A_163 = arith.index_cast %get3A_162 : i32 to index
        %get3A_164 = arith.index_cast %mul3A_161 : i32 to index
        %get3A_165 = tpu.vector_load %arg5[%get3A_163, %get3A_164] {strides = array<i32>} : memref<32x512xf32, #tpu.memory_space<vmem>>, vector<16xf32>,
        %mul3A_166 = arith.constant 16 : i32
        %mul3A_167 = arith.muli %scan3A_154, %mul3A_166 : i32
        %get3A_168 = arith.constant 2 : i32
        %get3A_169 = arith.index_cast %get3A_168 : i32 to index
        %get3A_170 = arith.index_cast %mul3A_167 : i32 to index
        %get3A_171 = tpu.vector_load %arg5[%get3A_169, %get3A_170] {strides = array<i32>} : memref<32x512xf32, #tpu.memory_space<vmem>>, vector<16xf32>,
        %mul3A_172 = arith.constant 16 : i32
        %mul3A_173 = arith.muli %scan3A_154, %mul3A_172 : i32
        %get3A_174 = arith.constant 3 : i32
        %get3A_175 = arith.index_cast %get3A_174 : i32 to index
        %get3A_176 = arith.index_cast %mul3A_173 : i32 to index
        %get3A_177 = tpu.vector_load %arg5[%get3A_175, %get3A_176] {strides = array<i32>} : memref<32x512xf32, #tpu.memory_space<vmem>>, vector<16xf32>,
        %mul3A_178 = arith.constant 16 : i32
        %mul3A_179 = arith.muli %scan3A_154, %mul3A_178 : i32
        %get3A_180 = arith.constant 4 : i32
        %get3A_181 = arith.index_cast %get3A_180 : i32 to index
        %get3A_182 = arith.index_cast %mul3A_179 : i32 to index
        %get3A_183 = tpu.vector_load %arg5[%get3A_181, %get3A_182] {strides = array<i32>} : memref<32x512xf32, #tpu.memory_space<vmem>>, vector<16xf32>,
        %mul3A_184 = arith.constant 16 : i32
        %mul3A_185 = arith.muli %scan3A_154, %mul3A_184 : i32
        %get3A_186 = arith.constant 5 : i32
        %get3A_187 = arith.index_cast %get3A_186 : i32 to index
        %get3A_188 = arith.index_cast %mul3A_185 : i32 to index
        %get3A_189 = tpu.vector_load %arg5[%get3A_187, %get3A_188] {strides = array<i32>} : memref<32x512xf32, #tpu.memory_space<vmem>>, vector<16xf32>,
        %mul3A_190 = arith.constant 16 : i32
        %mul3A_191 = arith.muli %scan3A_154, %mul3A_190 : i32
        %get3A_192 = arith.constant 6 : i32
        %get3A_193 = arith.index_cast %get3A_192 : i32 to index
        %get3A_194 = arith.index_cast %mul3A_191 : i32 to index
        %get3A_195 = tpu.vector_load %arg5[%get3A_193, %get3A_194] {strides = array<i32>} : memref<32x512xf32, #tpu.memory_space<vmem>>, vector<16xf32>,
        %mul3A_196 = arith.constant 16 : i32
        %mul3A_197 = arith.muli %scan3A_154, %mul3A_196 : i32
        %get3A_198 = arith.constant 7 : i32
        %get3A_199 = arith.index_cast %get3A_198 : i32 to index
        %get3A_200 = arith.index_cast %mul3A_197 : i32 to index
        %get3A_201 = tpu.vector_load %arg5[%get3A_199, %get3A_200] {strides = array<i32>} : memref<32x512xf32, #tpu.memory_space<vmem>>, vector<16xf32>,
        %mul3A_202 = arith.constant 16 : i32
        %mul3A_203 = arith.muli %scan3A_154, %mul3A_202 : i32
        %get3A_204 = arith.constant 8 : i32
        %get3A_205 = arith.index_cast %get3A_204 : i32 to index
        %get3A_206 = arith.index_cast %mul3A_203 : i32 to index
        %get3A_207 = tpu.vector_load %arg5[%get3A_205, %get3A_206] {strides = array<i32>} : memref<32x512xf32, #tpu.memory_space<vmem>>, vector<16xf32>,
        %mul3A_208 = arith.constant 16 : i32
        %mul3A_209 = arith.muli %scan3A_154, %mul3A_208 : i32
        %get3A_210 = arith.constant 9 : i32
        %get3A_211 = arith.index_cast %get3A_210 : i32 to index
        %get3A_212 = arith.index_cast %mul3A_209 : i32 to index
        %get3A_213 = tpu.vector_load %arg5[%get3A_211, %get3A_212] {strides = array<i32>} : memref<32x512xf32, #tpu.memory_space<vmem>>, vector<16xf32>,
        %mul3A_214 = arith.constant 16 : i32
        %mul3A_215 = arith.muli %scan3A_154, %mul3A_214 : i32
        %get3A_216 = arith.constant 10 : i32
        %get3A_217 = arith.index_cast %get3A_216 : i32 to index
        %get3A_218 = arith.index_cast %mul3A_215 : i32 to index
        %get3A_219 = tpu.vector_load %arg5[%get3A_217, %get3A_218] {strides = array<i32>} : memref<32x512xf32, #tpu.memory_space<vmem>>, vector<16xf32>,
        %mul3A_220 = arith.constant 16 : i32
        %mul3A_221 = arith.muli %scan3A_154, %mul3A_220 : i32
        %get3A_222 = arith.constant 11 : i32
        %get3A_223 = arith.index_cast %get3A_222 : i32 to index
        %get3A_224 = arith.index_cast %mul3A_221 : i32 to index
        %get3A_225 = tpu.vector_load %arg5[%get3A_223, %get3A_224] {strides = array<i32>} : memref<32x512xf32, #tpu.memory_space<vmem>>, vector<16xf32>,
        %mul3A_226 = arith.constant 16 : i32
        %mul3A_227 = arith.muli %scan3A_154, %mul3A_226 : i32
        %get3A_228 = arith.constant 12 : i32
        %get3A_229 = arith.index_cast %get3A_228 : i32 to index
        %get3A_230 = arith.index_cast %mul3A_227 : i32 to index
        %get3A_231 = tpu.vector_load %arg5[%get3A_229, %get3A_230] {strides = array<i32>} : memref<32x512xf32, #tpu.memory_space<vmem>>, vector<16xf32>,
        %mul3A_232 = arith.constant 16 : i32
        %mul3A_233 = arith.muli %scan3A_154, %mul3A_232 : i32
        %get3A_234 = arith.constant 13 : i32
        %get3A_235 = arith.index_cast %get3A_234 : i32 to index
        %get3A_236 = arith.index_cast %mul3A_233 : i32 to index
        %get3A_237 = tpu.vector_load %arg5[%get3A_235, %get3A_236] {strides = array<i32>} : memref<32x512xf32, #tpu.memory_space<vmem>>, vector<16xf32>,
        %mul3A_238 = arith.constant 16 : i32
        %mul3A_239 = arith.muli %scan3A_154, %mul3A_238 : i32
        %get3A_240 = arith.constant 14 : i32
        %get3A_241 = arith.index_cast %get3A_240 : i32 to index
        %get3A_242 = arith.index_cast %mul3A_239 : i32 to index
        %get3A_243 = tpu.vector_load %arg5[%get3A_241, %get3A_242] {strides = array<i32>} : memref<32x512xf32, #tpu.memory_space<vmem>>, vector<16xf32>,
        %mul3A_244 = arith.constant 16 : i32
        %mul3A_245 = arith.muli %scan3A_154, %mul3A_244 : i32
        %get3A_246 = arith.constant 15 : i32
        %get3A_247 = arith.index_cast %get3A_246 : i32 to index
        %get3A_248 = arith.index_cast %mul3A_245 : i32 to index
        %get3A_249 = tpu.vector_load %arg5[%get3A_247, %get3A_248] {strides = array<i32>} : memref<32x512xf32, #tpu.memory_space<vmem>>, vector<16xf32>,
        %mul3A_250 = arith.constant 512 : i32
        %mul3A_251 = arith.muli %scan3A_154, %mul3A_250 : i32
        %add3A_252 = arith.constant 0 : i32
        %add3A_253 = arith.addi %mul3A_251, %add3A_252 : i32
        %add3A_254 = arith.constant 0 : i32
        %add3A_255 = arith.addi %add3A_253, %add3A_254 : i32
        %add3A_256 = vector.broadcast %add3A_255 : i32 to vector<16xi32>
        %add3A_257 = arith.addi %mul3A_3, %add3A_256 : vector<16xi32>
        tpu.vector_store_idx %arg7[%add3A_257], %get3A_159 : memref<16384xf32, #tpu.memory_space<vmem>>[vector<16xi32>], vector<16xf32>,
        %mul3A_258 = arith.constant 512 : i32
        %mul3A_259 = arith.muli %scan3A_154, %mul3A_258 : i32
        %add3A_260 = arith.constant 0 : i32
        %add3A_261 = arith.addi %mul3A_259, %add3A_260 : i32
        %add3A_262 = arith.constant 1 : i32
        %add3A_263 = arith.addi %add3A_261, %add3A_262 : i32
        %add3A_264 = vector.broadcast %add3A_263 : i32 to vector<16xi32>
        %add3A_265 = arith.addi %mul3A_3, %add3A_264 : vector<16xi32>
        tpu.vector_store_idx %arg7[%add3A_265], %get3A_165 : memref<16384xf32, #tpu.memory_space<vmem>>[vector<16xi32>], vector<16xf32>,
        %mul3A_266 = arith.constant 512 : i32
        %mul3A_267 = arith.muli %scan3A_154, %mul3A_266 : i32
        %add3A_268 = arith.constant 0 : i32
        %add3A_269 = arith.addi %mul3A_267, %add3A_268 : i32
        %add3A_270 = arith.constant 2 : i32
        %add3A_271 = arith.addi %add3A_269, %add3A_270 : i32
        %add3A_272 = vector.broadcast %add3A_271 : i32 to vector<16xi32>
        %add3A_273 = arith.addi %mul3A_3, %add3A_272 : vector<16xi32>
        tpu.vector_store_idx %arg7[%add3A_273], %get3A_171 : memref<16384xf32, #tpu.memory_space<vmem>>[vector<16xi32>], vector<16xf32>,
        %mul3A_274 = arith.constant 512 : i32
        %mul3A_275 = arith.muli %scan3A_154, %mul3A_274 : i32
        %add3A_276 = arith.constant 0 : i32
        %add3A_277 = arith.addi %mul3A_275, %add3A_276 : i32
        %add3A_278 = arith.constant 3 : i32
        %add3A_279 = arith.addi %add3A_277, %add3A_278 : i32
        %add3A_280 = vector.broadcast %add3A_279 : i32 to vector<16xi32>
        %add3A_281 = arith.addi %mul3A_3, %add3A_280 : vector<16xi32>
        tpu.vector_store_idx %arg7[%add3A_281], %get3A_177 : memref<16384xf32, #tpu.memory_space<vmem>>[vector<16xi32>], vector<16xf32>,
        %mul3A_282 = arith.constant 512 : i32
        %mul3A_283 = arith.muli %scan3A_154, %mul3A_282 : i32
        %add3A_284 = arith.constant 0 : i32
        %add3A_285 = arith.addi %mul3A_283, %add3A_284 : i32
        %add3A_286 = arith.constant 4 : i32
        %add3A_287 = arith.addi %add3A_285, %add3A_286 : i32
        %add3A_288 = vector.broadcast %add3A_287 : i32 to vector<16xi32>
        %add3A_289 = arith.addi %mul3A_3, %add3A_288 : vector<16xi32>
        tpu.vector_store_idx %arg7[%add3A_289], %get3A_183 : memref<16384xf32, #tpu.memory_space<vmem>>[vector<16xi32>], vector<16xf32>,
        %mul3A_290 = arith.constant 512 : i32
        %mul3A_291 = arith.muli %scan3A_154, %mul3A_290 : i32
        %add3A_292 = arith.constant 0 : i32
        %add3A_293 = arith.addi %mul3A_291, %add3A_292 : i32
        %add3A_294 = arith.constant 5 : i32
        %add3A_295 = arith.addi %add3A_293, %add3A_294 : i32
        %add3A_296 = vector.broadcast %add3A_295 : i32 to vector<16xi32>
        %add3A_297 = arith.addi %mul3A_3, %add3A_296 : vector<16xi32>
        tpu.vector_store_idx %arg7[%add3A_297], %get3A_189 : memref<16384xf32, #tpu.memory_space<vmem>>[vector<16xi32>], vector<16xf32>,
        %mul3A_298 = arith.constant 512 : i32
        %mul3A_299 = arith.muli %scan3A_154, %mul3A_298 : i32
        %add3A_300 = arith.constant 0 : i32
        %add3A_301 = arith.addi %mul3A_299, %add3A_300 : i32
        %add3A_302 = arith.constant 6 : i32
        %add3A_303 = arith.addi %add3A_301, %add3A_302 : i32
        %add3A_304 = vector.broadcast %add3A_303 : i32 to vector<16xi32>
        %add3A_305 = arith.addi %mul3A_3, %add3A_304 : vector<16xi32>
        tpu.vector_store_idx %arg7[%add3A_305], %get3A_195 : memref<16384xf32, #tpu.memory_space<vmem>>[vector<16xi32>], vector<16xf32>,
        %mul3A_306 = arith.constant 512 : i32
        %mul3A_307 = arith.muli %scan3A_154, %mul3A_306 : i32
        %add3A_308 = arith.constant 0 : i32
        %add3A_309 = arith.addi %mul3A_307, %add3A_308 : i32
        %add3A_310 = arith.constant 7 : i32
        %add3A_311 = arith.addi %add3A_309, %add3A_310 : i32
        %add3A_312 = vector.broadcast %add3A_311 : i32 to vector<16xi32>
        %add3A_313 = arith.addi %mul3A_3, %add3A_312 : vector<16xi32>
        tpu.vector_store_idx %arg7[%add3A_313], %get3A_201 : memref<16384xf32, #tpu.memory_space<vmem>>[vector<16xi32>], vector<16xf32>,
        %mul3A_314 = arith.constant 512 : i32
        %mul3A_315 = arith.muli %scan3A_154, %mul3A_314 : i32
        %add3A_316 = arith.constant 0 : i32
        %add3A_317 = arith.addi %mul3A_315, %add3A_316 : i32
        %add3A_318 = arith.constant 8 : i32
        %add3A_319 = arith.addi %add3A_317, %add3A_318 : i32
        %add3A_320 = vector.broadcast %add3A_319 : i32 to vector<16xi32>
        %add3A_321 = arith.addi %mul3A_3, %add3A_320 : vector<16xi32>
        tpu.vector_store_idx %arg7[%add3A_321], %get3A_207 : memref<16384xf32, #tpu.memory_space<vmem>>[vector<16xi32>], vector<16xf32>,
        %mul3A_322 = arith.constant 512 : i32
        %mul3A_323 = arith.muli %scan3A_154, %mul3A_322 : i32
        %add3A_324 = arith.constant 0 : i32
        %add3A_325 = arith.addi %mul3A_323, %add3A_324 : i32
        %add3A_326 = arith.constant 9 : i32
        %add3A_327 = arith.addi %add3A_325, %add3A_326 : i32
        %add3A_328 = vector.broadcast %add3A_327 : i32 to vector<16xi32>
        %add3A_329 = arith.addi %mul3A_3, %add3A_328 : vector<16xi32>
        tpu.vector_store_idx %arg7[%add3A_329], %get3A_213 : memref<16384xf32, #tpu.memory_space<vmem>>[vector<16xi32>], vector<16xf32>,
        %mul3A_330 = arith.constant 512 : i32
        %mul3A_331 = arith.muli %scan3A_154, %mul3A_330 : i32
        %add3A_332 = arith.constant 0 : i32
        %add3A_333 = arith.addi %mul3A_331, %add3A_332 : i32
        %add3A_334 = arith.constant 10 : i32
        %add3A_335 = arith.addi %add3A_333, %add3A_334 : i32
        %add3A_336 = vector.broadcast %add3A_335 : i32 to vector<16xi32>
        %add3A_337 = arith.addi %mul3A_3, %add3A_336 : vector<16xi32>
        tpu.vector_store_idx %arg7[%add3A_337], %get3A_219 : memref<16384xf32, #tpu.memory_space<vmem>>[vector<16xi32>], vector<16xf32>,
        %mul3A_338 = arith.constant 512 : i32
        %mul3A_339 = arith.muli %scan3A_154, %mul3A_338 : i32
        %add3A_340 = arith.constant 0 : i32
        %add3A_341 = arith.addi %mul3A_339, %add3A_340 : i32
        %add3A_342 = arith.constant 11 : i32
        %add3A_343 = arith.addi %add3A_341, %add3A_342 : i32
        %add3A_344 = vector.broadcast %add3A_343 : i32 to vector<16xi32>
        %add3A_345 = arith.addi %mul3A_3, %add3A_344 : vector<16xi32>
        tpu.vector_store_idx %arg7[%add3A_345], %get3A_225 : memref<16384xf32, #tpu.memory_space<vmem>>[vector<16xi32>], vector<16xf32>,
        %mul3A_346 = arith.constant 512 : i32
        %mul3A_347 = arith.muli %scan3A_154, %mul3A_346 : i32
        %add3A_348 = arith.constant 0 : i32
        %add3A_349 = arith.addi %mul3A_347, %add3A_348 : i32
        %add3A_350 = arith.constant 12 : i32
        %add3A_351 = arith.addi %add3A_349, %add3A_350 : i32
        %add3A_352 = vector.broadcast %add3A_351 : i32 to vector<16xi32>
        %add3A_353 = arith.addi %mul3A_3, %add3A_352 : vector<16xi32>
        tpu.vector_store_idx %arg7[%add3A_353], %get3A_231 : memref<16384xf32, #tpu.memory_space<vmem>>[vector<16xi32>], vector<16xf32>,
        %mul3A_354 = arith.constant 512 : i32
        %mul3A_355 = arith.muli %scan3A_154, %mul3A_354 : i32
        %add3A_356 = arith.constant 0 : i32
        %add3A_357 = arith.addi %mul3A_355, %add3A_356 : i32
        %add3A_358 = arith.constant 13 : i32
        %add3A_359 = arith.addi %add3A_357, %add3A_358 : i32
        %add3A_360 = vector.broadcast %add3A_359 : i32 to vector<16xi32>
        %add3A_361 = arith.addi %mul3A_3, %add3A_360 : vector<16xi32>
        tpu.vector_store_idx %arg7[%add3A_361], %get3A_237 : memref<16384xf32, #tpu.memory_space<vmem>>[vector<16xi32>], vector<16xf32>,
        %mul3A_362 = arith.constant 512 : i32
        %mul3A_363 = arith.muli %scan3A_154, %mul3A_362 : i32
        %add3A_364 = arith.constant 0 : i32
        %add3A_365 = arith.addi %mul3A_363, %add3A_364 : i32
        %add3A_366 = arith.constant 14 : i32
        %add3A_367 = arith.addi %add3A_365, %add3A_366 : i32
        %add3A_368 = vector.broadcast %add3A_367 : i32 to vector<16xi32>
        %add3A_369 = arith.addi %mul3A_3, %add3A_368 : vector<16xi32>
        tpu.vector_store_idx %arg7[%add3A_369], %get3A_243 : memref<16384xf32, #tpu.memory_space<vmem>>[vector<16xi32>], vector<16xf32>,
        %mul3A_370 = arith.constant 512 : i32
        %mul3A_371 = arith.muli %scan3A_154, %mul3A_370 : i32
        %add3A_372 = arith.constant 0 : i32
        %add3A_373 = arith.addi %mul3A_371, %add3A_372 : i32
        %add3A_374 = arith.constant 15 : i32
        %add3A_375 = arith.addi %add3A_373, %add3A_374 : i32
        %add3A_376 = vector.broadcast %add3A_375 : i32 to vector<16xi32>
        %add3A_377 = arith.addi %mul3A_3, %add3A_376 : vector<16xi32>
        tpu.vector_store_idx %arg7[%add3A_377], %get3A_249 : memref<16384xf32, #tpu.memory_space<vmem>>[vector<16xi32>], vector<16xf32>,
      }
      %scan3A_88 = arith.constant 32 : i32
      %scan3A_89 = arith.constant 0 : i32
      %scan3A_90 = arith.constant 0 : i32
      %scan3A_91 = arith.constant 32 : i32
      %scan3A_92 = arith.addi %scan3A_90, %scan3A_91 : i32
      %scan3A_93 = arith.constant 1 : i32
      scf.for %scan3A_154 = %scan3A_90 to %scan3A_92 step %scan3A_93  : i32 {
        %mul3A_155 = arith.constant 16 : i32
        %mul3A_156 = arith.muli %scan3A_154, %mul3A_155 : i32
        %get3A = arith.constant 16 : i32
        %get3A_157 = arith.index_cast %get3A : i32 to index
        %get3A_158 = arith.index_cast %mul3A_156 : i32 to index
        %get3A_159 = tpu.vector_load %arg5[%get3A_157, %get3A_158] {strides = array<i32>} : memref<32x512xf32, #tpu.memory_space<vmem>>, vector<16xf32>,
        %mul3A_160 = arith.constant 16 : i32
        %mul3A_161 = arith.muli %scan3A_154, %mul3A_160 : i32
        %get3A_162 = arith.constant 17 : i32
        %get3A_163 = arith.index_cast %get3A_162 : i32 to index
        %get3A_164 = arith.index_cast %mul3A_161 : i32 to index
        %get3A_165 = tpu.vector_load %arg5[%get3A_163, %get3A_164] {strides = array<i32>} : memref<32x512xf32, #tpu.memory_space<vmem>>, vector<16xf32>,
        %mul3A_166 = arith.constant 16 : i32
        %mul3A_167 = arith.muli %scan3A_154, %mul3A_166 : i32
        %get3A_168 = arith.constant 18 : i32
        %get3A_169 = arith.index_cast %get3A_168 : i32 to index
        %get3A_170 = arith.index_cast %mul3A_167 : i32 to index
        %get3A_171 = tpu.vector_load %arg5[%get3A_169, %get3A_170] {strides = array<i32>} : memref<32x512xf32, #tpu.memory_space<vmem>>, vector<16xf32>,
        %mul3A_172 = arith.constant 16 : i32
        %mul3A_173 = arith.muli %scan3A_154, %mul3A_172 : i32
        %get3A_174 = arith.constant 19 : i32
        %get3A_175 = arith.index_cast %get3A_174 : i32 to index
        %get3A_176 = arith.index_cast %mul3A_173 : i32 to index
        %get3A_177 = tpu.vector_load %arg5[%get3A_175, %get3A_176] {strides = array<i32>} : memref<32x512xf32, #tpu.memory_space<vmem>>, vector<16xf32>,
        %mul3A_178 = arith.constant 16 : i32
        %mul3A_179 = arith.muli %scan3A_154, %mul3A_178 : i32
        %get3A_180 = arith.constant 20 : i32
        %get3A_181 = arith.index_cast %get3A_180 : i32 to index
        %get3A_182 = arith.index_cast %mul3A_179 : i32 to index
        %get3A_183 = tpu.vector_load %arg5[%get3A_181, %get3A_182] {strides = array<i32>} : memref<32x512xf32, #tpu.memory_space<vmem>>, vector<16xf32>,
        %mul3A_184 = arith.constant 16 : i32
        %mul3A_185 = arith.muli %scan3A_154, %mul3A_184 : i32
        %get3A_186 = arith.constant 21 : i32
        %get3A_187 = arith.index_cast %get3A_186 : i32 to index
        %get3A_188 = arith.index_cast %mul3A_185 : i32 to index
        %get3A_189 = tpu.vector_load %arg5[%get3A_187, %get3A_188] {strides = array<i32>} : memref<32x512xf32, #tpu.memory_space<vmem>>, vector<16xf32>,
        %mul3A_190 = arith.constant 16 : i32
        %mul3A_191 = arith.muli %scan3A_154, %mul3A_190 : i32
        %get3A_192 = arith.constant 22 : i32
        %get3A_193 = arith.index_cast %get3A_192 : i32 to index
        %get3A_194 = arith.index_cast %mul3A_191 : i32 to index
        %get3A_195 = tpu.vector_load %arg5[%get3A_193, %get3A_194] {strides = array<i32>} : memref<32x512xf32, #tpu.memory_space<vmem>>, vector<16xf32>,
        %mul3A_196 = arith.constant 16 : i32
        %mul3A_197 = arith.muli %scan3A_154, %mul3A_196 : i32
        %get3A_198 = arith.constant 23 : i32
        %get3A_199 = arith.index_cast %get3A_198 : i32 to index
        %get3A_200 = arith.index_cast %mul3A_197 : i32 to index
        %get3A_201 = tpu.vector_load %arg5[%get3A_199, %get3A_200] {strides = array<i32>} : memref<32x512xf32, #tpu.memory_space<vmem>>, vector<16xf32>,
        %mul3A_202 = arith.constant 16 : i32
        %mul3A_203 = arith.muli %scan3A_154, %mul3A_202 : i32
        %get3A_204 = arith.constant 24 : i32
        %get3A_205 = arith.index_cast %get3A_204 : i32 to index
        %get3A_206 = arith.index_cast %mul3A_203 : i32 to index
        %get3A_207 = tpu.vector_load %arg5[%get3A_205, %get3A_206] {strides = array<i32>} : memref<32x512xf32, #tpu.memory_space<vmem>>, vector<16xf32>,
        %mul3A_208 = arith.constant 16 : i32
        %mul3A_209 = arith.muli %scan3A_154, %mul3A_208 : i32
        %get3A_210 = arith.constant 25 : i32
        %get3A_211 = arith.index_cast %get3A_210 : i32 to index
        %get3A_212 = arith.index_cast %mul3A_209 : i32 to index
        %get3A_213 = tpu.vector_load %arg5[%get3A_211, %get3A_212] {strides = array<i32>} : memref<32x512xf32, #tpu.memory_space<vmem>>, vector<16xf32>,
        %mul3A_214 = arith.constant 16 : i32
        %mul3A_215 = arith.muli %scan3A_154, %mul3A_214 : i32
        %get3A_216 = arith.constant 26 : i32
        %get3A_217 = arith.index_cast %get3A_216 : i32 to index
        %get3A_218 = arith.index_cast %mul3A_215 : i32 to index
        %get3A_219 = tpu.vector_load %arg5[%get3A_217, %get3A_218] {strides = array<i32>} : memref<32x512xf32, #tpu.memory_space<vmem>>, vector<16xf32>,
        %mul3A_220 = arith.constant 16 : i32
        %mul3A_221 = arith.muli %scan3A_154, %mul3A_220 : i32
        %get3A_222 = arith.constant 27 : i32
        %get3A_223 = arith.index_cast %get3A_222 : i32 to index
        %get3A_224 = arith.index_cast %mul3A_221 : i32 to index
        %get3A_225 = tpu.vector_load %arg5[%get3A_223, %get3A_224] {strides = array<i32>} : memref<32x512xf32, #tpu.memory_space<vmem>>, vector<16xf32>,
        %mul3A_226 = arith.constant 16 : i32
        %mul3A_227 = arith.muli %scan3A_154, %mul3A_226 : i32
        %get3A_228 = arith.constant 28 : i32
        %get3A_229 = arith.index_cast %get3A_228 : i32 to index
        %get3A_230 = arith.index_cast %mul3A_227 : i32 to index
        %get3A_231 = tpu.vector_load %arg5[%get3A_229, %get3A_230] {strides = array<i32>} : memref<32x512xf32, #tpu.memory_space<vmem>>, vector<16xf32>,
        %mul3A_232 = arith.constant 16 : i32
        %mul3A_233 = arith.muli %scan3A_154, %mul3A_232 : i32
        %get3A_234 = arith.constant 29 : i32
        %get3A_235 = arith.index_cast %get3A_234 : i32 to index
        %get3A_236 = arith.index_cast %mul3A_233 : i32 to index
        %get3A_237 = tpu.vector_load %arg5[%get3A_235, %get3A_236] {strides = array<i32>} : memref<32x512xf32, #tpu.memory_space<vmem>>, vector<16xf32>,
        %mul3A_238 = arith.constant 16 : i32
        %mul3A_239 = arith.muli %scan3A_154, %mul3A_238 : i32
        %get3A_240 = arith.constant 30 : i32
        %get3A_241 = arith.index_cast %get3A_240 : i32 to index
        %get3A_242 = arith.index_cast %mul3A_239 : i32 to index
        %get3A_243 = tpu.vector_load %arg5[%get3A_241, %get3A_242] {strides = array<i32>} : memref<32x512xf32, #tpu.memory_space<vmem>>, vector<16xf32>,
        %mul3A_244 = arith.constant 16 : i32
        %mul3A_245 = arith.muli %scan3A_154, %mul3A_244 : i32
        %get3A_246 = arith.constant 31 : i32
        %get3A_247 = arith.index_cast %get3A_246 : i32 to index
        %get3A_248 = arith.index_cast %mul3A_245 : i32 to index
        %get3A_249 = tpu.vector_load %arg5[%get3A_247, %get3A_248] {strides = array<i32>} : memref<32x512xf32, #tpu.memory_space<vmem>>, vector<16xf32>,
        %mul3A_250 = arith.constant 512 : i32
        %mul3A_251 = arith.muli %scan3A_154, %mul3A_250 : i32
        %add3A_252 = arith.constant 16 : i32
        %add3A_253 = arith.addi %mul3A_251, %add3A_252 : i32
        %add3A_254 = arith.constant 0 : i32
        %add3A_255 = arith.addi %add3A_253, %add3A_254 : i32
        %add3A_256 = vector.broadcast %add3A_255 : i32 to vector<16xi32>
        %add3A_257 = arith.addi %mul3A_3, %add3A_256 : vector<16xi32>
        tpu.vector_store_idx %arg7[%add3A_257], %get3A_159 : memref<16384xf32, #tpu.memory_space<vmem>>[vector<16xi32>], vector<16xf32>,
        %mul3A_258 = arith.constant 512 : i32
        %mul3A_259 = arith.muli %scan3A_154, %mul3A_258 : i32
        %add3A_260 = arith.constant 16 : i32
        %add3A_261 = arith.addi %mul3A_259, %add3A_260 : i32
        %add3A_262 = arith.constant 1 : i32
        %add3A_263 = arith.addi %add3A_261, %add3A_262 : i32
        %add3A_264 = vector.broadcast %add3A_263 : i32 to vector<16xi32>
        %add3A_265 = arith.addi %mul3A_3, %add3A_264 : vector<16xi32>
        tpu.vector_store_idx %arg7[%add3A_265], %get3A_165 : memref<16384xf32, #tpu.memory_space<vmem>>[vector<16xi32>], vector<16xf32>,
        %mul3A_266 = arith.constant 512 : i32
        %mul3A_267 = arith.muli %scan3A_154, %mul3A_266 : i32
        %add3A_268 = arith.constant 16 : i32
        %add3A_269 = arith.addi %mul3A_267, %add3A_268 : i32
        %add3A_270 = arith.constant 2 : i32
        %add3A_271 = arith.addi %add3A_269, %add3A_270 : i32
        %add3A_272 = vector.broadcast %add3A_271 : i32 to vector<16xi32>
        %add3A_273 = arith.addi %mul3A_3, %add3A_272 : vector<16xi32>
        tpu.vector_store_idx %arg7[%add3A_273], %get3A_171 : memref<16384xf32, #tpu.memory_space<vmem>>[vector<16xi32>], vector<16xf32>,
        %mul3A_274 = arith.constant 512 : i32
        %mul3A_275 = arith.muli %scan3A_154, %mul3A_274 : i32
        %add3A_276 = arith.constant 16 : i32
        %add3A_277 = arith.addi %mul3A_275, %add3A_276 : i32
        %add3A_278 = arith.constant 3 : i32
        %add3A_279 = arith.addi %add3A_277, %add3A_278 : i32
        %add3A_280 = vector.broadcast %add3A_279 : i32 to vector<16xi32>
        %add3A_281 = arith.addi %mul3A_3, %add3A_280 : vector<16xi32>
        tpu.vector_store_idx %arg7[%add3A_281], %get3A_177 : memref<16384xf32, #tpu.memory_space<vmem>>[vector<16xi32>], vector<16xf32>,
        %mul3A_282 = arith.constant 512 : i32
        %mul3A_283 = arith.muli %scan3A_154, %mul3A_282 : i32
        %add3A_284 = arith.constant 16 : i32
        %add3A_285 = arith.addi %mul3A_283, %add3A_284 : i32
        %add3A_286 = arith.constant 4 : i32
        %add3A_287 = arith.addi %add3A_285, %add3A_286 : i32
        %add3A_288 = vector.broadcast %add3A_287 : i32 to vector<16xi32>
        %add3A_289 = arith.addi %mul3A_3, %add3A_288 : vector<16xi32>
        tpu.vector_store_idx %arg7[%add3A_289], %get3A_183 : memref<16384xf32, #tpu.memory_space<vmem>>[vector<16xi32>], vector<16xf32>,
        %mul3A_290 = arith.constant 512 : i32
        %mul3A_291 = arith.muli %scan3A_154, %mul3A_290 : i32
        %add3A_292 = arith.constant 16 : i32
        %add3A_293 = arith.addi %mul3A_291, %add3A_292 : i32
        %add3A_294 = arith.constant 5 : i32
        %add3A_295 = arith.addi %add3A_293, %add3A_294 : i32
        %add3A_296 = vector.broadcast %add3A_295 : i32 to vector<16xi32>
        %add3A_297 = arith.addi %mul3A_3, %add3A_296 : vector<16xi32>
        tpu.vector_store_idx %arg7[%add3A_297], %get3A_189 : memref<16384xf32, #tpu.memory_space<vmem>>[vector<16xi32>], vector<16xf32>,
        %mul3A_298 = arith.constant 512 : i32
        %mul3A_299 = arith.muli %scan3A_154, %mul3A_298 : i32
        %add3A_300 = arith.constant 16 : i32
        %add3A_301 = arith.addi %mul3A_299, %add3A_300 : i32
        %add3A_302 = arith.constant 6 : i32
        %add3A_303 = arith.addi %add3A_301, %add3A_302 : i32
        %add3A_304 = vector.broadcast %add3A_303 : i32 to vector<16xi32>
        %add3A_305 = arith.addi %mul3A_3, %add3A_304 : vector<16xi32>
        tpu.vector_store_idx %arg7[%add3A_305], %get3A_195 : memref<16384xf32, #tpu.memory_space<vmem>>[vector<16xi32>], vector<16xf32>,
        %mul3A_306 = arith.constant 512 : i32
        %mul3A_307 = arith.muli %scan3A_154, %mul3A_306 : i32
        %add3A_308 = arith.constant 16 : i32
        %add3A_309 = arith.addi %mul3A_307, %add3A_308 : i32
        %add3A_310 = arith.constant 7 : i32
        %add3A_311 = arith.addi %add3A_309, %add3A_310 : i32
        %add3A_312 = vector.broadcast %add3A_311 : i32 to vector<16xi32>
        %add3A_313 = arith.addi %mul3A_3, %add3A_312 : vector<16xi32>
        tpu.vector_store_idx %arg7[%add3A_313], %get3A_201 : memref<16384xf32, #tpu.memory_space<vmem>>[vector<16xi32>], vector<16xf32>,
        %mul3A_314 = arith.constant 512 : i32
        %mul3A_315 = arith.muli %scan3A_154, %mul3A_314 : i32
        %add3A_316 = arith.constant 16 : i32
        %add3A_317 = arith.addi %mul3A_315, %add3A_316 : i32
        %add3A_318 = arith.constant 8 : i32
        %add3A_319 = arith.addi %add3A_317, %add3A_318 : i32
        %add3A_320 = vector.broadcast %add3A_319 : i32 to vector<16xi32>
        %add3A_321 = arith.addi %mul3A_3, %add3A_320 : vector<16xi32>
        tpu.vector_store_idx %arg7[%add3A_321], %get3A_207 : memref<16384xf32, #tpu.memory_space<vmem>>[vector<16xi32>], vector<16xf32>,
        %mul3A_322 = arith.constant 512 : i32
        %mul3A_323 = arith.muli %scan3A_154, %mul3A_322 : i32
        %add3A_324 = arith.constant 16 : i32
        %add3A_325 = arith.addi %mul3A_323, %add3A_324 : i32
        %add3A_326 = arith.constant 9 : i32
        %add3A_327 = arith.addi %add3A_325, %add3A_326 : i32
        %add3A_328 = vector.broadcast %add3A_327 : i32 to vector<16xi32>
        %add3A_329 = arith.addi %mul3A_3, %add3A_328 : vector<16xi32>
        tpu.vector_store_idx %arg7[%add3A_329], %get3A_213 : memref<16384xf32, #tpu.memory_space<vmem>>[vector<16xi32>], vector<16xf32>,
        %mul3A_330 = arith.constant 512 : i32
        %mul3A_331 = arith.muli %scan3A_154, %mul3A_330 : i32
        %add3A_332 = arith.constant 16 : i32
        %add3A_333 = arith.addi %mul3A_331, %add3A_332 : i32
        %add3A_334 = arith.constant 10 : i32
        %add3A_335 = arith.addi %add3A_333, %add3A_334 : i32
        %add3A_336 = vector.broadcast %add3A_335 : i32 to vector<16xi32>
        %add3A_337 = arith.addi %mul3A_3, %add3A_336 : vector<16xi32>
        tpu.vector_store_idx %arg7[%add3A_337], %get3A_219 : memref<16384xf32, #tpu.memory_space<vmem>>[vector<16xi32>], vector<16xf32>,
        %mul3A_338 = arith.constant 512 : i32
        %mul3A_339 = arith.muli %scan3A_154, %mul3A_338 : i32
        %add3A_340 = arith.constant 16 : i32
        %add3A_341 = arith.addi %mul3A_339, %add3A_340 : i32
        %add3A_342 = arith.constant 11 : i32
        %add3A_343 = arith.addi %add3A_341, %add3A_342 : i32
        %add3A_344 = vector.broadcast %add3A_343 : i32 to vector<16xi32>
        %add3A_345 = arith.addi %mul3A_3, %add3A_344 : vector<16xi32>
        tpu.vector_store_idx %arg7[%add3A_345], %get3A_225 : memref<16384xf32, #tpu.memory_space<vmem>>[vector<16xi32>], vector<16xf32>,
        %mul3A_346 = arith.constant 512 : i32
        %mul3A_347 = arith.muli %scan3A_154, %mul3A_346 : i32
        %add3A_348 = arith.constant 16 : i32
        %add3A_349 = arith.addi %mul3A_347, %add3A_348 : i32
        %add3A_350 = arith.constant 12 : i32
        %add3A_351 = arith.addi %add3A_349, %add3A_350 : i32
        %add3A_352 = vector.broadcast %add3A_351 : i32 to vector<16xi32>
        %add3A_353 = arith.addi %mul3A_3, %add3A_352 : vector<16xi32>
        tpu.vector_store_idx %arg7[%add3A_353], %get3A_231 : memref<16384xf32, #tpu.memory_space<vmem>>[vector<16xi32>], vector<16xf32>,
        %mul3A_354 = arith.constant 512 : i32
        %mul3A_355 = arith.muli %scan3A_154, %mul3A_354 : i32
        %add3A_356 = arith.constant 16 : i32
        %add3A_357 = arith.addi %mul3A_355, %add3A_356 : i32
        %add3A_358 = arith.constant 13 : i32
        %add3A_359 = arith.addi %add3A_357, %add3A_358 : i32
        %add3A_360 = vector.broadcast %add3A_359 : i32 to vector<16xi32>
        %add3A_361 = arith.addi %mul3A_3, %add3A_360 : vector<16xi32>
        tpu.vector_store_idx %arg7[%add3A_361], %get3A_237 : memref<16384xf32, #tpu.memory_space<vmem>>[vector<16xi32>], vector<16xf32>,
        %mul3A_362 = arith.constant 512 : i32
        %mul3A_363 = arith.muli %scan3A_154, %mul3A_362 : i32
        %add3A_364 = arith.constant 16 : i32
        %add3A_365 = arith.addi %mul3A_363, %add3A_364 : i32
        %add3A_366 = arith.constant 14 : i32
        %add3A_367 = arith.addi %add3A_365, %add3A_366 : i32
        %add3A_368 = vector.broadcast %add3A_367 : i32 to vector<16xi32>
        %add3A_369 = arith.addi %mul3A_3, %add3A_368 : vector<16xi32>
        tpu.vector_store_idx %arg7[%add3A_369], %get3A_243 : memref<16384xf32, #tpu.memory_space<vmem>>[vector<16xi32>], vector<16xf32>,
        %mul3A_370 = arith.constant 512 : i32
        %mul3A_371 = arith.muli %scan3A_154, %mul3A_370 : i32
        %add3A_372 = arith.constant 16 : i32
        %add3A_373 = arith.addi %mul3A_371, %add3A_372 : i32
        %add3A_374 = arith.constant 15 : i32
        %add3A_375 = arith.addi %add3A_373, %add3A_374 : i32
        %add3A_376 = vector.broadcast %add3A_375 : i32 to vector<16xi32>
        %add3A_377 = arith.addi %mul3A_3, %add3A_376 : vector<16xi32>
        tpu.vector_store_idx %arg7[%add3A_377], %get3A_249 : memref<16384xf32, #tpu.memory_space<vmem>>[vector<16xi32>], vector<16xf32>,
      }
      %scan3A_94 = arith.constant 32 : i32
      %mul3A_95 = arith.constant 32 : i32
      %mul3A_96 = arith.muli %add3A_60, %mul3A_95 : i32
      %add3A_97 = arith.addi %mul3A_96, %add3A : i32
      %mul3A_98 = arith.constant 512 : i32
      %mul3A_99 = arith.muli %add3A_97, %mul3A_98 : i32
      %multiple_of3A_100 = tpu.assume_multiple %mul3A_99, 512 : i32
      %mul3A_101 = arith.constant 32 : i32
      %mul3A_102 = arith.muli %multiple_of3A_100, %mul3A_101 : i32
      %dma_start3A_103 = tpu.memref_slice %arg4[%mul3A_102] : memref<32000000xf32, #tpu.memory_space<hbm>> -> memref<16384xf32, #tpu.memory_space<hbm>>
      %dma_start3A_104 = tpu.memref_slice %arg4[%mul3A_102] : memref<32000000xf32, #tpu.memory_space<hbm>> -> memref<16384xf32, #tpu.memory_space<hbm>>
      tpu.enqueue_dma source(%arg7 : memref<16384xf32, #tpu.memory_space<vmem>>) target(%dma_start3A_104 : memref<16384xf32, #tpu.memory_space<hbm>>) target_semaphore(%arg13 : memref<!tpu.dma_semaphore, #tpu.memory_space<semaphore_mem>>)
      %mul3A_105 = arith.constant 2 : i32
      %mul3A_106 = arith.muli %mul3A_105, %scan3A_56 : i32
      %add3A_107 = arith.constant 1 : i32
      %add3A_108 = arith.addi %mul3A_106, %add3A_107 : i32
      %dma_wait3A_109 = arith.constant 0 : i32
      %dma_wait3A_110 = arith.constant 0 : i32
      %dma_wait3A_111 = tpu.memref_slice %arg2[%dma_wait3A_109, %dma_wait3A_110] : memref<32x1000000xf32, #tpu.memory_space<hbm>> -> memref<32x512xf32, #tpu.memory_space<hbm>>
      %dma_wait3A_112 = arith.constant 0 : i32
      %dma_wait3A_113 = arith.constant 0 : i32
      %dma_wait3A_114 = tpu.memref_slice %arg2[%dma_wait3A_112, %dma_wait3A_113] : memref<32x1000000xf32, #tpu.memory_space<hbm>> -> memref<32x512xf32, #tpu.memory_space<hbm>>
      tpu.wait_dma2 semaphore(%arg12 : memref<!tpu.dma_semaphore, #tpu.memory_space<semaphore_mem>>) src(%dma_wait3A_114 : memref<32x512xf32, #tpu.memory_space<hbm>>) dst(%arg6 : memref<32x512xf32, #tpu.memory_space<vmem>>)
      %add3A_115 = arith.constant 1 : i32
      %add3A_116 = arith.addi %add3A_108, %add3A_115 : i32
      %mul3A_117 = arith.constant 32 : i32
      %mul3A_118 = arith.muli %add3A_116, %mul3A_117 : i32
      %add3A_119 = arith.addi %mul3A_118, %add3A : i32
      %mul3A_120 = arith.constant 512 : i32
      %mul3A_121 = arith.muli %add3A_119, %mul3A_120 : i32
      %multiple_of3A_122 = tpu.assume_multiple %mul3A_121, 512 : i32
      %dma_start3A_123 = arith.constant 0 : i32
      %dma_start3A_124 = tpu.memref_slice %arg2[%dma_start3A_123, %multiple_of3A_122] : memref<32x1000000xf32, #tpu.memory_space<hbm>> -> memref<32x512xf32, #tpu.memory_space<hbm>>
      %dma_start3A_125 = arith.constant 0 : i32
      %dma_start3A_126 = tpu.memref_slice %arg2[%dma_start3A_125, %multiple_of3A_122] : memref<32x1000000xf32, #tpu.memory_space<hbm>> -> memref<32x512xf32, #tpu.memory_space<hbm>>
      tpu.enqueue_dma source(%dma_start3A_126 : memref<32x512xf32, #tpu.memory_space<hbm>>) target(%arg5 : memref<32x512xf32, #tpu.memory_space<vmem>>) target_semaphore(%arg11 : memref<!tpu.dma_semaphore, #tpu.memory_space<semaphore_mem>>)
      %gt3A_127 = arith.constant 0 : i32
      %gt3A_128 = arith.cmpi sgt, %scan3A_56, %gt3A_127 : i32
      %convert_element_type3A_129 = arith.extui %gt3A_128 : i1 to i32
      %cond3A_130 = arith.constant 0 : i32
      %cond3A_131 = arith.cmpi ne, %convert_element_type3A_129, %cond3A_130 : i32
      scf.if %cond3A_131 {
        %dma_wait3A_154 = arith.constant 0 : i32
        %dma_wait3A_155 = tpu.memref_slice %arg4[%dma_wait3A_154] : memref<32000000xf32, #tpu.memory_space<hbm>> -> memref<16384xf32, #tpu.memory_space<hbm>>
        %dma_wait3A_156 = arith.constant 0 : i32
        %dma_wait3A_157 = tpu.memref_slice %arg4[%dma_wait3A_156] : memref<32000000xf32, #tpu.memory_space<hbm>> -> memref<16384xf32, #tpu.memory_space<hbm>>
        tpu.wait_dma2 semaphore(%arg14 : memref<!tpu.dma_semaphore, #tpu.memory_space<semaphore_mem>>) src(%arg8 : memref<16384xf32, #tpu.memory_space<vmem>>) dst(%dma_wait3A_157 : memref<16384xf32, #tpu.memory_space<hbm>>)
      } else {
      }
      %scan3A_132 = arith.constant 0 : i32
      %scan3A_133 = arith.constant 0 : i32
      %scan3A_134 = arith.constant 32 : i32
      %scan3A_135 = arith.addi %scan3A_133, %scan3A_134 : i32
      %scan3A_136 = arith.constant 1 : i32
      scf.for %scan3A_154 = %scan3A_133 to %scan3A_135 step %scan3A_136  : i32 {
        %mul3A_155 = arith.constant 16 : i32
        %mul3A_156 = arith.muli %scan3A_154, %mul3A_155 : i32
        %get3A = arith.constant 0 : i32
        %get3A_157 = arith.index_cast %get3A : i32 to index
        %get3A_158 = arith.index_cast %mul3A_156 : i32 to index
        %get3A_159 = tpu.vector_load %arg6[%get3A_157, %get3A_158] {strides = array<i32>} : memref<32x512xf32, #tpu.memory_space<vmem>>, vector<16xf32>,
        %mul3A_160 = arith.constant 16 : i32
        %mul3A_161 = arith.muli %scan3A_154, %mul3A_160 : i32
        %get3A_162 = arith.constant 1 : i32
        %get3A_163 = arith.index_cast %get3A_162 : i32 to index
        %get3A_164 = arith.index_cast %mul3A_161 : i32 to index
        %get3A_165 = tpu.vector_load %arg6[%get3A_163, %get3A_164] {strides = array<i32>} : memref<32x512xf32, #tpu.memory_space<vmem>>, vector<16xf32>,
        %mul3A_166 = arith.constant 16 : i32
        %mul3A_167 = arith.muli %scan3A_154, %mul3A_166 : i32
        %get3A_168 = arith.constant 2 : i32
        %get3A_169 = arith.index_cast %get3A_168 : i32 to index
        %get3A_170 = arith.index_cast %mul3A_167 : i32 to index
        %get3A_171 = tpu.vector_load %arg6[%get3A_169, %get3A_170] {strides = array<i32>} : memref<32x512xf32, #tpu.memory_space<vmem>>, vector<16xf32>,
        %mul3A_172 = arith.constant 16 : i32
        %mul3A_173 = arith.muli %scan3A_154, %mul3A_172 : i32
        %get3A_174 = arith.constant 3 : i32
        %get3A_175 = arith.index_cast %get3A_174 : i32 to index
        %get3A_176 = arith.index_cast %mul3A_173 : i32 to index
        %get3A_177 = tpu.vector_load %arg6[%get3A_175, %get3A_176] {strides = array<i32>} : memref<32x512xf32, #tpu.memory_space<vmem>>, vector<16xf32>,
        %mul3A_178 = arith.constant 16 : i32
        %mul3A_179 = arith.muli %scan3A_154, %mul3A_178 : i32
        %get3A_180 = arith.constant 4 : i32
        %get3A_181 = arith.index_cast %get3A_180 : i32 to index
        %get3A_182 = arith.index_cast %mul3A_179 : i32 to index
        %get3A_183 = tpu.vector_load %arg6[%get3A_181, %get3A_182] {strides = array<i32>} : memref<32x512xf32, #tpu.memory_space<vmem>>, vector<16xf32>,
        %mul3A_184 = arith.constant 16 : i32
        %mul3A_185 = arith.muli %scan3A_154, %mul3A_184 : i32
        %get3A_186 = arith.constant 5 : i32
        %get3A_187 = arith.index_cast %get3A_186 : i32 to index
        %get3A_188 = arith.index_cast %mul3A_185 : i32 to index
        %get3A_189 = tpu.vector_load %arg6[%get3A_187, %get3A_188] {strides = array<i32>} : memref<32x512xf32, #tpu.memory_space<vmem>>, vector<16xf32>,
        %mul3A_190 = arith.constant 16 : i32
        %mul3A_191 = arith.muli %scan3A_154, %mul3A_190 : i32
        %get3A_192 = arith.constant 6 : i32
        %get3A_193 = arith.index_cast %get3A_192 : i32 to index
        %get3A_194 = arith.index_cast %mul3A_191 : i32 to index
        %get3A_195 = tpu.vector_load %arg6[%get3A_193, %get3A_194] {strides = array<i32>} : memref<32x512xf32, #tpu.memory_space<vmem>>, vector<16xf32>,
        %mul3A_196 = arith.constant 16 : i32
        %mul3A_197 = arith.muli %scan3A_154, %mul3A_196 : i32
        %get3A_198 = arith.constant 7 : i32
        %get3A_199 = arith.index_cast %get3A_198 : i32 to index
        %get3A_200 = arith.index_cast %mul3A_197 : i32 to index
        %get3A_201 = tpu.vector_load %arg6[%get3A_199, %get3A_200] {strides = array<i32>} : memref<32x512xf32, #tpu.memory_space<vmem>>, vector<16xf32>,
        %mul3A_202 = arith.constant 16 : i32
        %mul3A_203 = arith.muli %scan3A_154, %mul3A_202 : i32
        %get3A_204 = arith.constant 8 : i32
        %get3A_205 = arith.index_cast %get3A_204 : i32 to index
        %get3A_206 = arith.index_cast %mul3A_203 : i32 to index
        %get3A_207 = tpu.vector_load %arg6[%get3A_205, %get3A_206] {strides = array<i32>} : memref<32x512xf32, #tpu.memory_space<vmem>>, vector<16xf32>,
        %mul3A_208 = arith.constant 16 : i32
        %mul3A_209 = arith.muli %scan3A_154, %mul3A_208 : i32
        %get3A_210 = arith.constant 9 : i32
        %get3A_211 = arith.index_cast %get3A_210 : i32 to index
        %get3A_212 = arith.index_cast %mul3A_209 : i32 to index
        %get3A_213 = tpu.vector_load %arg6[%get3A_211, %get3A_212] {strides = array<i32>} : memref<32x512xf32, #tpu.memory_space<vmem>>, vector<16xf32>,
        %mul3A_214 = arith.constant 16 : i32
        %mul3A_215 = arith.muli %scan3A_154, %mul3A_214 : i32
        %get3A_216 = arith.constant 10 : i32
        %get3A_217 = arith.index_cast %get3A_216 : i32 to index
        %get3A_218 = arith.index_cast %mul3A_215 : i32 to index
        %get3A_219 = tpu.vector_load %arg6[%get3A_217, %get3A_218] {strides = array<i32>} : memref<32x512xf32, #tpu.memory_space<vmem>>, vector<16xf32>,
        %mul3A_220 = arith.constant 16 : i32
        %mul3A_221 = arith.muli %scan3A_154, %mul3A_220 : i32
        %get3A_222 = arith.constant 11 : i32
        %get3A_223 = arith.index_cast %get3A_222 : i32 to index
        %get3A_224 = arith.index_cast %mul3A_221 : i32 to index
        %get3A_225 = tpu.vector_load %arg6[%get3A_223, %get3A_224] {strides = array<i32>} : memref<32x512xf32, #tpu.memory_space<vmem>>, vector<16xf32>,
        %mul3A_226 = arith.constant 16 : i32
        %mul3A_227 = arith.muli %scan3A_154, %mul3A_226 : i32
        %get3A_228 = arith.constant 12 : i32
        %get3A_229 = arith.index_cast %get3A_228 : i32 to index
        %get3A_230 = arith.index_cast %mul3A_227 : i32 to index
        %get3A_231 = tpu.vector_load %arg6[%get3A_229, %get3A_230] {strides = array<i32>} : memref<32x512xf32, #tpu.memory_space<vmem>>, vector<16xf32>,
        %mul3A_232 = arith.constant 16 : i32
        %mul3A_233 = arith.muli %scan3A_154, %mul3A_232 : i32
        %get3A_234 = arith.constant 13 : i32
        %get3A_235 = arith.index_cast %get3A_234 : i32 to index
        %get3A_236 = arith.index_cast %mul3A_233 : i32 to index
        %get3A_237 = tpu.vector_load %arg6[%get3A_235, %get3A_236] {strides = array<i32>} : memref<32x512xf32, #tpu.memory_space<vmem>>, vector<16xf32>,
        %mul3A_238 = arith.constant 16 : i32
        %mul3A_239 = arith.muli %scan3A_154, %mul3A_238 : i32
        %get3A_240 = arith.constant 14 : i32
        %get3A_241 = arith.index_cast %get3A_240 : i32 to index
        %get3A_242 = arith.index_cast %mul3A_239 : i32 to index
        %get3A_243 = tpu.vector_load %arg6[%get3A_241, %get3A_242] {strides = array<i32>} : memref<32x512xf32, #tpu.memory_space<vmem>>, vector<16xf32>,
        %mul3A_244 = arith.constant 16 : i32
        %mul3A_245 = arith.muli %scan3A_154, %mul3A_244 : i32
        %get3A_246 = arith.constant 15 : i32
        %get3A_247 = arith.index_cast %get3A_246 : i32 to index
        %get3A_248 = arith.index_cast %mul3A_245 : i32 to index
        %get3A_249 = tpu.vector_load %arg6[%get3A_247, %get3A_248] {strides = array<i32>} : memref<32x512xf32, #tpu.memory_space<vmem>>, vector<16xf32>,
        %mul3A_250 = arith.constant 512 : i32
        %mul3A_251 = arith.muli %scan3A_154, %mul3A_250 : i32
        %add3A_252 = arith.constant 0 : i32
        %add3A_253 = arith.addi %mul3A_251, %add3A_252 : i32
        %add3A_254 = arith.constant 0 : i32
        %add3A_255 = arith.addi %add3A_253, %add3A_254 : i32
        %add3A_256 = vector.broadcast %add3A_255 : i32 to vector<16xi32>
        %add3A_257 = arith.addi %mul3A_3, %add3A_256 : vector<16xi32>
        tpu.vector_store_idx %arg8[%add3A_257], %get3A_159 : memref<16384xf32, #tpu.memory_space<vmem>>[vector<16xi32>], vector<16xf32>,
        %mul3A_258 = arith.constant 512 : i32
        %mul3A_259 = arith.muli %scan3A_154, %mul3A_258 : i32
        %add3A_260 = arith.constant 0 : i32
        %add3A_261 = arith.addi %mul3A_259, %add3A_260 : i32
        %add3A_262 = arith.constant 1 : i32
        %add3A_263 = arith.addi %add3A_261, %add3A_262 : i32
        %add3A_264 = vector.broadcast %add3A_263 : i32 to vector<16xi32>
        %add3A_265 = arith.addi %mul3A_3, %add3A_264 : vector<16xi32>
        tpu.vector_store_idx %arg8[%add3A_265], %get3A_165 : memref<16384xf32, #tpu.memory_space<vmem>>[vector<16xi32>], vector<16xf32>,
        %mul3A_266 = arith.constant 512 : i32
        %mul3A_267 = arith.muli %scan3A_154, %mul3A_266 : i32
        %add3A_268 = arith.constant 0 : i32
        %add3A_269 = arith.addi %mul3A_267, %add3A_268 : i32
        %add3A_270 = arith.constant 2 : i32
        %add3A_271 = arith.addi %add3A_269, %add3A_270 : i32
        %add3A_272 = vector.broadcast %add3A_271 : i32 to vector<16xi32>
        %add3A_273 = arith.addi %mul3A_3, %add3A_272 : vector<16xi32>
        tpu.vector_store_idx %arg8[%add3A_273], %get3A_171 : memref<16384xf32, #tpu.memory_space<vmem>>[vector<16xi32>], vector<16xf32>,
        %mul3A_274 = arith.constant 512 : i32
        %mul3A_275 = arith.muli %scan3A_154, %mul3A_274 : i32
        %add3A_276 = arith.constant 0 : i32
        %add3A_277 = arith.addi %mul3A_275, %add3A_276 : i32
        %add3A_278 = arith.constant 3 : i32
        %add3A_279 = arith.addi %add3A_277, %add3A_278 : i32
        %add3A_280 = vector.broadcast %add3A_279 : i32 to vector<16xi32>
        %add3A_281 = arith.addi %mul3A_3, %add3A_280 : vector<16xi32>
        tpu.vector_store_idx %arg8[%add3A_281], %get3A_177 : memref<16384xf32, #tpu.memory_space<vmem>>[vector<16xi32>], vector<16xf32>,
        %mul3A_282 = arith.constant 512 : i32
        %mul3A_283 = arith.muli %scan3A_154, %mul3A_282 : i32
        %add3A_284 = arith.constant 0 : i32
        %add3A_285 = arith.addi %mul3A_283, %add3A_284 : i32
        %add3A_286 = arith.constant 4 : i32
        %add3A_287 = arith.addi %add3A_285, %add3A_286 : i32
        %add3A_288 = vector.broadcast %add3A_287 : i32 to vector<16xi32>
        %add3A_289 = arith.addi %mul3A_3, %add3A_288 : vector<16xi32>
        tpu.vector_store_idx %arg8[%add3A_289], %get3A_183 : memref<16384xf32, #tpu.memory_space<vmem>>[vector<16xi32>], vector<16xf32>,
        %mul3A_290 = arith.constant 512 : i32
        %mul3A_291 = arith.muli %scan3A_154, %mul3A_290 : i32
        %add3A_292 = arith.constant 0 : i32
        %add3A_293 = arith.addi %mul3A_291, %add3A_292 : i32
        %add3A_294 = arith.constant 5 : i32
        %add3A_295 = arith.addi %add3A_293, %add3A_294 : i32
        %add3A_296 = vector.broadcast %add3A_295 : i32 to vector<16xi32>
        %add3A_297 = arith.addi %mul3A_3, %add3A_296 : vector<16xi32>
        tpu.vector_store_idx %arg8[%add3A_297], %get3A_189 : memref<16384xf32, #tpu.memory_space<vmem>>[vector<16xi32>], vector<16xf32>,
        %mul3A_298 = arith.constant 512 : i32
        %mul3A_299 = arith.muli %scan3A_154, %mul3A_298 : i32
        %add3A_300 = arith.constant 0 : i32
        %add3A_301 = arith.addi %mul3A_299, %add3A_300 : i32
        %add3A_302 = arith.constant 6 : i32
        %add3A_303 = arith.addi %add3A_301, %add3A_302 : i32
        %add3A_304 = vector.broadcast %add3A_303 : i32 to vector<16xi32>
        %add3A_305 = arith.addi %mul3A_3, %add3A_304 : vector<16xi32>
        tpu.vector_store_idx %arg8[%add3A_305], %get3A_195 : memref<16384xf32, #tpu.memory_space<vmem>>[vector<16xi32>], vector<16xf32>,
        %mul3A_306 = arith.constant 512 : i32
        %mul3A_307 = arith.muli %scan3A_154, %mul3A_306 : i32
        %add3A_308 = arith.constant 0 : i32
        %add3A_309 = arith.addi %mul3A_307, %add3A_308 : i32
        %add3A_310 = arith.constant 7 : i32
        %add3A_311 = arith.addi %add3A_309, %add3A_310 : i32
        %add3A_312 = vector.broadcast %add3A_311 : i32 to vector<16xi32>
        %add3A_313 = arith.addi %mul3A_3, %add3A_312 : vector<16xi32>
        tpu.vector_store_idx %arg8[%add3A_313], %get3A_201 : memref<16384xf32, #tpu.memory_space<vmem>>[vector<16xi32>], vector<16xf32>,
        %mul3A_314 = arith.constant 512 : i32
        %mul3A_315 = arith.muli %scan3A_154, %mul3A_314 : i32
        %add3A_316 = arith.constant 0 : i32
        %add3A_317 = arith.addi %mul3A_315, %add3A_316 : i32
        %add3A_318 = arith.constant 8 : i32
        %add3A_319 = arith.addi %add3A_317, %add3A_318 : i32
        %add3A_320 = vector.broadcast %add3A_319 : i32 to vector<16xi32>
        %add3A_321 = arith.addi %mul3A_3, %add3A_320 : vector<16xi32>
        tpu.vector_store_idx %arg8[%add3A_321], %get3A_207 : memref<16384xf32, #tpu.memory_space<vmem>>[vector<16xi32>], vector<16xf32>,
        %mul3A_322 = arith.constant 512 : i32
        %mul3A_323 = arith.muli %scan3A_154, %mul3A_322 : i32
        %add3A_324 = arith.constant 0 : i32
        %add3A_325 = arith.addi %mul3A_323, %add3A_324 : i32
        %add3A_326 = arith.constant 9 : i32
        %add3A_327 = arith.addi %add3A_325, %add3A_326 : i32
        %add3A_328 = vector.broadcast %add3A_327 : i32 to vector<16xi32>
        %add3A_329 = arith.addi %mul3A_3, %add3A_328 : vector<16xi32>
        tpu.vector_store_idx %arg8[%add3A_329], %get3A_213 : memref<16384xf32, #tpu.memory_space<vmem>>[vector<16xi32>], vector<16xf32>,
        %mul3A_330 = arith.constant 512 : i32
        %mul3A_331 = arith.muli %scan3A_154, %mul3A_330 : i32
        %add3A_332 = arith.constant 0 : i32
        %add3A_333 = arith.addi %mul3A_331, %add3A_332 : i32
        %add3A_334 = arith.constant 10 : i32
        %add3A_335 = arith.addi %add3A_333, %add3A_334 : i32
        %add3A_336 = vector.broadcast %add3A_335 : i32 to vector<16xi32>
        %add3A_337 = arith.addi %mul3A_3, %add3A_336 : vector<16xi32>
        tpu.vector_store_idx %arg8[%add3A_337], %get3A_219 : memref<16384xf32, #tpu.memory_space<vmem>>[vector<16xi32>], vector<16xf32>,
        %mul3A_338 = arith.constant 512 : i32
        %mul3A_339 = arith.muli %scan3A_154, %mul3A_338 : i32
        %add3A_340 = arith.constant 0 : i32
        %add3A_341 = arith.addi %mul3A_339, %add3A_340 : i32
        %add3A_342 = arith.constant 11 : i32
        %add3A_343 = arith.addi %add3A_341, %add3A_342 : i32
        %add3A_344 = vector.broadcast %add3A_343 : i32 to vector<16xi32>
        %add3A_345 = arith.addi %mul3A_3, %add3A_344 : vector<16xi32>
        tpu.vector_store_idx %arg8[%add3A_345], %get3A_225 : memref<16384xf32, #tpu.memory_space<vmem>>[vector<16xi32>], vector<16xf32>,
        %mul3A_346 = arith.constant 512 : i32
        %mul3A_347 = arith.muli %scan3A_154, %mul3A_346 : i32
        %add3A_348 = arith.constant 0 : i32
        %add3A_349 = arith.addi %mul3A_347, %add3A_348 : i32
        %add3A_350 = arith.constant 12 : i32
        %add3A_351 = arith.addi %add3A_349, %add3A_350 : i32
        %add3A_352 = vector.broadcast %add3A_351 : i32 to vector<16xi32>
        %add3A_353 = arith.addi %mul3A_3, %add3A_352 : vector<16xi32>
        tpu.vector_store_idx %arg8[%add3A_353], %get3A_231 : memref<16384xf32, #tpu.memory_space<vmem>>[vector<16xi32>], vector<16xf32>,
        %mul3A_354 = arith.constant 512 : i32
        %mul3A_355 = arith.muli %scan3A_154, %mul3A_354 : i32
        %add3A_356 = arith.constant 0 : i32
        %add3A_357 = arith.addi %mul3A_355, %add3A_356 : i32
        %add3A_358 = arith.constant 13 : i32
        %add3A_359 = arith.addi %add3A_357, %add3A_358 : i32
        %add3A_360 = vector.broadcast %add3A_359 : i32 to vector<16xi32>
        %add3A_361 = arith.addi %mul3A_3, %add3A_360 : vector<16xi32>
        tpu.vector_store_idx %arg8[%add3A_361], %get3A_237 : memref<16384xf32, #tpu.memory_space<vmem>>[vector<16xi32>], vector<16xf32>,
        %mul3A_362 = arith.constant 512 : i32
        %mul3A_363 = arith.muli %scan3A_154, %mul3A_362 : i32
        %add3A_364 = arith.constant 0 : i32
        %add3A_365 = arith.addi %mul3A_363, %add3A_364 : i32
        %add3A_366 = arith.constant 14 : i32
        %add3A_367 = arith.addi %add3A_365, %add3A_366 : i32
        %add3A_368 = vector.broadcast %add3A_367 : i32 to vector<16xi32>
        %add3A_369 = arith.addi %mul3A_3, %add3A_368 : vector<16xi32>
        tpu.vector_store_idx %arg8[%add3A_369], %get3A_243 : memref<16384xf32, #tpu.memory_space<vmem>>[vector<16xi32>], vector<16xf32>,
        %mul3A_370 = arith.constant 512 : i32
        %mul3A_371 = arith.muli %scan3A_154, %mul3A_370 : i32
        %add3A_372 = arith.constant 0 : i32
        %add3A_373 = arith.addi %mul3A_371, %add3A_372 : i32
        %add3A_374 = arith.constant 15 : i32
        %add3A_375 = arith.addi %add3A_373, %add3A_374 : i32
        %add3A_376 = vector.broadcast %add3A_375 : i32 to vector<16xi32>
        %add3A_377 = arith.addi %mul3A_3, %add3A_376 : vector<16xi32>
        tpu.vector_store_idx %arg8[%add3A_377], %get3A_249 : memref<16384xf32, #tpu.memory_space<vmem>>[vector<16xi32>], vector<16xf32>,
      }
      %scan3A_137 = arith.constant 32 : i32
      %scan3A_138 = arith.constant 0 : i32
      %scan3A_139 = arith.constant 0 : i32
      %scan3A_140 = arith.constant 32 : i32
      %scan3A_141 = arith.addi %scan3A_139, %scan3A_140 : i32
      %scan3A_142 = arith.constant 1 : i32
      scf.for %scan3A_154 = %scan3A_139 to %scan3A_141 step %scan3A_142  : i32 {
        %mul3A_155 = arith.constant 16 : i32
        %mul3A_156 = arith.muli %scan3A_154, %mul3A_155 : i32
        %get3A = arith.constant 16 : i32
        %get3A_157 = arith.index_cast %get3A : i32 to index
        %get3A_158 = arith.index_cast %mul3A_156 : i32 to index
        %get3A_159 = tpu.vector_load %arg6[%get3A_157, %get3A_158] {strides = array<i32>} : memref<32x512xf32, #tpu.memory_space<vmem>>, vector<16xf32>,
        %mul3A_160 = arith.constant 16 : i32
        %mul3A_161 = arith.muli %scan3A_154, %mul3A_160 : i32
        %get3A_162 = arith.constant 17 : i32
        %get3A_163 = arith.index_cast %get3A_162 : i32 to index
        %get3A_164 = arith.index_cast %mul3A_161 : i32 to index
        %get3A_165 = tpu.vector_load %arg6[%get3A_163, %get3A_164] {strides = array<i32>} : memref<32x512xf32, #tpu.memory_space<vmem>>, vector<16xf32>,
        %mul3A_166 = arith.constant 16 : i32
        %mul3A_167 = arith.muli %scan3A_154, %mul3A_166 : i32
        %get3A_168 = arith.constant 18 : i32
        %get3A_169 = arith.index_cast %get3A_168 : i32 to index
        %get3A_170 = arith.index_cast %mul3A_167 : i32 to index
        %get3A_171 = tpu.vector_load %arg6[%get3A_169, %get3A_170] {strides = array<i32>} : memref<32x512xf32, #tpu.memory_space<vmem>>, vector<16xf32>,
        %mul3A_172 = arith.constant 16 : i32
        %mul3A_173 = arith.muli %scan3A_154, %mul3A_172 : i32
        %get3A_174 = arith.constant 19 : i32
        %get3A_175 = arith.index_cast %get3A_174 : i32 to index
        %get3A_176 = arith.index_cast %mul3A_173 : i32 to index
        %get3A_177 = tpu.vector_load %arg6[%get3A_175, %get3A_176] {strides = array<i32>} : memref<32x512xf32, #tpu.memory_space<vmem>>, vector<16xf32>,
        %mul3A_178 = arith.constant 16 : i32
        %mul3A_179 = arith.muli %scan3A_154, %mul3A_178 : i32
        %get3A_180 = arith.constant 20 : i32
        %get3A_181 = arith.index_cast %get3A_180 : i32 to index
        %get3A_182 = arith.index_cast %mul3A_179 : i32 to index
        %get3A_183 = tpu.vector_load %arg6[%get3A_181, %get3A_182] {strides = array<i32>} : memref<32x512xf32, #tpu.memory_space<vmem>>, vector<16xf32>,
        %mul3A_184 = arith.constant 16 : i32
        %mul3A_185 = arith.muli %scan3A_154, %mul3A_184 : i32
        %get3A_186 = arith.constant 21 : i32
        %get3A_187 = arith.index_cast %get3A_186 : i32 to index
        %get3A_188 = arith.index_cast %mul3A_185 : i32 to index
        %get3A_189 = tpu.vector_load %arg6[%get3A_187, %get3A_188] {strides = array<i32>} : memref<32x512xf32, #tpu.memory_space<vmem>>, vector<16xf32>,
        %mul3A_190 = arith.constant 16 : i32
        %mul3A_191 = arith.muli %scan3A_154, %mul3A_190 : i32
        %get3A_192 = arith.constant 22 : i32
        %get3A_193 = arith.index_cast %get3A_192 : i32 to index
        %get3A_194 = arith.index_cast %mul3A_191 : i32 to index
        %get3A_195 = tpu.vector_load %arg6[%get3A_193, %get3A_194] {strides = array<i32>} : memref<32x512xf32, #tpu.memory_space<vmem>>, vector<16xf32>,
        %mul3A_196 = arith.constant 16 : i32
        %mul3A_197 = arith.muli %scan3A_154, %mul3A_196 : i32
        %get3A_198 = arith.constant 23 : i32
        %get3A_199 = arith.index_cast %get3A_198 : i32 to index
        %get3A_200 = arith.index_cast %mul3A_197 : i32 to index
        %get3A_201 = tpu.vector_load %arg6[%get3A_199, %get3A_200] {strides = array<i32>} : memref<32x512xf32, #tpu.memory_space<vmem>>, vector<16xf32>,
        %mul3A_202 = arith.constant 16 : i32
        %mul3A_203 = arith.muli %scan3A_154, %mul3A_202 : i32
        %get3A_204 = arith.constant 24 : i32
        %get3A_205 = arith.index_cast %get3A_204 : i32 to index
        %get3A_206 = arith.index_cast %mul3A_203 : i32 to index
        %get3A_207 = tpu.vector_load %arg6[%get3A_205, %get3A_206] {strides = array<i32>} : memref<32x512xf32, #tpu.memory_space<vmem>>, vector<16xf32>,
        %mul3A_208 = arith.constant 16 : i32
        %mul3A_209 = arith.muli %scan3A_154, %mul3A_208 : i32
        %get3A_210 = arith.constant 25 : i32
        %get3A_211 = arith.index_cast %get3A_210 : i32 to index
        %get3A_212 = arith.index_cast %mul3A_209 : i32 to index
        %get3A_213 = tpu.vector_load %arg6[%get3A_211, %get3A_212] {strides = array<i32>} : memref<32x512xf32, #tpu.memory_space<vmem>>, vector<16xf32>,
        %mul3A_214 = arith.constant 16 : i32
        %mul3A_215 = arith.muli %scan3A_154, %mul3A_214 : i32
        %get3A_216 = arith.constant 26 : i32
        %get3A_217 = arith.index_cast %get3A_216 : i32 to index
        %get3A_218 = arith.index_cast %mul3A_215 : i32 to index
        %get3A_219 = tpu.vector_load %arg6[%get3A_217, %get3A_218] {strides = array<i32>} : memref<32x512xf32, #tpu.memory_space<vmem>>, vector<16xf32>,
        %mul3A_220 = arith.constant 16 : i32
        %mul3A_221 = arith.muli %scan3A_154, %mul3A_220 : i32
        %get3A_222 = arith.constant 27 : i32
        %get3A_223 = arith.index_cast %get3A_222 : i32 to index
        %get3A_224 = arith.index_cast %mul3A_221 : i32 to index
        %get3A_225 = tpu.vector_load %arg6[%get3A_223, %get3A_224] {strides = array<i32>} : memref<32x512xf32, #tpu.memory_space<vmem>>, vector<16xf32>,
        %mul3A_226 = arith.constant 16 : i32
        %mul3A_227 = arith.muli %scan3A_154, %mul3A_226 : i32
        %get3A_228 = arith.constant 28 : i32
        %get3A_229 = arith.index_cast %get3A_228 : i32 to index
        %get3A_230 = arith.index_cast %mul3A_227 : i32 to index
        %get3A_231 = tpu.vector_load %arg6[%get3A_229, %get3A_230] {strides = array<i32>} : memref<32x512xf32, #tpu.memory_space<vmem>>, vector<16xf32>,
        %mul3A_232 = arith.constant 16 : i32
        %mul3A_233 = arith.muli %scan3A_154, %mul3A_232 : i32
        %get3A_234 = arith.constant 29 : i32
        %get3A_235 = arith.index_cast %get3A_234 : i32 to index
        %get3A_236 = arith.index_cast %mul3A_233 : i32 to index
        %get3A_237 = tpu.vector_load %arg6[%get3A_235, %get3A_236] {strides = array<i32>} : memref<32x512xf32, #tpu.memory_space<vmem>>, vector<16xf32>,
        %mul3A_238 = arith.constant 16 : i32
        %mul3A_239 = arith.muli %scan3A_154, %mul3A_238 : i32
        %get3A_240 = arith.constant 30 : i32
        %get3A_241 = arith.index_cast %get3A_240 : i32 to index
        %get3A_242 = arith.index_cast %mul3A_239 : i32 to index
        %get3A_243 = tpu.vector_load %arg6[%get3A_241, %get3A_242] {strides = array<i32>} : memref<32x512xf32, #tpu.memory_space<vmem>>, vector<16xf32>,
        %mul3A_244 = arith.constant 16 : i32
        %mul3A_245 = arith.muli %scan3A_154, %mul3A_244 : i32
        %get3A_246 = arith.constant 31 : i32
        %get3A_247 = arith.index_cast %get3A_246 : i32 to index
        %get3A_248 = arith.index_cast %mul3A_245 : i32 to index
        %get3A_249 = tpu.vector_load %arg6[%get3A_247, %get3A_248] {strides = array<i32>} : memref<32x512xf32, #tpu.memory_space<vmem>>, vector<16xf32>,
        %mul3A_250 = arith.constant 512 : i32
        %mul3A_251 = arith.muli %scan3A_154, %mul3A_250 : i32
        %add3A_252 = arith.constant 16 : i32
        %add3A_253 = arith.addi %mul3A_251, %add3A_252 : i32
        %add3A_254 = arith.constant 0 : i32
        %add3A_255 = arith.addi %add3A_253, %add3A_254 : i32
        %add3A_256 = vector.broadcast %add3A_255 : i32 to vector<16xi32>
        %add3A_257 = arith.addi %mul3A_3, %add3A_256 : vector<16xi32>
        tpu.vector_store_idx %arg8[%add3A_257], %get3A_159 : memref<16384xf32, #tpu.memory_space<vmem>>[vector<16xi32>], vector<16xf32>,
        %mul3A_258 = arith.constant 512 : i32
        %mul3A_259 = arith.muli %scan3A_154, %mul3A_258 : i32
        %add3A_260 = arith.constant 16 : i32
        %add3A_261 = arith.addi %mul3A_259, %add3A_260 : i32
        %add3A_262 = arith.constant 1 : i32
        %add3A_263 = arith.addi %add3A_261, %add3A_262 : i32
        %add3A_264 = vector.broadcast %add3A_263 : i32 to vector<16xi32>
        %add3A_265 = arith.addi %mul3A_3, %add3A_264 : vector<16xi32>
        tpu.vector_store_idx %arg8[%add3A_265], %get3A_165 : memref<16384xf32, #tpu.memory_space<vmem>>[vector<16xi32>], vector<16xf32>,
        %mul3A_266 = arith.constant 512 : i32
        %mul3A_267 = arith.muli %scan3A_154, %mul3A_266 : i32
        %add3A_268 = arith.constant 16 : i32
        %add3A_269 = arith.addi %mul3A_267, %add3A_268 : i32
        %add3A_270 = arith.constant 2 : i32
        %add3A_271 = arith.addi %add3A_269, %add3A_270 : i32
        %add3A_272 = vector.broadcast %add3A_271 : i32 to vector<16xi32>
        %add3A_273 = arith.addi %mul3A_3, %add3A_272 : vector<16xi32>
        tpu.vector_store_idx %arg8[%add3A_273], %get3A_171 : memref<16384xf32, #tpu.memory_space<vmem>>[vector<16xi32>], vector<16xf32>,
        %mul3A_274 = arith.constant 512 : i32
        %mul3A_275 = arith.muli %scan3A_154, %mul3A_274 : i32
        %add3A_276 = arith.constant 16 : i32
        %add3A_277 = arith.addi %mul3A_275, %add3A_276 : i32
        %add3A_278 = arith.constant 3 : i32
        %add3A_279 = arith.addi %add3A_277, %add3A_278 : i32
        %add3A_280 = vector.broadcast %add3A_279 : i32 to vector<16xi32>
        %add3A_281 = arith.addi %mul3A_3, %add3A_280 : vector<16xi32>
        tpu.vector_store_idx %arg8[%add3A_281], %get3A_177 : memref<16384xf32, #tpu.memory_space<vmem>>[vector<16xi32>], vector<16xf32>,
        %mul3A_282 = arith.constant 512 : i32
        %mul3A_283 = arith.muli %scan3A_154, %mul3A_282 : i32
        %add3A_284 = arith.constant 16 : i32
        %add3A_285 = arith.addi %mul3A_283, %add3A_284 : i32
        %add3A_286 = arith.constant 4 : i32
        %add3A_287 = arith.addi %add3A_285, %add3A_286 : i32
        %add3A_288 = vector.broadcast %add3A_287 : i32 to vector<16xi32>
        %add3A_289 = arith.addi %mul3A_3, %add3A_288 : vector<16xi32>
        tpu.vector_store_idx %arg8[%add3A_289], %get3A_183 : memref<16384xf32, #tpu.memory_space<vmem>>[vector<16xi32>], vector<16xf32>,
        %mul3A_290 = arith.constant 512 : i32
        %mul3A_291 = arith.muli %scan3A_154, %mul3A_290 : i32
        %add3A_292 = arith.constant 16 : i32
        %add3A_293 = arith.addi %mul3A_291, %add3A_292 : i32
        %add3A_294 = arith.constant 5 : i32
        %add3A_295 = arith.addi %add3A_293, %add3A_294 : i32
        %add3A_296 = vector.broadcast %add3A_295 : i32 to vector<16xi32>
        %add3A_297 = arith.addi %mul3A_3, %add3A_296 : vector<16xi32>
        tpu.vector_store_idx %arg8[%add3A_297], %get3A_189 : memref<16384xf32, #tpu.memory_space<vmem>>[vector<16xi32>], vector<16xf32>,
        %mul3A_298 = arith.constant 512 : i32
        %mul3A_299 = arith.muli %scan3A_154, %mul3A_298 : i32
        %add3A_300 = arith.constant 16 : i32
        %add3A_301 = arith.addi %mul3A_299, %add3A_300 : i32
        %add3A_302 = arith.constant 6 : i32
        %add3A_303 = arith.addi %add3A_301, %add3A_302 : i32
        %add3A_304 = vector.broadcast %add3A_303 : i32 to vector<16xi32>
        %add3A_305 = arith.addi %mul3A_3, %add3A_304 : vector<16xi32>
        tpu.vector_store_idx %arg8[%add3A_305], %get3A_195 : memref<16384xf32, #tpu.memory_space<vmem>>[vector<16xi32>], vector<16xf32>,
        %mul3A_306 = arith.constant 512 : i32
        %mul3A_307 = arith.muli %scan3A_154, %mul3A_306 : i32
        %add3A_308 = arith.constant 16 : i32
        %add3A_309 = arith.addi %mul3A_307, %add3A_308 : i32
        %add3A_310 = arith.constant 7 : i32
        %add3A_311 = arith.addi %add3A_309, %add3A_310 : i32
        %add3A_312 = vector.broadcast %add3A_311 : i32 to vector<16xi32>
        %add3A_313 = arith.addi %mul3A_3, %add3A_312 : vector<16xi32>
        tpu.vector_store_idx %arg8[%add3A_313], %get3A_201 : memref<16384xf32, #tpu.memory_space<vmem>>[vector<16xi32>], vector<16xf32>,
        %mul3A_314 = arith.constant 512 : i32
        %mul3A_315 = arith.muli %scan3A_154, %mul3A_314 : i32
        %add3A_316 = arith.constant 16 : i32
        %add3A_317 = arith.addi %mul3A_315, %add3A_316 : i32
        %add3A_318 = arith.constant 8 : i32
        %add3A_319 = arith.addi %add3A_317, %add3A_318 : i32
        %add3A_320 = vector.broadcast %add3A_319 : i32 to vector<16xi32>
        %add3A_321 = arith.addi %mul3A_3, %add3A_320 : vector<16xi32>
        tpu.vector_store_idx %arg8[%add3A_321], %get3A_207 : memref<16384xf32, #tpu.memory_space<vmem>>[vector<16xi32>], vector<16xf32>,
        %mul3A_322 = arith.constant 512 : i32
        %mul3A_323 = arith.muli %scan3A_154, %mul3A_322 : i32
        %add3A_324 = arith.constant 16 : i32
        %add3A_325 = arith.addi %mul3A_323, %add3A_324 : i32
        %add3A_326 = arith.constant 9 : i32
        %add3A_327 = arith.addi %add3A_325, %add3A_326 : i32
        %add3A_328 = vector.broadcast %add3A_327 : i32 to vector<16xi32>
        %add3A_329 = arith.addi %mul3A_3, %add3A_328 : vector<16xi32>
        tpu.vector_store_idx %arg8[%add3A_329], %get3A_213 : memref<16384xf32, #tpu.memory_space<vmem>>[vector<16xi32>], vector<16xf32>,
        %mul3A_330 = arith.constant 512 : i32
        %mul3A_331 = arith.muli %scan3A_154, %mul3A_330 : i32
        %add3A_332 = arith.constant 16 : i32
        %add3A_333 = arith.addi %mul3A_331, %add3A_332 : i32
        %add3A_334 = arith.constant 10 : i32
        %add3A_335 = arith.addi %add3A_333, %add3A_334 : i32
        %add3A_336 = vector.broadcast %add3A_335 : i32 to vector<16xi32>
        %add3A_337 = arith.addi %mul3A_3, %add3A_336 : vector<16xi32>
        tpu.vector_store_idx %arg8[%add3A_337], %get3A_219 : memref<16384xf32, #tpu.memory_space<vmem>>[vector<16xi32>], vector<16xf32>,
        %mul3A_338 = arith.constant 512 : i32
        %mul3A_339 = arith.muli %scan3A_154, %mul3A_338 : i32
        %add3A_340 = arith.constant 16 : i32
        %add3A_341 = arith.addi %mul3A_339, %add3A_340 : i32
        %add3A_342 = arith.constant 11 : i32
        %add3A_343 = arith.addi %add3A_341, %add3A_342 : i32
        %add3A_344 = vector.broadcast %add3A_343 : i32 to vector<16xi32>
        %add3A_345 = arith.addi %mul3A_3, %add3A_344 : vector<16xi32>
        tpu.vector_store_idx %arg8[%add3A_345], %get3A_225 : memref<16384xf32, #tpu.memory_space<vmem>>[vector<16xi32>], vector<16xf32>,
        %mul3A_346 = arith.constant 512 : i32
        %mul3A_347 = arith.muli %scan3A_154, %mul3A_346 : i32
        %add3A_348 = arith.constant 16 : i32
        %add3A_349 = arith.addi %mul3A_347, %add3A_348 : i32
        %add3A_350 = arith.constant 12 : i32
        %add3A_351 = arith.addi %add3A_349, %add3A_350 : i32
        %add3A_352 = vector.broadcast %add3A_351 : i32 to vector<16xi32>
        %add3A_353 = arith.addi %mul3A_3, %add3A_352 : vector<16xi32>
        tpu.vector_store_idx %arg8[%add3A_353], %get3A_231 : memref<16384xf32, #tpu.memory_space<vmem>>[vector<16xi32>], vector<16xf32>,
        %mul3A_354 = arith.constant 512 : i32
        %mul3A_355 = arith.muli %scan3A_154, %mul3A_354 : i32
        %add3A_356 = arith.constant 16 : i32
        %add3A_357 = arith.addi %mul3A_355, %add3A_356 : i32
        %add3A_358 = arith.constant 13 : i32
        %add3A_359 = arith.addi %add3A_357, %add3A_358 : i32
        %add3A_360 = vector.broadcast %add3A_359 : i32 to vector<16xi32>
        %add3A_361 = arith.addi %mul3A_3, %add3A_360 : vector<16xi32>
        tpu.vector_store_idx %arg8[%add3A_361], %get3A_237 : memref<16384xf32, #tpu.memory_space<vmem>>[vector<16xi32>], vector<16xf32>,
        %mul3A_362 = arith.constant 512 : i32
        %mul3A_363 = arith.muli %scan3A_154, %mul3A_362 : i32
        %add3A_364 = arith.constant 16 : i32
        %add3A_365 = arith.addi %mul3A_363, %add3A_364 : i32
        %add3A_366 = arith.constant 14 : i32
        %add3A_367 = arith.addi %add3A_365, %add3A_366 : i32
        %add3A_368 = vector.broadcast %add3A_367 : i32 to vector<16xi32>
        %add3A_369 = arith.addi %mul3A_3, %add3A_368 : vector<16xi32>
        tpu.vector_store_idx %arg8[%add3A_369], %get3A_243 : memref<16384xf32, #tpu.memory_space<vmem>>[vector<16xi32>], vector<16xf32>,
        %mul3A_370 = arith.constant 512 : i32
        %mul3A_371 = arith.muli %scan3A_154, %mul3A_370 : i32
        %add3A_372 = arith.constant 16 : i32
        %add3A_373 = arith.addi %mul3A_371, %add3A_372 : i32
        %add3A_374 = arith.constant 15 : i32
        %add3A_375 = arith.addi %add3A_373, %add3A_374 : i32
        %add3A_376 = vector.broadcast %add3A_375 : i32 to vector<16xi32>
        %add3A_377 = arith.addi %mul3A_3, %add3A_376 : vector<16xi32>
        tpu.vector_store_idx %arg8[%add3A_377], %get3A_249 : memref<16384xf32, #tpu.memory_space<vmem>>[vector<16xi32>], vector<16xf32>,
      }
      %scan3A_143 = arith.constant 32 : i32
      %mul3A_144 = arith.constant 32 : i32
      %mul3A_145 = arith.muli %add3A_108, %mul3A_144 : i32
      %add3A_146 = arith.addi %mul3A_145, %add3A : i32
      %mul3A_147 = arith.constant 512 : i32
      %mul3A_148 = arith.muli %add3A_146, %mul3A_147 : i32
      %multiple_of3A_149 = tpu.assume_multiple %mul3A_148, 512 : i32
      %mul3A_150 = arith.constant 32 : i32
      %mul3A_151 = arith.muli %multiple_of3A_149, %mul3A_150 : i32
      %dma_start3A_152 = tpu.memref_slice %arg4[%mul3A_151] : memref<32000000xf32, #tpu.memory_space<hbm>> -> memref<16384xf32, #tpu.memory_space<hbm>>
      %dma_start3A_153 = tpu.memref_slice %arg4[%mul3A_151] : memref<32000000xf32, #tpu.memory_space<hbm>> -> memref<16384xf32, #tpu.memory_space<hbm>>
      tpu.enqueue_dma source(%arg8 : memref<16384xf32, #tpu.memory_space<vmem>>) target(%dma_start3A_153 : memref<16384xf32, #tpu.memory_space<hbm>>) target_semaphore(%arg14 : memref<!tpu.dma_semaphore, #tpu.memory_space<semaphore_mem>>)
    }
    %scan3A_15 = arith.constant 30 : i32
    %dma_wait3A = arith.constant 0 : i32
    %dma_wait3A_16 = arith.constant 0 : i32
    %dma_wait3A_17 = tpu.memref_slice %arg2[%dma_wait3A, %dma_wait3A_16] : memref<32x1000000xf32, #tpu.memory_space<hbm>> -> memref<32x512xf32, #tpu.memory_space<hbm>>
    %dma_wait3A_18 = arith.constant 0 : i32
    %dma_wait3A_19 = arith.constant 0 : i32
    %dma_wait3A_20 = tpu.memref_slice %arg2[%dma_wait3A_18, %dma_wait3A_19] : memref<32x1000000xf32, #tpu.memory_space<hbm>> -> memref<32x512xf32, #tpu.memory_space<hbm>>
    tpu.wait_dma2 semaphore(%arg11 : memref<!tpu.dma_semaphore, #tpu.memory_space<semaphore_mem>>) src(%dma_wait3A_20 : memref<32x512xf32, #tpu.memory_space<hbm>>) dst(%arg5 : memref<32x512xf32, #tpu.memory_space<vmem>>)
    %dma_wait3A_21 = arith.constant 0 : i32
    %dma_wait3A_22 = tpu.memref_slice %arg4[%dma_wait3A_21] : memref<32000000xf32, #tpu.memory_space<hbm>> -> memref<16384xf32, #tpu.memory_space<hbm>>
    %dma_wait3A_23 = arith.constant 0 : i32
    %dma_wait3A_24 = tpu.memref_slice %arg4[%dma_wait3A_23] : memref<32000000xf32, #tpu.memory_space<hbm>> -> memref<16384xf32, #tpu.memory_space<hbm>>
    tpu.wait_dma2 semaphore(%arg13 : memref<!tpu.dma_semaphore, #tpu.memory_space<semaphore_mem>>) src(%arg7 : memref<16384xf32, #tpu.memory_space<vmem>>) dst(%dma_wait3A_24 : memref<16384xf32, #tpu.memory_space<hbm>>)
    %scan3A_25 = arith.constant 0 : i32
    %scan3A_26 = arith.constant 0 : i32
    %scan3A_27 = arith.constant 32 : i32
    %scan3A_28 = arith.addi %scan3A_26, %scan3A_27 : i32
    %scan3A_29 = arith.constant 1 : i32
    scf.for %scan3A_56 = %scan3A_26 to %scan3A_28 step %scan3A_29  : i32 {
      %mul3A_57 = arith.constant 16 : i32
      %mul3A_58 = arith.muli %scan3A_56, %mul3A_57 : i32
      %get3A = arith.constant 0 : i32
      %get3A_59 = arith.index_cast %get3A : i32 to index
      %get3A_60 = arith.index_cast %mul3A_58 : i32 to index
      %get3A_61 = tpu.vector_load %arg5[%get3A_59, %get3A_60] {strides = array<i32>} : memref<32x512xf32, #tpu.memory_space<vmem>>, vector<16xf32>,
      %mul3A_62 = arith.constant 16 : i32
      %mul3A_63 = arith.muli %scan3A_56, %mul3A_62 : i32
      %get3A_64 = arith.constant 1 : i32
      %get3A_65 = arith.index_cast %get3A_64 : i32 to index
      %get3A_66 = arith.index_cast %mul3A_63 : i32 to index
      %get3A_67 = tpu.vector_load %arg5[%get3A_65, %get3A_66] {strides = array<i32>} : memref<32x512xf32, #tpu.memory_space<vmem>>, vector<16xf32>,
      %mul3A_68 = arith.constant 16 : i32
      %mul3A_69 = arith.muli %scan3A_56, %mul3A_68 : i32
      %get3A_70 = arith.constant 2 : i32
      %get3A_71 = arith.index_cast %get3A_70 : i32 to index
      %get3A_72 = arith.index_cast %mul3A_69 : i32 to index
      %get3A_73 = tpu.vector_load %arg5[%get3A_71, %get3A_72] {strides = array<i32>} : memref<32x512xf32, #tpu.memory_space<vmem>>, vector<16xf32>,
      %mul3A_74 = arith.constant 16 : i32
      %mul3A_75 = arith.muli %scan3A_56, %mul3A_74 : i32
      %get3A_76 = arith.constant 3 : i32
      %get3A_77 = arith.index_cast %get3A_76 : i32 to index
      %get3A_78 = arith.index_cast %mul3A_75 : i32 to index
      %get3A_79 = tpu.vector_load %arg5[%get3A_77, %get3A_78] {strides = array<i32>} : memref<32x512xf32, #tpu.memory_space<vmem>>, vector<16xf32>,
      %mul3A_80 = arith.constant 16 : i32
      %mul3A_81 = arith.muli %scan3A_56, %mul3A_80 : i32
      %get3A_82 = arith.constant 4 : i32
      %get3A_83 = arith.index_cast %get3A_82 : i32 to index
      %get3A_84 = arith.index_cast %mul3A_81 : i32 to index
      %get3A_85 = tpu.vector_load %arg5[%get3A_83, %get3A_84] {strides = array<i32>} : memref<32x512xf32, #tpu.memory_space<vmem>>, vector<16xf32>,
      %mul3A_86 = arith.constant 16 : i32
      %mul3A_87 = arith.muli %scan3A_56, %mul3A_86 : i32
      %get3A_88 = arith.constant 5 : i32
      %get3A_89 = arith.index_cast %get3A_88 : i32 to index
      %get3A_90 = arith.index_cast %mul3A_87 : i32 to index
      %get3A_91 = tpu.vector_load %arg5[%get3A_89, %get3A_90] {strides = array<i32>} : memref<32x512xf32, #tpu.memory_space<vmem>>, vector<16xf32>,
      %mul3A_92 = arith.constant 16 : i32
      %mul3A_93 = arith.muli %scan3A_56, %mul3A_92 : i32
      %get3A_94 = arith.constant 6 : i32
      %get3A_95 = arith.index_cast %get3A_94 : i32 to index
      %get3A_96 = arith.index_cast %mul3A_93 : i32 to index
      %get3A_97 = tpu.vector_load %arg5[%get3A_95, %get3A_96] {strides = array<i32>} : memref<32x512xf32, #tpu.memory_space<vmem>>, vector<16xf32>,
      %mul3A_98 = arith.constant 16 : i32
      %mul3A_99 = arith.muli %scan3A_56, %mul3A_98 : i32
      %get3A_100 = arith.constant 7 : i32
      %get3A_101 = arith.index_cast %get3A_100 : i32 to index
      %get3A_102 = arith.index_cast %mul3A_99 : i32 to index
      %get3A_103 = tpu.vector_load %arg5[%get3A_101, %get3A_102] {strides = array<i32>} : memref<32x512xf32, #tpu.memory_space<vmem>>, vector<16xf32>,
      %mul3A_104 = arith.constant 16 : i32
      %mul3A_105 = arith.muli %scan3A_56, %mul3A_104 : i32
      %get3A_106 = arith.constant 8 : i32
      %get3A_107 = arith.index_cast %get3A_106 : i32 to index
      %get3A_108 = arith.index_cast %mul3A_105 : i32 to index
      %get3A_109 = tpu.vector_load %arg5[%get3A_107, %get3A_108] {strides = array<i32>} : memref<32x512xf32, #tpu.memory_space<vmem>>, vector<16xf32>,
      %mul3A_110 = arith.constant 16 : i32
      %mul3A_111 = arith.muli %scan3A_56, %mul3A_110 : i32
      %get3A_112 = arith.constant 9 : i32
      %get3A_113 = arith.index_cast %get3A_112 : i32 to index
      %get3A_114 = arith.index_cast %mul3A_111 : i32 to index
      %get3A_115 = tpu.vector_load %arg5[%get3A_113, %get3A_114] {strides = array<i32>} : memref<32x512xf32, #tpu.memory_space<vmem>>, vector<16xf32>,
      %mul3A_116 = arith.constant 16 : i32
      %mul3A_117 = arith.muli %scan3A_56, %mul3A_116 : i32
      %get3A_118 = arith.constant 10 : i32
      %get3A_119 = arith.index_cast %get3A_118 : i32 to index
      %get3A_120 = arith.index_cast %mul3A_117 : i32 to index
      %get3A_121 = tpu.vector_load %arg5[%get3A_119, %get3A_120] {strides = array<i32>} : memref<32x512xf32, #tpu.memory_space<vmem>>, vector<16xf32>,
      %mul3A_122 = arith.constant 16 : i32
      %mul3A_123 = arith.muli %scan3A_56, %mul3A_122 : i32
      %get3A_124 = arith.constant 11 : i32
      %get3A_125 = arith.index_cast %get3A_124 : i32 to index
      %get3A_126 = arith.index_cast %mul3A_123 : i32 to index
      %get3A_127 = tpu.vector_load %arg5[%get3A_125, %get3A_126] {strides = array<i32>} : memref<32x512xf32, #tpu.memory_space<vmem>>, vector<16xf32>,
      %mul3A_128 = arith.constant 16 : i32
      %mul3A_129 = arith.muli %scan3A_56, %mul3A_128 : i32
      %get3A_130 = arith.constant 12 : i32
      %get3A_131 = arith.index_cast %get3A_130 : i32 to index
      %get3A_132 = arith.index_cast %mul3A_129 : i32 to index
      %get3A_133 = tpu.vector_load %arg5[%get3A_131, %get3A_132] {strides = array<i32>} : memref<32x512xf32, #tpu.memory_space<vmem>>, vector<16xf32>,
      %mul3A_134 = arith.constant 16 : i32
      %mul3A_135 = arith.muli %scan3A_56, %mul3A_134 : i32
      %get3A_136 = arith.constant 13 : i32
      %get3A_137 = arith.index_cast %get3A_136 : i32 to index
      %get3A_138 = arith.index_cast %mul3A_135 : i32 to index
      %get3A_139 = tpu.vector_load %arg5[%get3A_137, %get3A_138] {strides = array<i32>} : memref<32x512xf32, #tpu.memory_space<vmem>>, vector<16xf32>,
      %mul3A_140 = arith.constant 16 : i32
      %mul3A_141 = arith.muli %scan3A_56, %mul3A_140 : i32
      %get3A_142 = arith.constant 14 : i32
      %get3A_143 = arith.index_cast %get3A_142 : i32 to index
      %get3A_144 = arith.index_cast %mul3A_141 : i32 to index
      %get3A_145 = tpu.vector_load %arg5[%get3A_143, %get3A_144] {strides = array<i32>} : memref<32x512xf32, #tpu.memory_space<vmem>>, vector<16xf32>,
      %mul3A_146 = arith.constant 16 : i32
      %mul3A_147 = arith.muli %scan3A_56, %mul3A_146 : i32
      %get3A_148 = arith.constant 15 : i32
      %get3A_149 = arith.index_cast %get3A_148 : i32 to index
      %get3A_150 = arith.index_cast %mul3A_147 : i32 to index
      %get3A_151 = tpu.vector_load %arg5[%get3A_149, %get3A_150] {strides = array<i32>} : memref<32x512xf32, #tpu.memory_space<vmem>>, vector<16xf32>,
      %mul3A_152 = arith.constant 512 : i32
      %mul3A_153 = arith.muli %scan3A_56, %mul3A_152 : i32
      %add3A_154 = arith.constant 0 : i32
      %add3A_155 = arith.addi %mul3A_153, %add3A_154 : i32
      %add3A_156 = arith.constant 0 : i32
      %add3A_157 = arith.addi %add3A_155, %add3A_156 : i32
      %add3A_158 = vector.broadcast %add3A_157 : i32 to vector<16xi32>
      %add3A_159 = arith.addi %mul3A_3, %add3A_158 : vector<16xi32>
      tpu.vector_store_idx %arg7[%add3A_159], %get3A_61 : memref<16384xf32, #tpu.memory_space<vmem>>[vector<16xi32>], vector<16xf32>,
      %mul3A_160 = arith.constant 512 : i32
      %mul3A_161 = arith.muli %scan3A_56, %mul3A_160 : i32
      %add3A_162 = arith.constant 0 : i32
      %add3A_163 = arith.addi %mul3A_161, %add3A_162 : i32
      %add3A_164 = arith.constant 1 : i32
      %add3A_165 = arith.addi %add3A_163, %add3A_164 : i32
      %add3A_166 = vector.broadcast %add3A_165 : i32 to vector<16xi32>
      %add3A_167 = arith.addi %mul3A_3, %add3A_166 : vector<16xi32>
      tpu.vector_store_idx %arg7[%add3A_167], %get3A_67 : memref<16384xf32, #tpu.memory_space<vmem>>[vector<16xi32>], vector<16xf32>,
      %mul3A_168 = arith.constant 512 : i32
      %mul3A_169 = arith.muli %scan3A_56, %mul3A_168 : i32
      %add3A_170 = arith.constant 0 : i32
      %add3A_171 = arith.addi %mul3A_169, %add3A_170 : i32
      %add3A_172 = arith.constant 2 : i32
      %add3A_173 = arith.addi %add3A_171, %add3A_172 : i32
      %add3A_174 = vector.broadcast %add3A_173 : i32 to vector<16xi32>
      %add3A_175 = arith.addi %mul3A_3, %add3A_174 : vector<16xi32>
      tpu.vector_store_idx %arg7[%add3A_175], %get3A_73 : memref<16384xf32, #tpu.memory_space<vmem>>[vector<16xi32>], vector<16xf32>,
      %mul3A_176 = arith.constant 512 : i32
      %mul3A_177 = arith.muli %scan3A_56, %mul3A_176 : i32
      %add3A_178 = arith.constant 0 : i32
      %add3A_179 = arith.addi %mul3A_177, %add3A_178 : i32
      %add3A_180 = arith.constant 3 : i32
      %add3A_181 = arith.addi %add3A_179, %add3A_180 : i32
      %add3A_182 = vector.broadcast %add3A_181 : i32 to vector<16xi32>
      %add3A_183 = arith.addi %mul3A_3, %add3A_182 : vector<16xi32>
      tpu.vector_store_idx %arg7[%add3A_183], %get3A_79 : memref<16384xf32, #tpu.memory_space<vmem>>[vector<16xi32>], vector<16xf32>,
      %mul3A_184 = arith.constant 512 : i32
      %mul3A_185 = arith.muli %scan3A_56, %mul3A_184 : i32
      %add3A_186 = arith.constant 0 : i32
      %add3A_187 = arith.addi %mul3A_185, %add3A_186 : i32
      %add3A_188 = arith.constant 4 : i32
      %add3A_189 = arith.addi %add3A_187, %add3A_188 : i32
      %add3A_190 = vector.broadcast %add3A_189 : i32 to vector<16xi32>
      %add3A_191 = arith.addi %mul3A_3, %add3A_190 : vector<16xi32>
      tpu.vector_store_idx %arg7[%add3A_191], %get3A_85 : memref<16384xf32, #tpu.memory_space<vmem>>[vector<16xi32>], vector<16xf32>,
      %mul3A_192 = arith.constant 512 : i32
      %mul3A_193 = arith.muli %scan3A_56, %mul3A_192 : i32
      %add3A_194 = arith.constant 0 : i32
      %add3A_195 = arith.addi %mul3A_193, %add3A_194 : i32
      %add3A_196 = arith.constant 5 : i32
      %add3A_197 = arith.addi %add3A_195, %add3A_196 : i32
      %add3A_198 = vector.broadcast %add3A_197 : i32 to vector<16xi32>
      %add3A_199 = arith.addi %mul3A_3, %add3A_198 : vector<16xi32>
      tpu.vector_store_idx %arg7[%add3A_199], %get3A_91 : memref<16384xf32, #tpu.memory_space<vmem>>[vector<16xi32>], vector<16xf32>,
      %mul3A_200 = arith.constant 512 : i32
      %mul3A_201 = arith.muli %scan3A_56, %mul3A_200 : i32
      %add3A_202 = arith.constant 0 : i32
      %add3A_203 = arith.addi %mul3A_201, %add3A_202 : i32
      %add3A_204 = arith.constant 6 : i32
      %add3A_205 = arith.addi %add3A_203, %add3A_204 : i32
      %add3A_206 = vector.broadcast %add3A_205 : i32 to vector<16xi32>
      %add3A_207 = arith.addi %mul3A_3, %add3A_206 : vector<16xi32>
      tpu.vector_store_idx %arg7[%add3A_207], %get3A_97 : memref<16384xf32, #tpu.memory_space<vmem>>[vector<16xi32>], vector<16xf32>,
      %mul3A_208 = arith.constant 512 : i32
      %mul3A_209 = arith.muli %scan3A_56, %mul3A_208 : i32
      %add3A_210 = arith.constant 0 : i32
      %add3A_211 = arith.addi %mul3A_209, %add3A_210 : i32
      %add3A_212 = arith.constant 7 : i32
      %add3A_213 = arith.addi %add3A_211, %add3A_212 : i32
      %add3A_214 = vector.broadcast %add3A_213 : i32 to vector<16xi32>
      %add3A_215 = arith.addi %mul3A_3, %add3A_214 : vector<16xi32>
      tpu.vector_store_idx %arg7[%add3A_215], %get3A_103 : memref<16384xf32, #tpu.memory_space<vmem>>[vector<16xi32>], vector<16xf32>,
      %mul3A_216 = arith.constant 512 : i32
      %mul3A_217 = arith.muli %scan3A_56, %mul3A_216 : i32
      %add3A_218 = arith.constant 0 : i32
      %add3A_219 = arith.addi %mul3A_217, %add3A_218 : i32
      %add3A_220 = arith.constant 8 : i32
      %add3A_221 = arith.addi %add3A_219, %add3A_220 : i32
      %add3A_222 = vector.broadcast %add3A_221 : i32 to vector<16xi32>
      %add3A_223 = arith.addi %mul3A_3, %add3A_222 : vector<16xi32>
      tpu.vector_store_idx %arg7[%add3A_223], %get3A_109 : memref<16384xf32, #tpu.memory_space<vmem>>[vector<16xi32>], vector<16xf32>,
      %mul3A_224 = arith.constant 512 : i32
      %mul3A_225 = arith.muli %scan3A_56, %mul3A_224 : i32
      %add3A_226 = arith.constant 0 : i32
      %add3A_227 = arith.addi %mul3A_225, %add3A_226 : i32
      %add3A_228 = arith.constant 9 : i32
      %add3A_229 = arith.addi %add3A_227, %add3A_228 : i32
      %add3A_230 = vector.broadcast %add3A_229 : i32 to vector<16xi32>
      %add3A_231 = arith.addi %mul3A_3, %add3A_230 : vector<16xi32>
      tpu.vector_store_idx %arg7[%add3A_231], %get3A_115 : memref<16384xf32, #tpu.memory_space<vmem>>[vector<16xi32>], vector<16xf32>,
      %mul3A_232 = arith.constant 512 : i32
      %mul3A_233 = arith.muli %scan3A_56, %mul3A_232 : i32
      %add3A_234 = arith.constant 0 : i32
      %add3A_235 = arith.addi %mul3A_233, %add3A_234 : i32
      %add3A_236 = arith.constant 10 : i32
      %add3A_237 = arith.addi %add3A_235, %add3A_236 : i32
      %add3A_238 = vector.broadcast %add3A_237 : i32 to vector<16xi32>
      %add3A_239 = arith.addi %mul3A_3, %add3A_238 : vector<16xi32>
      tpu.vector_store_idx %arg7[%add3A_239], %get3A_121 : memref<16384xf32, #tpu.memory_space<vmem>>[vector<16xi32>], vector<16xf32>,
      %mul3A_240 = arith.constant 512 : i32
      %mul3A_241 = arith.muli %scan3A_56, %mul3A_240 : i32
      %add3A_242 = arith.constant 0 : i32
      %add3A_243 = arith.addi %mul3A_241, %add3A_242 : i32
      %add3A_244 = arith.constant 11 : i32
      %add3A_245 = arith.addi %add3A_243, %add3A_244 : i32
      %add3A_246 = vector.broadcast %add3A_245 : i32 to vector<16xi32>
      %add3A_247 = arith.addi %mul3A_3, %add3A_246 : vector<16xi32>
      tpu.vector_store_idx %arg7[%add3A_247], %get3A_127 : memref<16384xf32, #tpu.memory_space<vmem>>[vector<16xi32>], vector<16xf32>,
      %mul3A_248 = arith.constant 512 : i32
      %mul3A_249 = arith.muli %scan3A_56, %mul3A_248 : i32
      %add3A_250 = arith.constant 0 : i32
      %add3A_251 = arith.addi %mul3A_249, %add3A_250 : i32
      %add3A_252 = arith.constant 12 : i32
      %add3A_253 = arith.addi %add3A_251, %add3A_252 : i32
      %add3A_254 = vector.broadcast %add3A_253 : i32 to vector<16xi32>
      %add3A_255 = arith.addi %mul3A_3, %add3A_254 : vector<16xi32>
      tpu.vector_store_idx %arg7[%add3A_255], %get3A_133 : memref<16384xf32, #tpu.memory_space<vmem>>[vector<16xi32>], vector<16xf32>,
      %mul3A_256 = arith.constant 512 : i32
      %mul3A_257 = arith.muli %scan3A_56, %mul3A_256 : i32
      %add3A_258 = arith.constant 0 : i32
      %add3A_259 = arith.addi %mul3A_257, %add3A_258 : i32
      %add3A_260 = arith.constant 13 : i32
      %add3A_261 = arith.addi %add3A_259, %add3A_260 : i32
      %add3A_262 = vector.broadcast %add3A_261 : i32 to vector<16xi32>
      %add3A_263 = arith.addi %mul3A_3, %add3A_262 : vector<16xi32>
      tpu.vector_store_idx %arg7[%add3A_263], %get3A_139 : memref<16384xf32, #tpu.memory_space<vmem>>[vector<16xi32>], vector<16xf32>,
      %mul3A_264 = arith.constant 512 : i32
      %mul3A_265 = arith.muli %scan3A_56, %mul3A_264 : i32
      %add3A_266 = arith.constant 0 : i32
      %add3A_267 = arith.addi %mul3A_265, %add3A_266 : i32
      %add3A_268 = arith.constant 14 : i32
      %add3A_269 = arith.addi %add3A_267, %add3A_268 : i32
      %add3A_270 = vector.broadcast %add3A_269 : i32 to vector<16xi32>
      %add3A_271 = arith.addi %mul3A_3, %add3A_270 : vector<16xi32>
      tpu.vector_store_idx %arg7[%add3A_271], %get3A_145 : memref<16384xf32, #tpu.memory_space<vmem>>[vector<16xi32>], vector<16xf32>,
      %mul3A_272 = arith.constant 512 : i32
      %mul3A_273 = arith.muli %scan3A_56, %mul3A_272 : i32
      %add3A_274 = arith.constant 0 : i32
      %add3A_275 = arith.addi %mul3A_273, %add3A_274 : i32
      %add3A_276 = arith.constant 15 : i32
      %add3A_277 = arith.addi %add3A_275, %add3A_276 : i32
      %add3A_278 = vector.broadcast %add3A_277 : i32 to vector<16xi32>
      %add3A_279 = arith.addi %mul3A_3, %add3A_278 : vector<16xi32>
      tpu.vector_store_idx %arg7[%add3A_279], %get3A_151 : memref<16384xf32, #tpu.memory_space<vmem>>[vector<16xi32>], vector<16xf32>,
    }
    %scan3A_30 = arith.constant 32 : i32
    %scan3A_31 = arith.constant 0 : i32
    %scan3A_32 = arith.constant 0 : i32
    %scan3A_33 = arith.constant 32 : i32
    %scan3A_34 = arith.addi %scan3A_32, %scan3A_33 : i32
    %scan3A_35 = arith.constant 1 : i32
    scf.for %scan3A_56 = %scan3A_32 to %scan3A_34 step %scan3A_35  : i32 {
      %mul3A_57 = arith.constant 16 : i32
      %mul3A_58 = arith.muli %scan3A_56, %mul3A_57 : i32
      %get3A = arith.constant 16 : i32
      %get3A_59 = arith.index_cast %get3A : i32 to index
      %get3A_60 = arith.index_cast %mul3A_58 : i32 to index
      %get3A_61 = tpu.vector_load %arg5[%get3A_59, %get3A_60] {strides = array<i32>} : memref<32x512xf32, #tpu.memory_space<vmem>>, vector<16xf32>,
      %mul3A_62 = arith.constant 16 : i32
      %mul3A_63 = arith.muli %scan3A_56, %mul3A_62 : i32
      %get3A_64 = arith.constant 17 : i32
      %get3A_65 = arith.index_cast %get3A_64 : i32 to index
      %get3A_66 = arith.index_cast %mul3A_63 : i32 to index
      %get3A_67 = tpu.vector_load %arg5[%get3A_65, %get3A_66] {strides = array<i32>} : memref<32x512xf32, #tpu.memory_space<vmem>>, vector<16xf32>,
      %mul3A_68 = arith.constant 16 : i32
      %mul3A_69 = arith.muli %scan3A_56, %mul3A_68 : i32
      %get3A_70 = arith.constant 18 : i32
      %get3A_71 = arith.index_cast %get3A_70 : i32 to index
      %get3A_72 = arith.index_cast %mul3A_69 : i32 to index
      %get3A_73 = tpu.vector_load %arg5[%get3A_71, %get3A_72] {strides = array<i32>} : memref<32x512xf32, #tpu.memory_space<vmem>>, vector<16xf32>,
      %mul3A_74 = arith.constant 16 : i32
      %mul3A_75 = arith.muli %scan3A_56, %mul3A_74 : i32
      %get3A_76 = arith.constant 19 : i32
      %get3A_77 = arith.index_cast %get3A_76 : i32 to index
      %get3A_78 = arith.index_cast %mul3A_75 : i32 to index
      %get3A_79 = tpu.vector_load %arg5[%get3A_77, %get3A_78] {strides = array<i32>} : memref<32x512xf32, #tpu.memory_space<vmem>>, vector<16xf32>,
      %mul3A_80 = arith.constant 16 : i32
      %mul3A_81 = arith.muli %scan3A_56, %mul3A_80 : i32
      %get3A_82 = arith.constant 20 : i32
      %get3A_83 = arith.index_cast %get3A_82 : i32 to index
      %get3A_84 = arith.index_cast %mul3A_81 : i32 to index
      %get3A_85 = tpu.vector_load %arg5[%get3A_83, %get3A_84] {strides = array<i32>} : memref<32x512xf32, #tpu.memory_space<vmem>>, vector<16xf32>,
      %mul3A_86 = arith.constant 16 : i32
      %mul3A_87 = arith.muli %scan3A_56, %mul3A_86 : i32
      %get3A_88 = arith.constant 21 : i32
      %get3A_89 = arith.index_cast %get3A_88 : i32 to index
      %get3A_90 = arith.index_cast %mul3A_87 : i32 to index
      %get3A_91 = tpu.vector_load %arg5[%get3A_89, %get3A_90] {strides = array<i32>} : memref<32x512xf32, #tpu.memory_space<vmem>>, vector<16xf32>,
      %mul3A_92 = arith.constant 16 : i32
      %mul3A_93 = arith.muli %scan3A_56, %mul3A_92 : i32
      %get3A_94 = arith.constant 22 : i32
      %get3A_95 = arith.index_cast %get3A_94 : i32 to index
      %get3A_96 = arith.index_cast %mul3A_93 : i32 to index
      %get3A_97 = tpu.vector_load %arg5[%get3A_95, %get3A_96] {strides = array<i32>} : memref<32x512xf32, #tpu.memory_space<vmem>>, vector<16xf32>,
      %mul3A_98 = arith.constant 16 : i32
      %mul3A_99 = arith.muli %scan3A_56, %mul3A_98 : i32
      %get3A_100 = arith.constant 23 : i32
      %get3A_101 = arith.index_cast %get3A_100 : i32 to index
      %get3A_102 = arith.index_cast %mul3A_99 : i32 to index
      %get3A_103 = tpu.vector_load %arg5[%get3A_101, %get3A_102] {strides = array<i32>} : memref<32x512xf32, #tpu.memory_space<vmem>>, vector<16xf32>,
      %mul3A_104 = arith.constant 16 : i32
      %mul3A_105 = arith.muli %scan3A_56, %mul3A_104 : i32
      %get3A_106 = arith.constant 24 : i32
      %get3A_107 = arith.index_cast %get3A_106 : i32 to index
      %get3A_108 = arith.index_cast %mul3A_105 : i32 to index
      %get3A_109 = tpu.vector_load %arg5[%get3A_107, %get3A_108] {strides = array<i32>} : memref<32x512xf32, #tpu.memory_space<vmem>>, vector<16xf32>,
      %mul3A_110 = arith.constant 16 : i32
      %mul3A_111 = arith.muli %scan3A_56, %mul3A_110 : i32
      %get3A_112 = arith.constant 25 : i32
      %get3A_113 = arith.index_cast %get3A_112 : i32 to index
      %get3A_114 = arith.index_cast %mul3A_111 : i32 to index
      %get3A_115 = tpu.vector_load %arg5[%get3A_113, %get3A_114] {strides = array<i32>} : memref<32x512xf32, #tpu.memory_space<vmem>>, vector<16xf32>,
      %mul3A_116 = arith.constant 16 : i32
      %mul3A_117 = arith.muli %scan3A_56, %mul3A_116 : i32
      %get3A_118 = arith.constant 26 : i32
      %get3A_119 = arith.index_cast %get3A_118 : i32 to index
      %get3A_120 = arith.index_cast %mul3A_117 : i32 to index
      %get3A_121 = tpu.vector_load %arg5[%get3A_119, %get3A_120] {strides = array<i32>} : memref<32x512xf32, #tpu.memory_space<vmem>>, vector<16xf32>,
      %mul3A_122 = arith.constant 16 : i32
      %mul3A_123 = arith.muli %scan3A_56, %mul3A_122 : i32
      %get3A_124 = arith.constant 27 : i32
      %get3A_125 = arith.index_cast %get3A_124 : i32 to index
      %get3A_126 = arith.index_cast %mul3A_123 : i32 to index
      %get3A_127 = tpu.vector_load %arg5[%get3A_125, %get3A_126] {strides = array<i32>} : memref<32x512xf32, #tpu.memory_space<vmem>>, vector<16xf32>,
      %mul3A_128 = arith.constant 16 : i32
      %mul3A_129 = arith.muli %scan3A_56, %mul3A_128 : i32
      %get3A_130 = arith.constant 28 : i32
      %get3A_131 = arith.index_cast %get3A_130 : i32 to index
      %get3A_132 = arith.index_cast %mul3A_129 : i32 to index
      %get3A_133 = tpu.vector_load %arg5[%get3A_131, %get3A_132] {strides = array<i32>} : memref<32x512xf32, #tpu.memory_space<vmem>>, vector<16xf32>,
      %mul3A_134 = arith.constant 16 : i32
      %mul3A_135 = arith.muli %scan3A_56, %mul3A_134 : i32
      %get3A_136 = arith.constant 29 : i32
      %get3A_137 = arith.index_cast %get3A_136 : i32 to index
      %get3A_138 = arith.index_cast %mul3A_135 : i32 to index
      %get3A_139 = tpu.vector_load %arg5[%get3A_137, %get3A_138] {strides = array<i32>} : memref<32x512xf32, #tpu.memory_space<vmem>>, vector<16xf32>,
      %mul3A_140 = arith.constant 16 : i32
      %mul3A_141 = arith.muli %scan3A_56, %mul3A_140 : i32
      %get3A_142 = arith.constant 30 : i32
      %get3A_143 = arith.index_cast %get3A_142 : i32 to index
      %get3A_144 = arith.index_cast %mul3A_141 : i32 to index
      %get3A_145 = tpu.vector_load %arg5[%get3A_143, %get3A_144] {strides = array<i32>} : memref<32x512xf32, #tpu.memory_space<vmem>>, vector<16xf32>,
      %mul3A_146 = arith.constant 16 : i32
      %mul3A_147 = arith.muli %scan3A_56, %mul3A_146 : i32
      %get3A_148 = arith.constant 31 : i32
      %get3A_149 = arith.index_cast %get3A_148 : i32 to index
      %get3A_150 = arith.index_cast %mul3A_147 : i32 to index
      %get3A_151 = tpu.vector_load %arg5[%get3A_149, %get3A_150] {strides = array<i32>} : memref<32x512xf32, #tpu.memory_space<vmem>>, vector<16xf32>,
      %mul3A_152 = arith.constant 512 : i32
      %mul3A_153 = arith.muli %scan3A_56, %mul3A_152 : i32
      %add3A_154 = arith.constant 16 : i32
      %add3A_155 = arith.addi %mul3A_153, %add3A_154 : i32
      %add3A_156 = arith.constant 0 : i32
      %add3A_157 = arith.addi %add3A_155, %add3A_156 : i32
      %add3A_158 = vector.broadcast %add3A_157 : i32 to vector<16xi32>
      %add3A_159 = arith.addi %mul3A_3, %add3A_158 : vector<16xi32>
      tpu.vector_store_idx %arg7[%add3A_159], %get3A_61 : memref<16384xf32, #tpu.memory_space<vmem>>[vector<16xi32>], vector<16xf32>,
      %mul3A_160 = arith.constant 512 : i32
      %mul3A_161 = arith.muli %scan3A_56, %mul3A_160 : i32
      %add3A_162 = arith.constant 16 : i32
      %add3A_163 = arith.addi %mul3A_161, %add3A_162 : i32
      %add3A_164 = arith.constant 1 : i32
      %add3A_165 = arith.addi %add3A_163, %add3A_164 : i32
      %add3A_166 = vector.broadcast %add3A_165 : i32 to vector<16xi32>
      %add3A_167 = arith.addi %mul3A_3, %add3A_166 : vector<16xi32>
      tpu.vector_store_idx %arg7[%add3A_167], %get3A_67 : memref<16384xf32, #tpu.memory_space<vmem>>[vector<16xi32>], vector<16xf32>,
      %mul3A_168 = arith.constant 512 : i32
      %mul3A_169 = arith.muli %scan3A_56, %mul3A_168 : i32
      %add3A_170 = arith.constant 16 : i32
      %add3A_171 = arith.addi %mul3A_169, %add3A_170 : i32
      %add3A_172 = arith.constant 2 : i32
      %add3A_173 = arith.addi %add3A_171, %add3A_172 : i32
      %add3A_174 = vector.broadcast %add3A_173 : i32 to vector<16xi32>
      %add3A_175 = arith.addi %mul3A_3, %add3A_174 : vector<16xi32>
      tpu.vector_store_idx %arg7[%add3A_175], %get3A_73 : memref<16384xf32, #tpu.memory_space<vmem>>[vector<16xi32>], vector<16xf32>,
      %mul3A_176 = arith.constant 512 : i32
      %mul3A_177 = arith.muli %scan3A_56, %mul3A_176 : i32
      %add3A_178 = arith.constant 16 : i32
      %add3A_179 = arith.addi %mul3A_177, %add3A_178 : i32
      %add3A_180 = arith.constant 3 : i32
      %add3A_181 = arith.addi %add3A_179, %add3A_180 : i32
      %add3A_182 = vector.broadcast %add3A_181 : i32 to vector<16xi32>
      %add3A_183 = arith.addi %mul3A_3, %add3A_182 : vector<16xi32>
      tpu.vector_store_idx %arg7[%add3A_183], %get3A_79 : memref<16384xf32, #tpu.memory_space<vmem>>[vector<16xi32>], vector<16xf32>,
      %mul3A_184 = arith.constant 512 : i32
      %mul3A_185 = arith.muli %scan3A_56, %mul3A_184 : i32
      %add3A_186 = arith.constant 16 : i32
      %add3A_187 = arith.addi %mul3A_185, %add3A_186 : i32
      %add3A_188 = arith.constant 4 : i32
      %add3A_189 = arith.addi %add3A_187, %add3A_188 : i32
      %add3A_190 = vector.broadcast %add3A_189 : i32 to vector<16xi32>
      %add3A_191 = arith.addi %mul3A_3, %add3A_190 : vector<16xi32>
      tpu.vector_store_idx %arg7[%add3A_191], %get3A_85 : memref<16384xf32, #tpu.memory_space<vmem>>[vector<16xi32>], vector<16xf32>,
      %mul3A_192 = arith.constant 512 : i32
      %mul3A_193 = arith.muli %scan3A_56, %mul3A_192 : i32
      %add3A_194 = arith.constant 16 : i32
      %add3A_195 = arith.addi %mul3A_193, %add3A_194 : i32
      %add3A_196 = arith.constant 5 : i32
      %add3A_197 = arith.addi %add3A_195, %add3A_196 : i32
      %add3A_198 = vector.broadcast %add3A_197 : i32 to vector<16xi32>
      %add3A_199 = arith.addi %mul3A_3, %add3A_198 : vector<16xi32>
      tpu.vector_store_idx %arg7[%add3A_199], %get3A_91 : memref<16384xf32, #tpu.memory_space<vmem>>[vector<16xi32>], vector<16xf32>,
      %mul3A_200 = arith.constant 512 : i32
      %mul3A_201 = arith.muli %scan3A_56, %mul3A_200 : i32
      %add3A_202 = arith.constant 16 : i32
      %add3A_203 = arith.addi %mul3A_201, %add3A_202 : i32
      %add3A_204 = arith.constant 6 : i32
      %add3A_205 = arith.addi %add3A_203, %add3A_204 : i32
      %add3A_206 = vector.broadcast %add3A_205 : i32 to vector<16xi32>
      %add3A_207 = arith.addi %mul3A_3, %add3A_206 : vector<16xi32>
      tpu.vector_store_idx %arg7[%add3A_207], %get3A_97 : memref<16384xf32, #tpu.memory_space<vmem>>[vector<16xi32>], vector<16xf32>,
      %mul3A_208 = arith.constant 512 : i32
      %mul3A_209 = arith.muli %scan3A_56, %mul3A_208 : i32
      %add3A_210 = arith.constant 16 : i32
      %add3A_211 = arith.addi %mul3A_209, %add3A_210 : i32
      %add3A_212 = arith.constant 7 : i32
      %add3A_213 = arith.addi %add3A_211, %add3A_212 : i32
      %add3A_214 = vector.broadcast %add3A_213 : i32 to vector<16xi32>
      %add3A_215 = arith.addi %mul3A_3, %add3A_214 : vector<16xi32>
      tpu.vector_store_idx %arg7[%add3A_215], %get3A_103 : memref<16384xf32, #tpu.memory_space<vmem>>[vector<16xi32>], vector<16xf32>,
      %mul3A_216 = arith.constant 512 : i32
      %mul3A_217 = arith.muli %scan3A_56, %mul3A_216 : i32
      %add3A_218 = arith.constant 16 : i32
      %add3A_219 = arith.addi %mul3A_217, %add3A_218 : i32
      %add3A_220 = arith.constant 8 : i32
      %add3A_221 = arith.addi %add3A_219, %add3A_220 : i32
      %add3A_222 = vector.broadcast %add3A_221 : i32 to vector<16xi32>
      %add3A_223 = arith.addi %mul3A_3, %add3A_222 : vector<16xi32>
      tpu.vector_store_idx %arg7[%add3A_223], %get3A_109 : memref<16384xf32, #tpu.memory_space<vmem>>[vector<16xi32>], vector<16xf32>,
      %mul3A_224 = arith.constant 512 : i32
      %mul3A_225 = arith.muli %scan3A_56, %mul3A_224 : i32
      %add3A_226 = arith.constant 16 : i32
      %add3A_227 = arith.addi %mul3A_225, %add3A_226 : i32
      %add3A_228 = arith.constant 9 : i32
      %add3A_229 = arith.addi %add3A_227, %add3A_228 : i32
      %add3A_230 = vector.broadcast %add3A_229 : i32 to vector<16xi32>
      %add3A_231 = arith.addi %mul3A_3, %add3A_230 : vector<16xi32>
      tpu.vector_store_idx %arg7[%add3A_231], %get3A_115 : memref<16384xf32, #tpu.memory_space<vmem>>[vector<16xi32>], vector<16xf32>,
      %mul3A_232 = arith.constant 512 : i32
      %mul3A_233 = arith.muli %scan3A_56, %mul3A_232 : i32
      %add3A_234 = arith.constant 16 : i32
      %add3A_235 = arith.addi %mul3A_233, %add3A_234 : i32
      %add3A_236 = arith.constant 10 : i32
      %add3A_237 = arith.addi %add3A_235, %add3A_236 : i32
      %add3A_238 = vector.broadcast %add3A_237 : i32 to vector<16xi32>
      %add3A_239 = arith.addi %mul3A_3, %add3A_238 : vector<16xi32>
      tpu.vector_store_idx %arg7[%add3A_239], %get3A_121 : memref<16384xf32, #tpu.memory_space<vmem>>[vector<16xi32>], vector<16xf32>,
      %mul3A_240 = arith.constant 512 : i32
      %mul3A_241 = arith.muli %scan3A_56, %mul3A_240 : i32
      %add3A_242 = arith.constant 16 : i32
      %add3A_243 = arith.addi %mul3A_241, %add3A_242 : i32
      %add3A_244 = arith.constant 11 : i32
      %add3A_245 = arith.addi %add3A_243, %add3A_244 : i32
      %add3A_246 = vector.broadcast %add3A_245 : i32 to vector<16xi32>
      %add3A_247 = arith.addi %mul3A_3, %add3A_246 : vector<16xi32>
      tpu.vector_store_idx %arg7[%add3A_247], %get3A_127 : memref<16384xf32, #tpu.memory_space<vmem>>[vector<16xi32>], vector<16xf32>,
      %mul3A_248 = arith.constant 512 : i32
      %mul3A_249 = arith.muli %scan3A_56, %mul3A_248 : i32
      %add3A_250 = arith.constant 16 : i32
      %add3A_251 = arith.addi %mul3A_249, %add3A_250 : i32
      %add3A_252 = arith.constant 12 : i32
      %add3A_253 = arith.addi %add3A_251, %add3A_252 : i32
      %add3A_254 = vector.broadcast %add3A_253 : i32 to vector<16xi32>
      %add3A_255 = arith.addi %mul3A_3, %add3A_254 : vector<16xi32>
      tpu.vector_store_idx %arg7[%add3A_255], %get3A_133 : memref<16384xf32, #tpu.memory_space<vmem>>[vector<16xi32>], vector<16xf32>,
      %mul3A_256 = arith.constant 512 : i32
      %mul3A_257 = arith.muli %scan3A_56, %mul3A_256 : i32
      %add3A_258 = arith.constant 16 : i32
      %add3A_259 = arith.addi %mul3A_257, %add3A_258 : i32
      %add3A_260 = arith.constant 13 : i32
      %add3A_261 = arith.addi %add3A_259, %add3A_260 : i32
      %add3A_262 = vector.broadcast %add3A_261 : i32 to vector<16xi32>
      %add3A_263 = arith.addi %mul3A_3, %add3A_262 : vector<16xi32>
      tpu.vector_store_idx %arg7[%add3A_263], %get3A_139 : memref<16384xf32, #tpu.memory_space<vmem>>[vector<16xi32>], vector<16xf32>,
      %mul3A_264 = arith.constant 512 : i32
      %mul3A_265 = arith.muli %scan3A_56, %mul3A_264 : i32
      %add3A_266 = arith.constant 16 : i32
      %add3A_267 = arith.addi %mul3A_265, %add3A_266 : i32
      %add3A_268 = arith.constant 14 : i32
      %add3A_269 = arith.addi %add3A_267, %add3A_268 : i32
      %add3A_270 = vector.broadcast %add3A_269 : i32 to vector<16xi32>
      %add3A_271 = arith.addi %mul3A_3, %add3A_270 : vector<16xi32>
      tpu.vector_store_idx %arg7[%add3A_271], %get3A_145 : memref<16384xf32, #tpu.memory_space<vmem>>[vector<16xi32>], vector<16xf32>,
      %mul3A_272 = arith.constant 512 : i32
      %mul3A_273 = arith.muli %scan3A_56, %mul3A_272 : i32
      %add3A_274 = arith.constant 16 : i32
      %add3A_275 = arith.addi %mul3A_273, %add3A_274 : i32
      %add3A_276 = arith.constant 15 : i32
      %add3A_277 = arith.addi %add3A_275, %add3A_276 : i32
      %add3A_278 = vector.broadcast %add3A_277 : i32 to vector<16xi32>
      %add3A_279 = arith.addi %mul3A_3, %add3A_278 : vector<16xi32>
      tpu.vector_store_idx %arg7[%add3A_279], %get3A_151 : memref<16384xf32, #tpu.memory_space<vmem>>[vector<16xi32>], vector<16xf32>,
    }
    %scan3A_36 = arith.constant 32 : i32
    %add3A_37 = arith.constant 1920 : i32
    %add3A_38 = arith.addi %add3A_37, %add3A : i32
    %mul3A_39 = arith.constant 512 : i32
    %mul3A_40 = arith.muli %add3A_38, %mul3A_39 : i32
    %multiple_of3A_41 = tpu.assume_multiple %mul3A_40, 512 : i32
    %mul3A_42 = arith.constant 32 : i32
    %mul3A_43 = arith.muli %multiple_of3A_41, %mul3A_42 : i32
    %dma_start3A_44 = tpu.memref_slice %arg4[%mul3A_43] : memref<32000000xf32, #tpu.memory_space<hbm>> -> memref<16384xf32, #tpu.memory_space<hbm>>
    %dma_start3A_45 = tpu.memref_slice %arg4[%mul3A_43] : memref<32000000xf32, #tpu.memory_space<hbm>> -> memref<16384xf32, #tpu.memory_space<hbm>>
    tpu.enqueue_dma source(%arg7 : memref<16384xf32, #tpu.memory_space<vmem>>) target(%dma_start3A_45 : memref<16384xf32, #tpu.memory_space<hbm>>) target_semaphore(%arg13 : memref<!tpu.dma_semaphore, #tpu.memory_space<semaphore_mem>>)
    %dma_wait3A_46 = arith.constant 0 : i32
    %dma_wait3A_47 = tpu.memref_slice %arg4[%dma_wait3A_46] : memref<32000000xf32, #tpu.memory_space<hbm>> -> memref<16384xf32, #tpu.memory_space<hbm>>
    %dma_wait3A_48 = arith.constant 0 : i32
    %dma_wait3A_49 = tpu.memref_slice %arg4[%dma_wait3A_48] : memref<32000000xf32, #tpu.memory_space<hbm>> -> memref<16384xf32, #tpu.memory_space<hbm>>
    tpu.wait_dma2 semaphore(%arg13 : memref<!tpu.dma_semaphore, #tpu.memory_space<semaphore_mem>>) src(%arg7 : memref<16384xf32, #tpu.memory_space<vmem>>) dst(%dma_wait3A_49 : memref<16384xf32, #tpu.memory_space<hbm>>)
    %dma_wait3A_50 = arith.constant 0 : i32
    %dma_wait3A_51 = tpu.memref_slice %arg4[%dma_wait3A_50] : memref<32000000xf32, #tpu.memory_space<hbm>> -> memref<16384xf32, #tpu.memory_space<hbm>>
    %dma_wait3A_52 = arith.constant 0 : i32
    %dma_wait3A_53 = tpu.memref_slice %arg4[%dma_wait3A_52] : memref<32000000xf32, #tpu.memory_space<hbm>> -> memref<16384xf32, #tpu.memory_space<hbm>>
    tpu.wait_dma2 semaphore(%arg14 : memref<!tpu.dma_semaphore, #tpu.memory_space<semaphore_mem>>) src(%arg8 : memref<16384xf32, #tpu.memory_space<vmem>>) dst(%dma_wait3A_53 : memref<16384xf32, #tpu.memory_space<hbm>>)
    %eq3A = arith.constant 0 : i32
    %eq3A_54 = arith.cmpi eq, %add3A, %eq3A : i32
    %convert_element_type3A = arith.extui %eq3A_54 : i1 to i32
    %cond3A = arith.constant 0 : i32
    %cond3A_55 = arith.cmpi ne, %convert_element_type3A, %cond3A : i32
    scf.if %cond3A_55 {
      "tpu.region"() ({
        %run_scoped3A = tpu.sem_alloc : memref<!tpu.dma_semaphore, #tpu.memory_space<semaphore_mem>>
        tpu.enqueue_dma source(%arg3 : memref<32x640xf32, #tpu.memory_space<hbm>>) target(%arg9 : memref<32x640xf32, #tpu.memory_space<vmem>>) target_semaphore(%run_scoped3A : memref<!tpu.dma_semaphore, #tpu.memory_space<semaphore_mem>>)
        tpu.wait_dma2 semaphore(%run_scoped3A : memref<!tpu.dma_semaphore, #tpu.memory_space<semaphore_mem>>) src(%arg3 : memref<32x640xf32, #tpu.memory_space<hbm>>) dst(%arg9 : memref<32x640xf32, #tpu.memory_space<vmem>>)
        tpu.yield
      }) : () -> ()
      %scan3A_56 = arith.constant 0 : i32
      %scan3A_57 = arith.constant 0 : i32
      %scan3A_58 = arith.constant 36 : i32
      %scan3A_59 = arith.addi %scan3A_57, %scan3A_58 : i32
      %scan3A_60 = arith.constant 1 : i32
      scf.for %scan3A_104 = %scan3A_57 to %scan3A_59 step %scan3A_60  : i32 {
        %mul3A_105 = arith.constant 16 : i32
        %mul3A_106 = arith.muli %scan3A_104, %mul3A_105 : i32
        %get3A = arith.constant 0 : i32
        %get3A_107 = arith.index_cast %get3A : i32 to index
        %get3A_108 = arith.index_cast %mul3A_106 : i32 to index
        %get3A_109 = tpu.vector_load %arg9[%get3A_107, %get3A_108] {strides = array<i32>} : memref<32x640xf32, #tpu.memory_space<vmem>>, vector<16xf32>,
        %mul3A_110 = arith.constant 16 : i32
        %mul3A_111 = arith.muli %scan3A_104, %mul3A_110 : i32
        %get3A_112 = arith.constant 1 : i32
        %get3A_113 = arith.index_cast %get3A_112 : i32 to index
        %get3A_114 = arith.index_cast %mul3A_111 : i32 to index
        %get3A_115 = tpu.vector_load %arg9[%get3A_113, %get3A_114] {strides = array<i32>} : memref<32x640xf32, #tpu.memory_space<vmem>>, vector<16xf32>,
        %mul3A_116 = arith.constant 16 : i32
        %mul3A_117 = arith.muli %scan3A_104, %mul3A_116 : i32
        %get3A_118 = arith.constant 2 : i32
        %get3A_119 = arith.index_cast %get3A_118 : i32 to index
        %get3A_120 = arith.index_cast %mul3A_117 : i32 to index
        %get3A_121 = tpu.vector_load %arg9[%get3A_119, %get3A_120] {strides = array<i32>} : memref<32x640xf32, #tpu.memory_space<vmem>>, vector<16xf32>,
        %mul3A_122 = arith.constant 16 : i32
        %mul3A_123 = arith.muli %scan3A_104, %mul3A_122 : i32
        %get3A_124 = arith.constant 3 : i32
        %get3A_125 = arith.index_cast %get3A_124 : i32 to index
        %get3A_126 = arith.index_cast %mul3A_123 : i32 to index
        %get3A_127 = tpu.vector_load %arg9[%get3A_125, %get3A_126] {strides = array<i32>} : memref<32x640xf32, #tpu.memory_space<vmem>>, vector<16xf32>,
        %mul3A_128 = arith.constant 512 : i32
        %mul3A_129 = arith.muli %scan3A_104, %mul3A_128 : i32
        %add3A_130 = arith.constant 0 : i32
        %add3A_131 = arith.addi %mul3A_129, %add3A_130 : i32
        %add3A_132 = arith.constant 0 : i32
        %add3A_133 = arith.addi %add3A_131, %add3A_132 : i32
        %add3A_134 = vector.broadcast %add3A_133 : i32 to vector<16xi32>
        %add3A_135 = arith.addi %mul3A_3, %add3A_134 : vector<16xi32>
        tpu.vector_store_idx %arg10[%add3A_135], %get3A_109 : memref<20480xf32, #tpu.memory_space<vmem>>[vector<16xi32>], vector<16xf32>,
        %mul3A_136 = arith.constant 512 : i32
        %mul3A_137 = arith.muli %scan3A_104, %mul3A_136 : i32
        %add3A_138 = arith.constant 0 : i32
        %add3A_139 = arith.addi %mul3A_137, %add3A_138 : i32
        %add3A_140 = arith.constant 1 : i32
        %add3A_141 = arith.addi %add3A_139, %add3A_140 : i32
        %add3A_142 = vector.broadcast %add3A_141 : i32 to vector<16xi32>
        %add3A_143 = arith.addi %mul3A_3, %add3A_142 : vector<16xi32>
        tpu.vector_store_idx %arg10[%add3A_143], %get3A_115 : memref<20480xf32, #tpu.memory_space<vmem>>[vector<16xi32>], vector<16xf32>,
        %mul3A_144 = arith.constant 512 : i32
        %mul3A_145 = arith.muli %scan3A_104, %mul3A_144 : i32
        %add3A_146 = arith.constant 0 : i32
        %add3A_147 = arith.addi %mul3A_145, %add3A_146 : i32
        %add3A_148 = arith.constant 2 : i32
        %add3A_149 = arith.addi %add3A_147, %add3A_148 : i32
        %add3A_150 = vector.broadcast %add3A_149 : i32 to vector<16xi32>
        %add3A_151 = arith.addi %mul3A_3, %add3A_150 : vector<16xi32>
        tpu.vector_store_idx %arg10[%add3A_151], %get3A_121 : memref<20480xf32, #tpu.memory_space<vmem>>[vector<16xi32>], vector<16xf32>,
        %mul3A_152 = arith.constant 512 : i32
        %mul3A_153 = arith.muli %scan3A_104, %mul3A_152 : i32
        %add3A_154 = arith.constant 0 : i32
        %add3A_155 = arith.addi %mul3A_153, %add3A_154 : i32
        %add3A_156 = arith.constant 3 : i32
        %add3A_157 = arith.addi %add3A_155, %add3A_156 : i32
        %add3A_158 = vector.broadcast %add3A_157 : i32 to vector<16xi32>
        %add3A_159 = arith.addi %mul3A_3, %add3A_158 : vector<16xi32>
        tpu.vector_store_idx %arg10[%add3A_159], %get3A_127 : memref<20480xf32, #tpu.memory_space<vmem>>[vector<16xi32>], vector<16xf32>,
      }
      %scan3A_61 = arith.constant 36 : i32
      %scan3A_62 = arith.constant 0 : i32
      %scan3A_63 = arith.constant 0 : i32
      %scan3A_64 = arith.constant 36 : i32
      %scan3A_65 = arith.addi %scan3A_63, %scan3A_64 : i32
      %scan3A_66 = arith.constant 1 : i32
      scf.for %scan3A_104 = %scan3A_63 to %scan3A_65 step %scan3A_66  : i32 {
        %mul3A_105 = arith.constant 16 : i32
        %mul3A_106 = arith.muli %scan3A_104, %mul3A_105 : i32
        %get3A = arith.constant 4 : i32
        %get3A_107 = arith.index_cast %get3A : i32 to index
        %get3A_108 = arith.index_cast %mul3A_106 : i32 to index
        %get3A_109 = tpu.vector_load %arg9[%get3A_107, %get3A_108] {strides = array<i32>} : memref<32x640xf32, #tpu.memory_space<vmem>>, vector<16xf32>,
        %mul3A_110 = arith.constant 16 : i32
        %mul3A_111 = arith.muli %scan3A_104, %mul3A_110 : i32
        %get3A_112 = arith.constant 5 : i32
        %get3A_113 = arith.index_cast %get3A_112 : i32 to index
        %get3A_114 = arith.index_cast %mul3A_111 : i32 to index
        %get3A_115 = tpu.vector_load %arg9[%get3A_113, %get3A_114] {strides = array<i32>} : memref<32x640xf32, #tpu.memory_space<vmem>>, vector<16xf32>,
        %mul3A_116 = arith.constant 16 : i32
        %mul3A_117 = arith.muli %scan3A_104, %mul3A_116 : i32
        %get3A_118 = arith.constant 6 : i32
        %get3A_119 = arith.index_cast %get3A_118 : i32 to index
        %get3A_120 = arith.index_cast %mul3A_117 : i32 to index
        %get3A_121 = tpu.vector_load %arg9[%get3A_119, %get3A_120] {strides = array<i32>} : memref<32x640xf32, #tpu.memory_space<vmem>>, vector<16xf32>,
        %mul3A_122 = arith.constant 16 : i32
        %mul3A_123 = arith.muli %scan3A_104, %mul3A_122 : i32
        %get3A_124 = arith.constant 7 : i32
        %get3A_125 = arith.index_cast %get3A_124 : i32 to index
        %get3A_126 = arith.index_cast %mul3A_123 : i32 to index
        %get3A_127 = tpu.vector_load %arg9[%get3A_125, %get3A_126] {strides = array<i32>} : memref<32x640xf32, #tpu.memory_space<vmem>>, vector<16xf32>,
        %mul3A_128 = arith.constant 512 : i32
        %mul3A_129 = arith.muli %scan3A_104, %mul3A_128 : i32
        %add3A_130 = arith.constant 4 : i32
        %add3A_131 = arith.addi %mul3A_129, %add3A_130 : i32
        %add3A_132 = arith.constant 0 : i32
        %add3A_133 = arith.addi %add3A_131, %add3A_132 : i32
        %add3A_134 = vector.broadcast %add3A_133 : i32 to vector<16xi32>
        %add3A_135 = arith.addi %mul3A_3, %add3A_134 : vector<16xi32>
        tpu.vector_store_idx %arg10[%add3A_135], %get3A_109 : memref<20480xf32, #tpu.memory_space<vmem>>[vector<16xi32>], vector<16xf32>,
        %mul3A_136 = arith.constant 512 : i32
        %mul3A_137 = arith.muli %scan3A_104, %mul3A_136 : i32
        %add3A_138 = arith.constant 4 : i32
        %add3A_139 = arith.addi %mul3A_137, %add3A_138 : i32
        %add3A_140 = arith.constant 1 : i32
        %add3A_141 = arith.addi %add3A_139, %add3A_140 : i32
        %add3A_142 = vector.broadcast %add3A_141 : i32 to vector<16xi32>
        %add3A_143 = arith.addi %mul3A_3, %add3A_142 : vector<16xi32>
        tpu.vector_store_idx %arg10[%add3A_143], %get3A_115 : memref<20480xf32, #tpu.memory_space<vmem>>[vector<16xi32>], vector<16xf32>,
        %mul3A_144 = arith.constant 512 : i32
        %mul3A_145 = arith.muli %scan3A_104, %mul3A_144 : i32
        %add3A_146 = arith.constant 4 : i32
        %add3A_147 = arith.addi %mul3A_145, %add3A_146 : i32
        %add3A_148 = arith.constant 2 : i32
        %add3A_149 = arith.addi %add3A_147, %add3A_148 : i32
        %add3A_150 = vector.broadcast %add3A_149 : i32 to vector<16xi32>
        %add3A_151 = arith.addi %mul3A_3, %add3A_150 : vector<16xi32>
        tpu.vector_store_idx %arg10[%add3A_151], %get3A_121 : memref<20480xf32, #tpu.memory_space<vmem>>[vector<16xi32>], vector<16xf32>,
        %mul3A_152 = arith.constant 512 : i32
        %mul3A_153 = arith.muli %scan3A_104, %mul3A_152 : i32
        %add3A_154 = arith.constant 4 : i32
        %add3A_155 = arith.addi %mul3A_153, %add3A_154 : i32
        %add3A_156 = arith.constant 3 : i32
        %add3A_157 = arith.addi %add3A_155, %add3A_156 : i32
        %add3A_158 = vector.broadcast %add3A_157 : i32 to vector<16xi32>
        %add3A_159 = arith.addi %mul3A_3, %add3A_158 : vector<16xi32>
        tpu.vector_store_idx %arg10[%add3A_159], %get3A_127 : memref<20480xf32, #tpu.memory_space<vmem>>[vector<16xi32>], vector<16xf32>,
      }
      %scan3A_67 = arith.constant 36 : i32
      %scan3A_68 = arith.constant 0 : i32
      %scan3A_69 = arith.constant 0 : i32
      %scan3A_70 = arith.constant 36 : i32
      %scan3A_71 = arith.addi %scan3A_69, %scan3A_70 : i32
      %scan3A_72 = arith.constant 1 : i32
      scf.for %scan3A_104 = %scan3A_69 to %scan3A_71 step %scan3A_72  : i32 {
        %mul3A_105 = arith.constant 16 : i32
        %mul3A_106 = arith.muli %scan3A_104, %mul3A_105 : i32
        %get3A = arith.constant 8 : i32
        %get3A_107 = arith.index_cast %get3A : i32 to index
        %get3A_108 = arith.index_cast %mul3A_106 : i32 to index
        %get3A_109 = tpu.vector_load %arg9[%get3A_107, %get3A_108] {strides = array<i32>} : memref<32x640xf32, #tpu.memory_space<vmem>>, vector<16xf32>,
        %mul3A_110 = arith.constant 16 : i32
        %mul3A_111 = arith.muli %scan3A_104, %mul3A_110 : i32
        %get3A_112 = arith.constant 9 : i32
        %get3A_113 = arith.index_cast %get3A_112 : i32 to index
        %get3A_114 = arith.index_cast %mul3A_111 : i32 to index
        %get3A_115 = tpu.vector_load %arg9[%get3A_113, %get3A_114] {strides = array<i32>} : memref<32x640xf32, #tpu.memory_space<vmem>>, vector<16xf32>,
        %mul3A_116 = arith.constant 16 : i32
        %mul3A_117 = arith.muli %scan3A_104, %mul3A_116 : i32
        %get3A_118 = arith.constant 10 : i32
        %get3A_119 = arith.index_cast %get3A_118 : i32 to index
        %get3A_120 = arith.index_cast %mul3A_117 : i32 to index
        %get3A_121 = tpu.vector_load %arg9[%get3A_119, %get3A_120] {strides = array<i32>} : memref<32x640xf32, #tpu.memory_space<vmem>>, vector<16xf32>,
        %mul3A_122 = arith.constant 16 : i32
        %mul3A_123 = arith.muli %scan3A_104, %mul3A_122 : i32
        %get3A_124 = arith.constant 11 : i32
        %get3A_125 = arith.index_cast %get3A_124 : i32 to index
        %get3A_126 = arith.index_cast %mul3A_123 : i32 to index
        %get3A_127 = tpu.vector_load %arg9[%get3A_125, %get3A_126] {strides = array<i32>} : memref<32x640xf32, #tpu.memory_space<vmem>>, vector<16xf32>,
        %mul3A_128 = arith.constant 512 : i32
        %mul3A_129 = arith.muli %scan3A_104, %mul3A_128 : i32
        %add3A_130 = arith.constant 8 : i32
        %add3A_131 = arith.addi %mul3A_129, %add3A_130 : i32
        %add3A_132 = arith.constant 0 : i32
        %add3A_133 = arith.addi %add3A_131, %add3A_132 : i32
        %add3A_134 = vector.broadcast %add3A_133 : i32 to vector<16xi32>
        %add3A_135 = arith.addi %mul3A_3, %add3A_134 : vector<16xi32>
        tpu.vector_store_idx %arg10[%add3A_135], %get3A_109 : memref<20480xf32, #tpu.memory_space<vmem>>[vector<16xi32>], vector<16xf32>,
        %mul3A_136 = arith.constant 512 : i32
        %mul3A_137 = arith.muli %scan3A_104, %mul3A_136 : i32
        %add3A_138 = arith.constant 8 : i32
        %add3A_139 = arith.addi %mul3A_137, %add3A_138 : i32
        %add3A_140 = arith.constant 1 : i32
        %add3A_141 = arith.addi %add3A_139, %add3A_140 : i32
        %add3A_142 = vector.broadcast %add3A_141 : i32 to vector<16xi32>
        %add3A_143 = arith.addi %mul3A_3, %add3A_142 : vector<16xi32>
        tpu.vector_store_idx %arg10[%add3A_143], %get3A_115 : memref<20480xf32, #tpu.memory_space<vmem>>[vector<16xi32>], vector<16xf32>,
        %mul3A_144 = arith.constant 512 : i32
        %mul3A_145 = arith.muli %scan3A_104, %mul3A_144 : i32
        %add3A_146 = arith.constant 8 : i32
        %add3A_147 = arith.addi %mul3A_145, %add3A_146 : i32
        %add3A_148 = arith.constant 2 : i32
        %add3A_149 = arith.addi %add3A_147, %add3A_148 : i32
        %add3A_150 = vector.broadcast %add3A_149 : i32 to vector<16xi32>
        %add3A_151 = arith.addi %mul3A_3, %add3A_150 : vector<16xi32>
        tpu.vector_store_idx %arg10[%add3A_151], %get3A_121 : memref<20480xf32, #tpu.memory_space<vmem>>[vector<16xi32>], vector<16xf32>,
        %mul3A_152 = arith.constant 512 : i32
        %mul3A_153 = arith.muli %scan3A_104, %mul3A_152 : i32
        %add3A_154 = arith.constant 8 : i32
        %add3A_155 = arith.addi %mul3A_153, %add3A_154 : i32
        %add3A_156 = arith.constant 3 : i32
        %add3A_157 = arith.addi %add3A_155, %add3A_156 : i32
        %add3A_158 = vector.broadcast %add3A_157 : i32 to vector<16xi32>
        %add3A_159 = arith.addi %mul3A_3, %add3A_158 : vector<16xi32>
        tpu.vector_store_idx %arg10[%add3A_159], %get3A_127 : memref<20480xf32, #tpu.memory_space<vmem>>[vector<16xi32>], vector<16xf32>,
      }
      %scan3A_73 = arith.constant 36 : i32
      %scan3A_74 = arith.constant 0 : i32
      %scan3A_75 = arith.constant 0 : i32
      %scan3A_76 = arith.constant 36 : i32
      %scan3A_77 = arith.addi %scan3A_75, %scan3A_76 : i32
      %scan3A_78 = arith.constant 1 : i32
      scf.for %scan3A_104 = %scan3A_75 to %scan3A_77 step %scan3A_78  : i32 {
        %mul3A_105 = arith.constant 16 : i32
        %mul3A_106 = arith.muli %scan3A_104, %mul3A_105 : i32
        %get3A = arith.constant 12 : i32
        %get3A_107 = arith.index_cast %get3A : i32 to index
        %get3A_108 = arith.index_cast %mul3A_106 : i32 to index
        %get3A_109 = tpu.vector_load %arg9[%get3A_107, %get3A_108] {strides = array<i32>} : memref<32x640xf32, #tpu.memory_space<vmem>>, vector<16xf32>,
        %mul3A_110 = arith.constant 16 : i32
        %mul3A_111 = arith.muli %scan3A_104, %mul3A_110 : i32
        %get3A_112 = arith.constant 13 : i32
        %get3A_113 = arith.index_cast %get3A_112 : i32 to index
        %get3A_114 = arith.index_cast %mul3A_111 : i32 to index
        %get3A_115 = tpu.vector_load %arg9[%get3A_113, %get3A_114] {strides = array<i32>} : memref<32x640xf32, #tpu.memory_space<vmem>>, vector<16xf32>,
        %mul3A_116 = arith.constant 16 : i32
        %mul3A_117 = arith.muli %scan3A_104, %mul3A_116 : i32
        %get3A_118 = arith.constant 14 : i32
        %get3A_119 = arith.index_cast %get3A_118 : i32 to index
        %get3A_120 = arith.index_cast %mul3A_117 : i32 to index
        %get3A_121 = tpu.vector_load %arg9[%get3A_119, %get3A_120] {strides = array<i32>} : memref<32x640xf32, #tpu.memory_space<vmem>>, vector<16xf32>,
        %mul3A_122 = arith.constant 16 : i32
        %mul3A_123 = arith.muli %scan3A_104, %mul3A_122 : i32
        %get3A_124 = arith.constant 15 : i32
        %get3A_125 = arith.index_cast %get3A_124 : i32 to index
        %get3A_126 = arith.index_cast %mul3A_123 : i32 to index
        %get3A_127 = tpu.vector_load %arg9[%get3A_125, %get3A_126] {strides = array<i32>} : memref<32x640xf32, #tpu.memory_space<vmem>>, vector<16xf32>,
        %mul3A_128 = arith.constant 512 : i32
        %mul3A_129 = arith.muli %scan3A_104, %mul3A_128 : i32
        %add3A_130 = arith.constant 12 : i32
        %add3A_131 = arith.addi %mul3A_129, %add3A_130 : i32
        %add3A_132 = arith.constant 0 : i32
        %add3A_133 = arith.addi %add3A_131, %add3A_132 : i32
        %add3A_134 = vector.broadcast %add3A_133 : i32 to vector<16xi32>
        %add3A_135 = arith.addi %mul3A_3, %add3A_134 : vector<16xi32>
        tpu.vector_store_idx %arg10[%add3A_135], %get3A_109 : memref<20480xf32, #tpu.memory_space<vmem>>[vector<16xi32>], vector<16xf32>,
        %mul3A_136 = arith.constant 512 : i32
        %mul3A_137 = arith.muli %scan3A_104, %mul3A_136 : i32
        %add3A_138 = arith.constant 12 : i32
        %add3A_139 = arith.addi %mul3A_137, %add3A_138 : i32
        %add3A_140 = arith.constant 1 : i32
        %add3A_141 = arith.addi %add3A_139, %add3A_140 : i32
        %add3A_142 = vector.broadcast %add3A_141 : i32 to vector<16xi32>
        %add3A_143 = arith.addi %mul3A_3, %add3A_142 : vector<16xi32>
        tpu.vector_store_idx %arg10[%add3A_143], %get3A_115 : memref<20480xf32, #tpu.memory_space<vmem>>[vector<16xi32>], vector<16xf32>,
        %mul3A_144 = arith.constant 512 : i32
        %mul3A_145 = arith.muli %scan3A_104, %mul3A_144 : i32
        %add3A_146 = arith.constant 12 : i32
        %add3A_147 = arith.addi %mul3A_145, %add3A_146 : i32
        %add3A_148 = arith.constant 2 : i32
        %add3A_149 = arith.addi %add3A_147, %add3A_148 : i32
        %add3A_150 = vector.broadcast %add3A_149 : i32 to vector<16xi32>
        %add3A_151 = arith.addi %mul3A_3, %add3A_150 : vector<16xi32>
        tpu.vector_store_idx %arg10[%add3A_151], %get3A_121 : memref<20480xf32, #tpu.memory_space<vmem>>[vector<16xi32>], vector<16xf32>,
        %mul3A_152 = arith.constant 512 : i32
        %mul3A_153 = arith.muli %scan3A_104, %mul3A_152 : i32
        %add3A_154 = arith.constant 12 : i32
        %add3A_155 = arith.addi %mul3A_153, %add3A_154 : i32
        %add3A_156 = arith.constant 3 : i32
        %add3A_157 = arith.addi %add3A_155, %add3A_156 : i32
        %add3A_158 = vector.broadcast %add3A_157 : i32 to vector<16xi32>
        %add3A_159 = arith.addi %mul3A_3, %add3A_158 : vector<16xi32>
        tpu.vector_store_idx %arg10[%add3A_159], %get3A_127 : memref<20480xf32, #tpu.memory_space<vmem>>[vector<16xi32>], vector<16xf32>,
      }
      %scan3A_79 = arith.constant 36 : i32
      %scan3A_80 = arith.constant 0 : i32
      %scan3A_81 = arith.constant 0 : i32
      %scan3A_82 = arith.constant 36 : i32
      %scan3A_83 = arith.addi %scan3A_81, %scan3A_82 : i32
      %scan3A_84 = arith.constant 1 : i32
      scf.for %scan3A_104 = %scan3A_81 to %scan3A_83 step %scan3A_84  : i32 {
        %mul3A_105 = arith.constant 16 : i32
        %mul3A_106 = arith.muli %scan3A_104, %mul3A_105 : i32
        %get3A = arith.constant 16 : i32
        %get3A_107 = arith.index_cast %get3A : i32 to index
        %get3A_108 = arith.index_cast %mul3A_106 : i32 to index
        %get3A_109 = tpu.vector_load %arg9[%get3A_107, %get3A_108] {strides = array<i32>} : memref<32x640xf32, #tpu.memory_space<vmem>>, vector<16xf32>,
        %mul3A_110 = arith.constant 16 : i32
        %mul3A_111 = arith.muli %scan3A_104, %mul3A_110 : i32
        %get3A_112 = arith.constant 17 : i32
        %get3A_113 = arith.index_cast %get3A_112 : i32 to index
        %get3A_114 = arith.index_cast %mul3A_111 : i32 to index
        %get3A_115 = tpu.vector_load %arg9[%get3A_113, %get3A_114] {strides = array<i32>} : memref<32x640xf32, #tpu.memory_space<vmem>>, vector<16xf32>,
        %mul3A_116 = arith.constant 16 : i32
        %mul3A_117 = arith.muli %scan3A_104, %mul3A_116 : i32
        %get3A_118 = arith.constant 18 : i32
        %get3A_119 = arith.index_cast %get3A_118 : i32 to index
        %get3A_120 = arith.index_cast %mul3A_117 : i32 to index
        %get3A_121 = tpu.vector_load %arg9[%get3A_119, %get3A_120] {strides = array<i32>} : memref<32x640xf32, #tpu.memory_space<vmem>>, vector<16xf32>,
        %mul3A_122 = arith.constant 16 : i32
        %mul3A_123 = arith.muli %scan3A_104, %mul3A_122 : i32
        %get3A_124 = arith.constant 19 : i32
        %get3A_125 = arith.index_cast %get3A_124 : i32 to index
        %get3A_126 = arith.index_cast %mul3A_123 : i32 to index
        %get3A_127 = tpu.vector_load %arg9[%get3A_125, %get3A_126] {strides = array<i32>} : memref<32x640xf32, #tpu.memory_space<vmem>>, vector<16xf32>,
        %mul3A_128 = arith.constant 512 : i32
        %mul3A_129 = arith.muli %scan3A_104, %mul3A_128 : i32
        %add3A_130 = arith.constant 16 : i32
        %add3A_131 = arith.addi %mul3A_129, %add3A_130 : i32
        %add3A_132 = arith.constant 0 : i32
        %add3A_133 = arith.addi %add3A_131, %add3A_132 : i32
        %add3A_134 = vector.broadcast %add3A_133 : i32 to vector<16xi32>
        %add3A_135 = arith.addi %mul3A_3, %add3A_134 : vector<16xi32>
        tpu.vector_store_idx %arg10[%add3A_135], %get3A_109 : memref<20480xf32, #tpu.memory_space<vmem>>[vector<16xi32>], vector<16xf32>,
        %mul3A_136 = arith.constant 512 : i32
        %mul3A_137 = arith.muli %scan3A_104, %mul3A_136 : i32
        %add3A_138 = arith.constant 16 : i32
        %add3A_139 = arith.addi %mul3A_137, %add3A_138 : i32
        %add3A_140 = arith.constant 1 : i32
        %add3A_141 = arith.addi %add3A_139, %add3A_140 : i32
        %add3A_142 = vector.broadcast %add3A_141 : i32 to vector<16xi32>
        %add3A_143 = arith.addi %mul3A_3, %add3A_142 : vector<16xi32>
        tpu.vector_store_idx %arg10[%add3A_143], %get3A_115 : memref<20480xf32, #tpu.memory_space<vmem>>[vector<16xi32>], vector<16xf32>,
        %mul3A_144 = arith.constant 512 : i32
        %mul3A_145 = arith.muli %scan3A_104, %mul3A_144 : i32
        %add3A_146 = arith.constant 16 : i32
        %add3A_147 = arith.addi %mul3A_145, %add3A_146 : i32
        %add3A_148 = arith.constant 2 : i32
        %add3A_149 = arith.addi %add3A_147, %add3A_148 : i32
        %add3A_150 = vector.broadcast %add3A_149 : i32 to vector<16xi32>
        %add3A_151 = arith.addi %mul3A_3, %add3A_150 : vector<16xi32>
        tpu.vector_store_idx %arg10[%add3A_151], %get3A_121 : memref<20480xf32, #tpu.memory_space<vmem>>[vector<16xi32>], vector<16xf32>,
        %mul3A_152 = arith.constant 512 : i32
        %mul3A_153 = arith.muli %scan3A_104, %mul3A_152 : i32
        %add3A_154 = arith.constant 16 : i32
        %add3A_155 = arith.addi %mul3A_153, %add3A_154 : i32
        %add3A_156 = arith.constant 3 : i32
        %add3A_157 = arith.addi %add3A_155, %add3A_156 : i32
        %add3A_158 = vector.broadcast %add3A_157 : i32 to vector<16xi32>
        %add3A_159 = arith.addi %mul3A_3, %add3A_158 : vector<16xi32>
        tpu.vector_store_idx %arg10[%add3A_159], %get3A_127 : memref<20480xf32, #tpu.memory_space<vmem>>[vector<16xi32>], vector<16xf32>,
      }
      %scan3A_85 = arith.constant 36 : i32
      %scan3A_86 = arith.constant 0 : i32
      %scan3A_87 = arith.constant 0 : i32
      %scan3A_88 = arith.constant 36 : i32
      %scan3A_89 = arith.addi %scan3A_87, %scan3A_88 : i32
      %scan3A_90 = arith.constant 1 : i32
      scf.for %scan3A_104 = %scan3A_87 to %scan3A_89 step %scan3A_90  : i32 {
        %mul3A_105 = arith.constant 16 : i32
        %mul3A_106 = arith.muli %scan3A_104, %mul3A_105 : i32
        %get3A = arith.constant 20 : i32
        %get3A_107 = arith.index_cast %get3A : i32 to index
        %get3A_108 = arith.index_cast %mul3A_106 : i32 to index
        %get3A_109 = tpu.vector_load %arg9[%get3A_107, %get3A_108] {strides = array<i32>} : memref<32x640xf32, #tpu.memory_space<vmem>>, vector<16xf32>,
        %mul3A_110 = arith.constant 16 : i32
        %mul3A_111 = arith.muli %scan3A_104, %mul3A_110 : i32
        %get3A_112 = arith.constant 21 : i32
        %get3A_113 = arith.index_cast %get3A_112 : i32 to index
        %get3A_114 = arith.index_cast %mul3A_111 : i32 to index
        %get3A_115 = tpu.vector_load %arg9[%get3A_113, %get3A_114] {strides = array<i32>} : memref<32x640xf32, #tpu.memory_space<vmem>>, vector<16xf32>,
        %mul3A_116 = arith.constant 16 : i32
        %mul3A_117 = arith.muli %scan3A_104, %mul3A_116 : i32
        %get3A_118 = arith.constant 22 : i32
        %get3A_119 = arith.index_cast %get3A_118 : i32 to index
        %get3A_120 = arith.index_cast %mul3A_117 : i32 to index
        %get3A_121 = tpu.vector_load %arg9[%get3A_119, %get3A_120] {strides = array<i32>} : memref<32x640xf32, #tpu.memory_space<vmem>>, vector<16xf32>,
        %mul3A_122 = arith.constant 16 : i32
        %mul3A_123 = arith.muli %scan3A_104, %mul3A_122 : i32
        %get3A_124 = arith.constant 23 : i32
        %get3A_125 = arith.index_cast %get3A_124 : i32 to index
        %get3A_126 = arith.index_cast %mul3A_123 : i32 to index
        %get3A_127 = tpu.vector_load %arg9[%get3A_125, %get3A_126] {strides = array<i32>} : memref<32x640xf32, #tpu.memory_space<vmem>>, vector<16xf32>,
        %mul3A_128 = arith.constant 512 : i32
        %mul3A_129 = arith.muli %scan3A_104, %mul3A_128 : i32
        %add3A_130 = arith.constant 20 : i32
        %add3A_131 = arith.addi %mul3A_129, %add3A_130 : i32
        %add3A_132 = arith.constant 0 : i32
        %add3A_133 = arith.addi %add3A_131, %add3A_132 : i32
        %add3A_134 = vector.broadcast %add3A_133 : i32 to vector<16xi32>
        %add3A_135 = arith.addi %mul3A_3, %add3A_134 : vector<16xi32>
        tpu.vector_store_idx %arg10[%add3A_135], %get3A_109 : memref<20480xf32, #tpu.memory_space<vmem>>[vector<16xi32>], vector<16xf32>,
        %mul3A_136 = arith.constant 512 : i32
        %mul3A_137 = arith.muli %scan3A_104, %mul3A_136 : i32
        %add3A_138 = arith.constant 20 : i32
        %add3A_139 = arith.addi %mul3A_137, %add3A_138 : i32
        %add3A_140 = arith.constant 1 : i32
        %add3A_141 = arith.addi %add3A_139, %add3A_140 : i32
        %add3A_142 = vector.broadcast %add3A_141 : i32 to vector<16xi32>
        %add3A_143 = arith.addi %mul3A_3, %add3A_142 : vector<16xi32>
        tpu.vector_store_idx %arg10[%add3A_143], %get3A_115 : memref<20480xf32, #tpu.memory_space<vmem>>[vector<16xi32>], vector<16xf32>,
        %mul3A_144 = arith.constant 512 : i32
        %mul3A_145 = arith.muli %scan3A_104, %mul3A_144 : i32
        %add3A_146 = arith.constant 20 : i32
        %add3A_147 = arith.addi %mul3A_145, %add3A_146 : i32
        %add3A_148 = arith.constant 2 : i32
        %add3A_149 = arith.addi %add3A_147, %add3A_148 : i32
        %add3A_150 = vector.broadcast %add3A_149 : i32 to vector<16xi32>
        %add3A_151 = arith.addi %mul3A_3, %add3A_150 : vector<16xi32>
        tpu.vector_store_idx %arg10[%add3A_151], %get3A_121 : memref<20480xf32, #tpu.memory_space<vmem>>[vector<16xi32>], vector<16xf32>,
        %mul3A_152 = arith.constant 512 : i32
        %mul3A_153 = arith.muli %scan3A_104, %mul3A_152 : i32
        %add3A_154 = arith.constant 20 : i32
        %add3A_155 = arith.addi %mul3A_153, %add3A_154 : i32
        %add3A_156 = arith.constant 3 : i32
        %add3A_157 = arith.addi %add3A_155, %add3A_156 : i32
        %add3A_158 = vector.broadcast %add3A_157 : i32 to vector<16xi32>
        %add3A_159 = arith.addi %mul3A_3, %add3A_158 : vector<16xi32>
        tpu.vector_store_idx %arg10[%add3A_159], %get3A_127 : memref<20480xf32, #tpu.memory_space<vmem>>[vector<16xi32>], vector<16xf32>,
      }
      %scan3A_91 = arith.constant 36 : i32
      %scan3A_92 = arith.constant 0 : i32
      %scan3A_93 = arith.constant 0 : i32
      %scan3A_94 = arith.constant 36 : i32
      %scan3A_95 = arith.addi %scan3A_93, %scan3A_94 : i32
      %scan3A_96 = arith.constant 1 : i32
      scf.for %scan3A_104 = %scan3A_93 to %scan3A_95 step %scan3A_96  : i32 {
        %mul3A_105 = arith.constant 16 : i32
        %mul3A_106 = arith.muli %scan3A_104, %mul3A_105 : i32
        %get3A = arith.constant 24 : i32
        %get3A_107 = arith.index_cast %get3A : i32 to index
        %get3A_108 = arith.index_cast %mul3A_106 : i32 to index
        %get3A_109 = tpu.vector_load %arg9[%get3A_107, %get3A_108] {strides = array<i32>} : memref<32x640xf32, #tpu.memory_space<vmem>>, vector<16xf32>,
        %mul3A_110 = arith.constant 16 : i32
        %mul3A_111 = arith.muli %scan3A_104, %mul3A_110 : i32
        %get3A_112 = arith.constant 25 : i32
        %get3A_113 = arith.index_cast %get3A_112 : i32 to index
        %get3A_114 = arith.index_cast %mul3A_111 : i32 to index
        %get3A_115 = tpu.vector_load %arg9[%get3A_113, %get3A_114] {strides = array<i32>} : memref<32x640xf32, #tpu.memory_space<vmem>>, vector<16xf32>,
        %mul3A_116 = arith.constant 16 : i32
        %mul3A_117 = arith.muli %scan3A_104, %mul3A_116 : i32
        %get3A_118 = arith.constant 26 : i32
        %get3A_119 = arith.index_cast %get3A_118 : i32 to index
        %get3A_120 = arith.index_cast %mul3A_117 : i32 to index
        %get3A_121 = tpu.vector_load %arg9[%get3A_119, %get3A_120] {strides = array<i32>} : memref<32x640xf32, #tpu.memory_space<vmem>>, vector<16xf32>,
        %mul3A_122 = arith.constant 16 : i32
        %mul3A_123 = arith.muli %scan3A_104, %mul3A_122 : i32
        %get3A_124 = arith.constant 27 : i32
        %get3A_125 = arith.index_cast %get3A_124 : i32 to index
        %get3A_126 = arith.index_cast %mul3A_123 : i32 to index
        %get3A_127 = tpu.vector_load %arg9[%get3A_125, %get3A_126] {strides = array<i32>} : memref<32x640xf32, #tpu.memory_space<vmem>>, vector<16xf32>,
        %mul3A_128 = arith.constant 512 : i32
        %mul3A_129 = arith.muli %scan3A_104, %mul3A_128 : i32
        %add3A_130 = arith.constant 24 : i32
        %add3A_131 = arith.addi %mul3A_129, %add3A_130 : i32
        %add3A_132 = arith.constant 0 : i32
        %add3A_133 = arith.addi %add3A_131, %add3A_132 : i32
        %add3A_134 = vector.broadcast %add3A_133 : i32 to vector<16xi32>
        %add3A_135 = arith.addi %mul3A_3, %add3A_134 : vector<16xi32>
        tpu.vector_store_idx %arg10[%add3A_135], %get3A_109 : memref<20480xf32, #tpu.memory_space<vmem>>[vector<16xi32>], vector<16xf32>,
        %mul3A_136 = arith.constant 512 : i32
        %mul3A_137 = arith.muli %scan3A_104, %mul3A_136 : i32
        %add3A_138 = arith.constant 24 : i32
        %add3A_139 = arith.addi %mul3A_137, %add3A_138 : i32
        %add3A_140 = arith.constant 1 : i32
        %add3A_141 = arith.addi %add3A_139, %add3A_140 : i32
        %add3A_142 = vector.broadcast %add3A_141 : i32 to vector<16xi32>
        %add3A_143 = arith.addi %mul3A_3, %add3A_142 : vector<16xi32>
        tpu.vector_store_idx %arg10[%add3A_143], %get3A_115 : memref<20480xf32, #tpu.memory_space<vmem>>[vector<16xi32>], vector<16xf32>,
        %mul3A_144 = arith.constant 512 : i32
        %mul3A_145 = arith.muli %scan3A_104, %mul3A_144 : i32
        %add3A_146 = arith.constant 24 : i32
        %add3A_147 = arith.addi %mul3A_145, %add3A_146 : i32
        %add3A_148 = arith.constant 2 : i32
        %add3A_149 = arith.addi %add3A_147, %add3A_148 : i32
        %add3A_150 = vector.broadcast %add3A_149 : i32 to vector<16xi32>
        %add3A_151 = arith.addi %mul3A_3, %add3A_150 : vector<16xi32>
        tpu.vector_store_idx %arg10[%add3A_151], %get3A_121 : memref<20480xf32, #tpu.memory_space<vmem>>[vector<16xi32>], vector<16xf32>,
        %mul3A_152 = arith.constant 512 : i32
        %mul3A_153 = arith.muli %scan3A_104, %mul3A_152 : i32
        %add3A_154 = arith.constant 24 : i32
        %add3A_155 = arith.addi %mul3A_153, %add3A_154 : i32
        %add3A_156 = arith.constant 3 : i32
        %add3A_157 = arith.addi %add3A_155, %add3A_156 : i32
        %add3A_158 = vector.broadcast %add3A_157 : i32 to vector<16xi32>
        %add3A_159 = arith.addi %mul3A_3, %add3A_158 : vector<16xi32>
        tpu.vector_store_idx %arg10[%add3A_159], %get3A_127 : memref<20480xf32, #tpu.memory_space<vmem>>[vector<16xi32>], vector<16xf32>,
      }
      %scan3A_97 = arith.constant 36 : i32
      %scan3A_98 = arith.constant 0 : i32
      %scan3A_99 = arith.constant 0 : i32
      %scan3A_100 = arith.constant 36 : i32
      %scan3A_101 = arith.addi %scan3A_99, %scan3A_100 : i32
      %scan3A_102 = arith.constant 1 : i32
      scf.for %scan3A_104 = %scan3A_99 to %scan3A_101 step %scan3A_102  : i32 {
        %mul3A_105 = arith.constant 16 : i32
        %mul3A_106 = arith.muli %scan3A_104, %mul3A_105 : i32
        %get3A = arith.constant 28 : i32
        %get3A_107 = arith.index_cast %get3A : i32 to index
        %get3A_108 = arith.index_cast %mul3A_106 : i32 to index
        %get3A_109 = tpu.vector_load %arg9[%get3A_107, %get3A_108] {strides = array<i32>} : memref<32x640xf32, #tpu.memory_space<vmem>>, vector<16xf32>,
        %mul3A_110 = arith.constant 16 : i32
        %mul3A_111 = arith.muli %scan3A_104, %mul3A_110 : i32
        %get3A_112 = arith.constant 29 : i32
        %get3A_113 = arith.index_cast %get3A_112 : i32 to index
        %get3A_114 = arith.index_cast %mul3A_111 : i32 to index
        %get3A_115 = tpu.vector_load %arg9[%get3A_113, %get3A_114] {strides = array<i32>} : memref<32x640xf32, #tpu.memory_space<vmem>>, vector<16xf32>,
        %mul3A_116 = arith.constant 16 : i32
        %mul3A_117 = arith.muli %scan3A_104, %mul3A_116 : i32
        %get3A_118 = arith.constant 30 : i32
        %get3A_119 = arith.index_cast %get3A_118 : i32 to index
        %get3A_120 = arith.index_cast %mul3A_117 : i32 to index
        %get3A_121 = tpu.vector_load %arg9[%get3A_119, %get3A_120] {strides = array<i32>} : memref<32x640xf32, #tpu.memory_space<vmem>>, vector<16xf32>,
        %mul3A_122 = arith.constant 16 : i32
        %mul3A_123 = arith.muli %scan3A_104, %mul3A_122 : i32
        %get3A_124 = arith.constant 31 : i32
        %get3A_125 = arith.index_cast %get3A_124 : i32 to index
        %get3A_126 = arith.index_cast %mul3A_123 : i32 to index
        %get3A_127 = tpu.vector_load %arg9[%get3A_125, %get3A_126] {strides = array<i32>} : memref<32x640xf32, #tpu.memory_space<vmem>>, vector<16xf32>,
        %mul3A_128 = arith.constant 512 : i32
        %mul3A_129 = arith.muli %scan3A_104, %mul3A_128 : i32
        %add3A_130 = arith.constant 28 : i32
        %add3A_131 = arith.addi %mul3A_129, %add3A_130 : i32
        %add3A_132 = arith.constant 0 : i32
        %add3A_133 = arith.addi %add3A_131, %add3A_132 : i32
        %add3A_134 = vector.broadcast %add3A_133 : i32 to vector<16xi32>
        %add3A_135 = arith.addi %mul3A_3, %add3A_134 : vector<16xi32>
        tpu.vector_store_idx %arg10[%add3A_135], %get3A_109 : memref<20480xf32, #tpu.memory_space<vmem>>[vector<16xi32>], vector<16xf32>,
        %mul3A_136 = arith.constant 512 : i32
        %mul3A_137 = arith.muli %scan3A_104, %mul3A_136 : i32
        %add3A_138 = arith.constant 28 : i32
        %add3A_139 = arith.addi %mul3A_137, %add3A_138 : i32
        %add3A_140 = arith.constant 1 : i32
        %add3A_141 = arith.addi %add3A_139, %add3A_140 : i32
        %add3A_142 = vector.broadcast %add3A_141 : i32 to vector<16xi32>
        %add3A_143 = arith.addi %mul3A_3, %add3A_142 : vector<16xi32>
        tpu.vector_store_idx %arg10[%add3A_143], %get3A_115 : memref<20480xf32, #tpu.memory_space<vmem>>[vector<16xi32>], vector<16xf32>,
        %mul3A_144 = arith.constant 512 : i32
        %mul3A_145 = arith.muli %scan3A_104, %mul3A_144 : i32
        %add3A_146 = arith.constant 28 : i32
        %add3A_147 = arith.addi %mul3A_145, %add3A_146 : i32
        %add3A_148 = arith.constant 2 : i32
        %add3A_149 = arith.addi %add3A_147, %add3A_148 : i32
        %add3A_150 = vector.broadcast %add3A_149 : i32 to vector<16xi32>
        %add3A_151 = arith.addi %mul3A_3, %add3A_150 : vector<16xi32>
        tpu.vector_store_idx %arg10[%add3A_151], %get3A_121 : memref<20480xf32, #tpu.memory_space<vmem>>[vector<16xi32>], vector<16xf32>,
        %mul3A_152 = arith.constant 512 : i32
        %mul3A_153 = arith.muli %scan3A_104, %mul3A_152 : i32
        %add3A_154 = arith.constant 28 : i32
        %add3A_155 = arith.addi %mul3A_153, %add3A_154 : i32
        %add3A_156 = arith.constant 3 : i32
        %add3A_157 = arith.addi %add3A_155, %add3A_156 : i32
        %add3A_158 = vector.broadcast %add3A_157 : i32 to vector<16xi32>
        %add3A_159 = arith.addi %mul3A_3, %add3A_158 : vector<16xi32>
        tpu.vector_store_idx %arg10[%add3A_159], %get3A_127 : memref<20480xf32, #tpu.memory_space<vmem>>[vector<16xi32>], vector<16xf32>,
      }
      %scan3A_103 = arith.constant 36 : i32
      "tpu.region"() ({
        %run_scoped3A = tpu.sem_alloc : memref<!tpu.dma_semaphore, #tpu.memory_space<semaphore_mem>>
        %dma_start3A_104 = arith.constant 0 : i32
        %dma_start3A_105 = tpu.memref_slice %arg10[%dma_start3A_104] : memref<20480xf32, #tpu.memory_space<vmem>> -> memref<18432xf32, #tpu.memory_space<vmem>>
        %dma_start3A_106 = arith.constant 31981568 : i32
        %dma_start3A_107 = tpu.memref_slice %arg4[%dma_start3A_106] : memref<32000000xf32, #tpu.memory_space<hbm>> -> memref<18432xf32, #tpu.memory_space<hbm>>
        %dma_start3A_108 = arith.constant 31981568 : i32
        %dma_start3A_109 = tpu.memref_slice %arg4[%dma_start3A_108] : memref<32000000xf32, #tpu.memory_space<hbm>> -> memref<18432xf32, #tpu.memory_space<hbm>>
        %dma_start3A_110 = arith.constant 0 : i32
        %dma_start3A_111 = tpu.memref_slice %arg10[%dma_start3A_110] : memref<20480xf32, #tpu.memory_space<vmem>> -> memref<18432xf32, #tpu.memory_space<vmem>>
        tpu.enqueue_dma source(%dma_start3A_111 : memref<18432xf32, #tpu.memory_space<vmem>>) target(%dma_start3A_109 : memref<18432xf32, #tpu.memory_space<hbm>>) target_semaphore(%run_scoped3A : memref<!tpu.dma_semaphore, #tpu.memory_space<semaphore_mem>>)
        %dma_wait3A_112 = arith.constant 0 : i32
        %dma_wait3A_113 = tpu.memref_slice %arg10[%dma_wait3A_112] : memref<20480xf32, #tpu.memory_space<vmem>> -> memref<18432xf32, #tpu.memory_space<vmem>>
        %dma_wait3A_114 = arith.constant 31981568 : i32
        %dma_wait3A_115 = tpu.memref_slice %arg4[%dma_wait3A_114] : memref<32000000xf32, #tpu.memory_space<hbm>> -> memref<18432xf32, #tpu.memory_space<hbm>>
        %dma_wait3A_116 = arith.constant 31981568 : i32
        %dma_wait3A_117 = tpu.memref_slice %arg4[%dma_wait3A_116] : memref<32000000xf32, #tpu.memory_space<hbm>> -> memref<18432xf32, #tpu.memory_space<hbm>>
        %dma_wait3A_118 = arith.constant 0 : i32
        %dma_wait3A_119 = tpu.memref_slice %arg10[%dma_wait3A_118] : memref<20480xf32, #tpu.memory_space<vmem>> -> memref<18432xf32, #tpu.memory_space<vmem>>
        tpu.wait_dma2 semaphore(%run_scoped3A : memref<!tpu.dma_semaphore, #tpu.memory_space<semaphore_mem>>) src(%dma_wait3A_119 : memref<18432xf32, #tpu.memory_space<vmem>>) dst(%dma_wait3A_117 : memref<18432xf32, #tpu.memory_space<hbm>>)
        tpu.yield
      }) : () -> ()
    } else {
    }
    return
  }
}

#map = affine_map<(d0, d1) -> (0)>
#map1 = affine_map<(d0, d1) -> (0, 0)>
module attributes {stable_mosaic.version = 14 : i64} {
  func.func @gather_kernel(%arg0: i32, %arg1: i32, %arg2: memref<819200xi32, #tpu.memory_space<hbm>>, %arg3: memref<1000000x32xf32, #tpu.memory_space<hbm>>, %arg4: memref<819200x128xf32, #tpu.memory_space<hbm>>, %arg5: memref<25600xi32, #tpu.memory_space<vmem>>, %arg6: memref<512x32xf32, #tpu.memory_space<vmem>>, %arg7: memref<512x32xf32, #tpu.memory_space<vmem>>, %arg8: memref<512x32xf32, #tpu.memory_space<vmem>>, %arg9: memref<512x32xf32, #tpu.memory_space<vmem>>, %arg10: memref<512x32xf32, #tpu.memory_space<vmem>>, %arg11: memref<!tpu.dma_semaphore, #tpu.memory_space<semaphore_mem>>, %arg12: memref<!tpu.dma_semaphore, #tpu.memory_space<semaphore_mem>>, %arg13: memref<!tpu.dma_semaphore, #tpu.memory_space<semaphore_mem>>, %arg14: memref<!tpu.dma_semaphore, #tpu.memory_space<semaphore_mem>>, %arg15: memref<!tpu.dma_semaphore, #tpu.memory_space<semaphore_mem>>, %arg16: memref<!tpu.dma_semaphore, #tpu.memory_space<semaphore_mem>>, %arg17: memref<!tpu.dma_semaphore, #tpu.memory_space<semaphore_mem>>, %arg18: memref<!tpu.dma_semaphore, #tpu.memory_space<semaphore_mem>>, %arg19: memref<!tpu.dma_semaphore, #tpu.memory_space<semaphore_mem>>, %arg20: memref<!tpu.dma_semaphore, #tpu.memory_space<semaphore_mem>>) attributes {dimension_semantics = [#tpu.dimension_semantics<core_parallel>, #tpu.dimension_semantics<subcore_parallel>], iteration_bounds = array<i64: 2, 16>, scalar_prefetch = 0 : i64, scratch_operands = 16 : i64, tpu.core_type = #tpu.core_type<sc_vector_subcore>, window_params = [{transform_indices = #map}, {transform_indices = #map1}, {transform_indices = #map1}]} {
    %mul3A = arith.constant 2 : i32
    %mul3A_0 = arith.muli %arg1, %mul3A : i32
    %add3A = arith.addi %mul3A_0, %arg0 : i32
    %mul3A_1 = arith.constant 25600 : i32
    %mul3A_2 = arith.muli %add3A, %mul3A_1 : i32
    "tpu.region"() ({
      %run_scoped3A = tpu.sem_alloc : memref<!tpu.dma_semaphore, #tpu.memory_space<semaphore_mem>>
      %dma_start3A = tpu.memref_slice %arg2[%mul3A_2] : memref<819200xi32, #tpu.memory_space<hbm>> -> memref<25600xi32, #tpu.memory_space<hbm>>
      %dma_start3A_27 = tpu.memref_slice %arg2[%mul3A_2] : memref<819200xi32, #tpu.memory_space<hbm>> -> memref<25600xi32, #tpu.memory_space<hbm>>
      tpu.enqueue_dma source(%dma_start3A_27 : memref<25600xi32, #tpu.memory_space<hbm>>) target(%arg5 : memref<25600xi32, #tpu.memory_space<vmem>>) target_semaphore(%run_scoped3A : memref<!tpu.dma_semaphore, #tpu.memory_space<semaphore_mem>>)
      %dma_wait3A_28 = tpu.memref_slice %arg2[%mul3A_2] : memref<819200xi32, #tpu.memory_space<hbm>> -> memref<25600xi32, #tpu.memory_space<hbm>>
      %dma_wait3A_29 = tpu.memref_slice %arg2[%mul3A_2] : memref<819200xi32, #tpu.memory_space<hbm>> -> memref<25600xi32, #tpu.memory_space<hbm>>
      tpu.wait_dma2 semaphore(%run_scoped3A : memref<!tpu.dma_semaphore, #tpu.memory_space<semaphore_mem>>) src(%dma_wait3A_29 : memref<25600xi32, #tpu.memory_space<hbm>>) dst(%arg5 : memref<25600xi32, #tpu.memory_space<vmem>>)
      tpu.yield
    }) : () -> ()
    %scan3A = arith.constant 0 : i32
    %scan3A_3 = arith.constant 0 : i32
    %scan3A_4 = arith.constant 10 : i32
    %scan3A_5 = arith.addi %scan3A_3, %scan3A_4 : i32
    %scan3A_6 = arith.constant 1 : i32
    scf.for %scan3A_27 = %scan3A_3 to %scan3A_5 step %scan3A_6  : i32 {
      %mul3A_28 = arith.constant 2560 : i32
      %mul3A_29 = arith.muli %scan3A_27, %mul3A_28 : i32
      %add3A_30 = arith.constant 0 : i32
      %add3A_31 = arith.addi %mul3A_29, %add3A_30 : i32
      %gt3A = arith.constant 0 : i32
      %gt3A_32 = arith.cmpi sgt, %scan3A_27, %gt3A : i32
      %convert_element_type3A = arith.extui %gt3A_32 : i1 to i32
      %cond3A = arith.constant 0 : i32
      %cond3A_33 = arith.cmpi ne, %convert_element_type3A, %cond3A : i32
      scf.if %cond3A_33 {
        %add3A_136 = arith.addi %mul3A_2, %add3A_31 : i32
        %dma_wait3A_137 = arith.constant 0 : i32
        %dma_wait3A_138 = tpu.memref_slice %arg4[%add3A_136, %dma_wait3A_137] : memref<819200x128xf32, #tpu.memory_space<hbm>> -> memref<512x32xf32, #tpu.memory_space<hbm>>
        %dma_wait3A_139 = arith.constant 0 : i32
        %dma_wait3A_140 = tpu.memref_slice %arg4[%add3A_136, %dma_wait3A_139] : memref<819200x128xf32, #tpu.memory_space<hbm>> -> memref<512x32xf32, #tpu.memory_space<hbm>>
        tpu.wait_dma2 semaphore(%arg16 : memref<!tpu.dma_semaphore, #tpu.memory_space<semaphore_mem>>) src(%arg6 : memref<512x32xf32, #tpu.memory_space<vmem>>) dst(%dma_wait3A_140 : memref<512x32xf32, #tpu.memory_space<hbm>>)
      } else {
      }
      %dma_start3A = tpu.memref_slice %arg5[%add3A_31] : memref<25600xi32, #tpu.memory_space<vmem>> -> memref<512xi32, #tpu.memory_space<vmem>>
      %dma_start3A_34 = arith.constant 0 : i32
      %dma_start3A_35 = arith.constant 0 : i32
      %dma_start3A_36 = tpu.memref_slice %arg3[%dma_start3A_34, %dma_start3A_35] : memref<1000000x32xf32, #tpu.memory_space<hbm>> -> memref<1000000x32xf32, #tpu.memory_space<hbm>>
      tpu.enqueue_indirect_dma source(%dma_start3A_36 : memref<1000000x32xf32, #tpu.memory_space<hbm>>) target(%arg6 : memref<512x32xf32, #tpu.memory_space<vmem>>) offsets(%dma_start3A : memref<512xi32, #tpu.memory_space<vmem>>) semaphore(%arg11 : memref<!tpu.dma_semaphore, #tpu.memory_space<semaphore_mem>>)
      %add3A_37 = arith.constant 512 : i32
      %add3A_38 = arith.addi %mul3A_29, %add3A_37 : i32
      %gt3A_39 = arith.constant 0 : i32
      %gt3A_40 = arith.cmpi sgt, %scan3A_27, %gt3A_39 : i32
      %convert_element_type3A_41 = arith.extui %gt3A_40 : i1 to i32
      %cond3A_42 = arith.constant 0 : i32
      %cond3A_43 = arith.cmpi ne, %convert_element_type3A_41, %cond3A_42 : i32
      scf.if %cond3A_43 {
        %add3A_136 = arith.addi %mul3A_2, %add3A_38 : i32
        %dma_wait3A_137 = arith.constant 0 : i32
        %dma_wait3A_138 = tpu.memref_slice %arg4[%add3A_136, %dma_wait3A_137] : memref<819200x128xf32, #tpu.memory_space<hbm>> -> memref<512x32xf32, #tpu.memory_space<hbm>>
        %dma_wait3A_139 = arith.constant 0 : i32
        %dma_wait3A_140 = tpu.memref_slice %arg4[%add3A_136, %dma_wait3A_139] : memref<819200x128xf32, #tpu.memory_space<hbm>> -> memref<512x32xf32, #tpu.memory_space<hbm>>
        tpu.wait_dma2 semaphore(%arg17 : memref<!tpu.dma_semaphore, #tpu.memory_space<semaphore_mem>>) src(%arg7 : memref<512x32xf32, #tpu.memory_space<vmem>>) dst(%dma_wait3A_140 : memref<512x32xf32, #tpu.memory_space<hbm>>)
      } else {
      }
      %dma_start3A_44 = tpu.memref_slice %arg5[%add3A_38] : memref<25600xi32, #tpu.memory_space<vmem>> -> memref<512xi32, #tpu.memory_space<vmem>>
      %dma_start3A_45 = arith.constant 0 : i32
      %dma_start3A_46 = arith.constant 0 : i32
      %dma_start3A_47 = tpu.memref_slice %arg3[%dma_start3A_45, %dma_start3A_46] : memref<1000000x32xf32, #tpu.memory_space<hbm>> -> memref<1000000x32xf32, #tpu.memory_space<hbm>>
      tpu.enqueue_indirect_dma source(%dma_start3A_47 : memref<1000000x32xf32, #tpu.memory_space<hbm>>) target(%arg7 : memref<512x32xf32, #tpu.memory_space<vmem>>) offsets(%dma_start3A_44 : memref<512xi32, #tpu.memory_space<vmem>>) semaphore(%arg12 : memref<!tpu.dma_semaphore, #tpu.memory_space<semaphore_mem>>)
      %add3A_48 = arith.constant 1024 : i32
      %add3A_49 = arith.addi %mul3A_29, %add3A_48 : i32
      %gt3A_50 = arith.constant 0 : i32
      %gt3A_51 = arith.cmpi sgt, %scan3A_27, %gt3A_50 : i32
      %convert_element_type3A_52 = arith.extui %gt3A_51 : i1 to i32
      %cond3A_53 = arith.constant 0 : i32
      %cond3A_54 = arith.cmpi ne, %convert_element_type3A_52, %cond3A_53 : i32
      scf.if %cond3A_54 {
        %add3A_136 = arith.addi %mul3A_2, %add3A_49 : i32
        %dma_wait3A_137 = arith.constant 0 : i32
        %dma_wait3A_138 = tpu.memref_slice %arg4[%add3A_136, %dma_wait3A_137] : memref<819200x128xf32, #tpu.memory_space<hbm>> -> memref<512x32xf32, #tpu.memory_space<hbm>>
        %dma_wait3A_139 = arith.constant 0 : i32
        %dma_wait3A_140 = tpu.memref_slice %arg4[%add3A_136, %dma_wait3A_139] : memref<819200x128xf32, #tpu.memory_space<hbm>> -> memref<512x32xf32, #tpu.memory_space<hbm>>
        tpu.wait_dma2 semaphore(%arg18 : memref<!tpu.dma_semaphore, #tpu.memory_space<semaphore_mem>>) src(%arg8 : memref<512x32xf32, #tpu.memory_space<vmem>>) dst(%dma_wait3A_140 : memref<512x32xf32, #tpu.memory_space<hbm>>)
      } else {
      }
      %dma_start3A_55 = tpu.memref_slice %arg5[%add3A_49] : memref<25600xi32, #tpu.memory_space<vmem>> -> memref<512xi32, #tpu.memory_space<vmem>>
      %dma_start3A_56 = arith.constant 0 : i32
      %dma_start3A_57 = arith.constant 0 : i32
      %dma_start3A_58 = tpu.memref_slice %arg3[%dma_start3A_56, %dma_start3A_57] : memref<1000000x32xf32, #tpu.memory_space<hbm>> -> memref<1000000x32xf32, #tpu.memory_space<hbm>>
      tpu.enqueue_indirect_dma source(%dma_start3A_58 : memref<1000000x32xf32, #tpu.memory_space<hbm>>) target(%arg8 : memref<512x32xf32, #tpu.memory_space<vmem>>) offsets(%dma_start3A_55 : memref<512xi32, #tpu.memory_space<vmem>>) semaphore(%arg13 : memref<!tpu.dma_semaphore, #tpu.memory_space<semaphore_mem>>)
      %add3A_59 = arith.constant 1536 : i32
      %add3A_60 = arith.addi %mul3A_29, %add3A_59 : i32
      %gt3A_61 = arith.constant 0 : i32
      %gt3A_62 = arith.cmpi sgt, %scan3A_27, %gt3A_61 : i32
      %convert_element_type3A_63 = arith.extui %gt3A_62 : i1 to i32
      %cond3A_64 = arith.constant 0 : i32
      %cond3A_65 = arith.cmpi ne, %convert_element_type3A_63, %cond3A_64 : i32
      scf.if %cond3A_65 {
        %add3A_136 = arith.addi %mul3A_2, %add3A_60 : i32
        %dma_wait3A_137 = arith.constant 0 : i32
        %dma_wait3A_138 = tpu.memref_slice %arg4[%add3A_136, %dma_wait3A_137] : memref<819200x128xf32, #tpu.memory_space<hbm>> -> memref<512x32xf32, #tpu.memory_space<hbm>>
        %dma_wait3A_139 = arith.constant 0 : i32
        %dma_wait3A_140 = tpu.memref_slice %arg4[%add3A_136, %dma_wait3A_139] : memref<819200x128xf32, #tpu.memory_space<hbm>> -> memref<512x32xf32, #tpu.memory_space<hbm>>
        tpu.wait_dma2 semaphore(%arg19 : memref<!tpu.dma_semaphore, #tpu.memory_space<semaphore_mem>>) src(%arg9 : memref<512x32xf32, #tpu.memory_space<vmem>>) dst(%dma_wait3A_140 : memref<512x32xf32, #tpu.memory_space<hbm>>)
      } else {
      }
      %dma_start3A_66 = tpu.memref_slice %arg5[%add3A_60] : memref<25600xi32, #tpu.memory_space<vmem>> -> memref<512xi32, #tpu.memory_space<vmem>>
      %dma_start3A_67 = arith.constant 0 : i32
      %dma_start3A_68 = arith.constant 0 : i32
      %dma_start3A_69 = tpu.memref_slice %arg3[%dma_start3A_67, %dma_start3A_68] : memref<1000000x32xf32, #tpu.memory_space<hbm>> -> memref<1000000x32xf32, #tpu.memory_space<hbm>>
      tpu.enqueue_indirect_dma source(%dma_start3A_69 : memref<1000000x32xf32, #tpu.memory_space<hbm>>) target(%arg9 : memref<512x32xf32, #tpu.memory_space<vmem>>) offsets(%dma_start3A_66 : memref<512xi32, #tpu.memory_space<vmem>>) semaphore(%arg14 : memref<!tpu.dma_semaphore, #tpu.memory_space<semaphore_mem>>)
      %add3A_70 = arith.constant 2048 : i32
      %add3A_71 = arith.addi %mul3A_29, %add3A_70 : i32
      %gt3A_72 = arith.constant 0 : i32
      %gt3A_73 = arith.cmpi sgt, %scan3A_27, %gt3A_72 : i32
      %convert_element_type3A_74 = arith.extui %gt3A_73 : i1 to i32
      %cond3A_75 = arith.constant 0 : i32
      %cond3A_76 = arith.cmpi ne, %convert_element_type3A_74, %cond3A_75 : i32
      scf.if %cond3A_76 {
        %add3A_136 = arith.addi %mul3A_2, %add3A_71 : i32
        %dma_wait3A_137 = arith.constant 0 : i32
        %dma_wait3A_138 = tpu.memref_slice %arg4[%add3A_136, %dma_wait3A_137] : memref<819200x128xf32, #tpu.memory_space<hbm>> -> memref<512x32xf32, #tpu.memory_space<hbm>>
        %dma_wait3A_139 = arith.constant 0 : i32
        %dma_wait3A_140 = tpu.memref_slice %arg4[%add3A_136, %dma_wait3A_139] : memref<819200x128xf32, #tpu.memory_space<hbm>> -> memref<512x32xf32, #tpu.memory_space<hbm>>
        tpu.wait_dma2 semaphore(%arg20 : memref<!tpu.dma_semaphore, #tpu.memory_space<semaphore_mem>>) src(%arg10 : memref<512x32xf32, #tpu.memory_space<vmem>>) dst(%dma_wait3A_140 : memref<512x32xf32, #tpu.memory_space<hbm>>)
      } else {
      }
      %dma_start3A_77 = tpu.memref_slice %arg5[%add3A_71] : memref<25600xi32, #tpu.memory_space<vmem>> -> memref<512xi32, #tpu.memory_space<vmem>>
      %dma_start3A_78 = arith.constant 0 : i32
      %dma_start3A_79 = arith.constant 0 : i32
      %dma_start3A_80 = tpu.memref_slice %arg3[%dma_start3A_78, %dma_start3A_79] : memref<1000000x32xf32, #tpu.memory_space<hbm>> -> memref<1000000x32xf32, #tpu.memory_space<hbm>>
      tpu.enqueue_indirect_dma source(%dma_start3A_80 : memref<1000000x32xf32, #tpu.memory_space<hbm>>) target(%arg10 : memref<512x32xf32, #tpu.memory_space<vmem>>) offsets(%dma_start3A_77 : memref<512xi32, #tpu.memory_space<vmem>>) semaphore(%arg15 : memref<!tpu.dma_semaphore, #tpu.memory_space<semaphore_mem>>)
      %add3A_81 = arith.constant 0 : i32
      %add3A_82 = arith.addi %mul3A_29, %add3A_81 : i32
      %dma_wait3A_83 = tpu.memref_slice %arg5[%add3A_82] : memref<25600xi32, #tpu.memory_space<vmem>> -> memref<512xi32, #tpu.memory_space<vmem>>
      %dma_wait3A_84 = arith.constant 0 : i32
      %dma_wait3A_85 = arith.constant 0 : i32
      %dma_wait3A_86 = tpu.memref_slice %arg3[%dma_wait3A_84, %dma_wait3A_85] : memref<1000000x32xf32, #tpu.memory_space<hbm>> -> memref<1000000x32xf32, #tpu.memory_space<hbm>>
      tpu.wait_indirect_dma semaphore(%arg11 : memref<!tpu.dma_semaphore, #tpu.memory_space<semaphore_mem>>) src(%dma_wait3A_86 : memref<1000000x32xf32, #tpu.memory_space<hbm>>) dst(%arg6 : memref<512x32xf32, #tpu.memory_space<vmem>>)
      %add3A_87 = arith.addi %mul3A_2, %add3A_82 : i32
      %dma_start3A_88 = arith.constant 0 : i32
      %dma_start3A_89 = tpu.memref_slice %arg4[%add3A_87, %dma_start3A_88] : memref<819200x128xf32, #tpu.memory_space<hbm>> -> memref<512x32xf32, #tpu.memory_space<hbm>>
      %dma_start3A_90 = arith.constant 0 : i32
      %dma_start3A_91 = tpu.memref_slice %arg4[%add3A_87, %dma_start3A_90] : memref<819200x128xf32, #tpu.memory_space<hbm>> -> memref<512x32xf32, #tpu.memory_space<hbm>>
      tpu.enqueue_dma source(%arg6 : memref<512x32xf32, #tpu.memory_space<vmem>>) target(%dma_start3A_91 : memref<512x32xf32, #tpu.memory_space<hbm>>) target_semaphore(%arg16 : memref<!tpu.dma_semaphore, #tpu.memory_space<semaphore_mem>>)
      %add3A_92 = arith.constant 512 : i32
      %add3A_93 = arith.addi %mul3A_29, %add3A_92 : i32
      %dma_wait3A_94 = tpu.memref_slice %arg5[%add3A_93] : memref<25600xi32, #tpu.memory_space<vmem>> -> memref<512xi32, #tpu.memory_space<vmem>>
      %dma_wait3A_95 = arith.constant 0 : i32
      %dma_wait3A_96 = arith.constant 0 : i32
      %dma_wait3A_97 = tpu.memref_slice %arg3[%dma_wait3A_95, %dma_wait3A_96] : memref<1000000x32xf32, #tpu.memory_space<hbm>> -> memref<1000000x32xf32, #tpu.memory_space<hbm>>
      tpu.wait_indirect_dma semaphore(%arg12 : memref<!tpu.dma_semaphore, #tpu.memory_space<semaphore_mem>>) src(%dma_wait3A_97 : memref<1000000x32xf32, #tpu.memory_space<hbm>>) dst(%arg7 : memref<512x32xf32, #tpu.memory_space<vmem>>)
      %add3A_98 = arith.addi %mul3A_2, %add3A_93 : i32
      %dma_start3A_99 = arith.constant 0 : i32
      %dma_start3A_100 = tpu.memref_slice %arg4[%add3A_98, %dma_start3A_99] : memref<819200x128xf32, #tpu.memory_space<hbm>> -> memref<512x32xf32, #tpu.memory_space<hbm>>
      %dma_start3A_101 = arith.constant 0 : i32
      %dma_start3A_102 = tpu.memref_slice %arg4[%add3A_98, %dma_start3A_101] : memref<819200x128xf32, #tpu.memory_space<hbm>> -> memref<512x32xf32, #tpu.memory_space<hbm>>
      tpu.enqueue_dma source(%arg7 : memref<512x32xf32, #tpu.memory_space<vmem>>) target(%dma_start3A_102 : memref<512x32xf32, #tpu.memory_space<hbm>>) target_semaphore(%arg17 : memref<!tpu.dma_semaphore, #tpu.memory_space<semaphore_mem>>)
      %add3A_103 = arith.constant 1024 : i32
      %add3A_104 = arith.addi %mul3A_29, %add3A_103 : i32
      %dma_wait3A_105 = tpu.memref_slice %arg5[%add3A_104] : memref<25600xi32, #tpu.memory_space<vmem>> -> memref<512xi32, #tpu.memory_space<vmem>>
      %dma_wait3A_106 = arith.constant 0 : i32
      %dma_wait3A_107 = arith.constant 0 : i32
      %dma_wait3A_108 = tpu.memref_slice %arg3[%dma_wait3A_106, %dma_wait3A_107] : memref<1000000x32xf32, #tpu.memory_space<hbm>> -> memref<1000000x32xf32, #tpu.memory_space<hbm>>
      tpu.wait_indirect_dma semaphore(%arg13 : memref<!tpu.dma_semaphore, #tpu.memory_space<semaphore_mem>>) src(%dma_wait3A_108 : memref<1000000x32xf32, #tpu.memory_space<hbm>>) dst(%arg8 : memref<512x32xf32, #tpu.memory_space<vmem>>)
      %add3A_109 = arith.addi %mul3A_2, %add3A_104 : i32
      %dma_start3A_110 = arith.constant 0 : i32
      %dma_start3A_111 = tpu.memref_slice %arg4[%add3A_109, %dma_start3A_110] : memref<819200x128xf32, #tpu.memory_space<hbm>> -> memref<512x32xf32, #tpu.memory_space<hbm>>
      %dma_start3A_112 = arith.constant 0 : i32
      %dma_start3A_113 = tpu.memref_slice %arg4[%add3A_109, %dma_start3A_112] : memref<819200x128xf32, #tpu.memory_space<hbm>> -> memref<512x32xf32, #tpu.memory_space<hbm>>
      tpu.enqueue_dma source(%arg8 : memref<512x32xf32, #tpu.memory_space<vmem>>) target(%dma_start3A_113 : memref<512x32xf32, #tpu.memory_space<hbm>>) target_semaphore(%arg18 : memref<!tpu.dma_semaphore, #tpu.memory_space<semaphore_mem>>)
      %add3A_114 = arith.constant 1536 : i32
      %add3A_115 = arith.addi %mul3A_29, %add3A_114 : i32
      %dma_wait3A_116 = tpu.memref_slice %arg5[%add3A_115] : memref<25600xi32, #tpu.memory_space<vmem>> -> memref<512xi32, #tpu.memory_space<vmem>>
      %dma_wait3A_117 = arith.constant 0 : i32
      %dma_wait3A_118 = arith.constant 0 : i32
      %dma_wait3A_119 = tpu.memref_slice %arg3[%dma_wait3A_117, %dma_wait3A_118] : memref<1000000x32xf32, #tpu.memory_space<hbm>> -> memref<1000000x32xf32, #tpu.memory_space<hbm>>
      tpu.wait_indirect_dma semaphore(%arg14 : memref<!tpu.dma_semaphore, #tpu.memory_space<semaphore_mem>>) src(%dma_wait3A_119 : memref<1000000x32xf32, #tpu.memory_space<hbm>>) dst(%arg9 : memref<512x32xf32, #tpu.memory_space<vmem>>)
      %add3A_120 = arith.addi %mul3A_2, %add3A_115 : i32
      %dma_start3A_121 = arith.constant 0 : i32
      %dma_start3A_122 = tpu.memref_slice %arg4[%add3A_120, %dma_start3A_121] : memref<819200x128xf32, #tpu.memory_space<hbm>> -> memref<512x32xf32, #tpu.memory_space<hbm>>
      %dma_start3A_123 = arith.constant 0 : i32
      %dma_start3A_124 = tpu.memref_slice %arg4[%add3A_120, %dma_start3A_123] : memref<819200x128xf32, #tpu.memory_space<hbm>> -> memref<512x32xf32, #tpu.memory_space<hbm>>
      tpu.enqueue_dma source(%arg9 : memref<512x32xf32, #tpu.memory_space<vmem>>) target(%dma_start3A_124 : memref<512x32xf32, #tpu.memory_space<hbm>>) target_semaphore(%arg19 : memref<!tpu.dma_semaphore, #tpu.memory_space<semaphore_mem>>)
      %add3A_125 = arith.constant 2048 : i32
      %add3A_126 = arith.addi %mul3A_29, %add3A_125 : i32
      %dma_wait3A_127 = tpu.memref_slice %arg5[%add3A_126] : memref<25600xi32, #tpu.memory_space<vmem>> -> memref<512xi32, #tpu.memory_space<vmem>>
      %dma_wait3A_128 = arith.constant 0 : i32
      %dma_wait3A_129 = arith.constant 0 : i32
      %dma_wait3A_130 = tpu.memref_slice %arg3[%dma_wait3A_128, %dma_wait3A_129] : memref<1000000x32xf32, #tpu.memory_space<hbm>> -> memref<1000000x32xf32, #tpu.memory_space<hbm>>
      tpu.wait_indirect_dma semaphore(%arg15 : memref<!tpu.dma_semaphore, #tpu.memory_space<semaphore_mem>>) src(%dma_wait3A_130 : memref<1000000x32xf32, #tpu.memory_space<hbm>>) dst(%arg10 : memref<512x32xf32, #tpu.memory_space<vmem>>)
      %add3A_131 = arith.addi %mul3A_2, %add3A_126 : i32
      %dma_start3A_132 = arith.constant 0 : i32
      %dma_start3A_133 = tpu.memref_slice %arg4[%add3A_131, %dma_start3A_132] : memref<819200x128xf32, #tpu.memory_space<hbm>> -> memref<512x32xf32, #tpu.memory_space<hbm>>
      %dma_start3A_134 = arith.constant 0 : i32
      %dma_start3A_135 = tpu.memref_slice %arg4[%add3A_131, %dma_start3A_134] : memref<819200x128xf32, #tpu.memory_space<hbm>> -> memref<512x32xf32, #tpu.memory_space<hbm>>
      tpu.enqueue_dma source(%arg10 : memref<512x32xf32, #tpu.memory_space<vmem>>) target(%dma_start3A_135 : memref<512x32xf32, #tpu.memory_space<hbm>>) target_semaphore(%arg20 : memref<!tpu.dma_semaphore, #tpu.memory_space<semaphore_mem>>)
    }
    %scan3A_7 = arith.constant 10 : i32
    %dma_wait3A = arith.constant 0 : i32
    %dma_wait3A_8 = tpu.memref_slice %arg4[%mul3A_2, %dma_wait3A] : memref<819200x128xf32, #tpu.memory_space<hbm>> -> memref<512x32xf32, #tpu.memory_space<hbm>>
    %dma_wait3A_9 = arith.constant 0 : i32
    %dma_wait3A_10 = tpu.memref_slice %arg4[%mul3A_2, %dma_wait3A_9] : memref<819200x128xf32, #tpu.memory_space<hbm>> -> memref<512x32xf32, #tpu.memory_space<hbm>>
    tpu.wait_dma2 semaphore(%arg16 : memref<!tpu.dma_semaphore, #tpu.memory_space<semaphore_mem>>) src(%arg6 : memref<512x32xf32, #tpu.memory_space<vmem>>) dst(%dma_wait3A_10 : memref<512x32xf32, #tpu.memory_space<hbm>>)
    %dma_wait3A_11 = arith.constant 0 : i32
    %dma_wait3A_12 = tpu.memref_slice %arg4[%mul3A_2, %dma_wait3A_11] : memref<819200x128xf32, #tpu.memory_space<hbm>> -> memref<512x32xf32, #tpu.memory_space<hbm>>
    %dma_wait3A_13 = arith.constant 0 : i32
    %dma_wait3A_14 = tpu.memref_slice %arg4[%mul3A_2, %dma_wait3A_13] : memref<819200x128xf32, #tpu.memory_space<hbm>> -> memref<512x32xf32, #tpu.memory_space<hbm>>
    tpu.wait_dma2 semaphore(%arg17 : memref<!tpu.dma_semaphore, #tpu.memory_space<semaphore_mem>>) src(%arg7 : memref<512x32xf32, #tpu.memory_space<vmem>>) dst(%dma_wait3A_14 : memref<512x32xf32, #tpu.memory_space<hbm>>)
    %dma_wait3A_15 = arith.constant 0 : i32
    %dma_wait3A_16 = tpu.memref_slice %arg4[%mul3A_2, %dma_wait3A_15] : memref<819200x128xf32, #tpu.memory_space<hbm>> -> memref<512x32xf32, #tpu.memory_space<hbm>>
    %dma_wait3A_17 = arith.constant 0 : i32
    %dma_wait3A_18 = tpu.memref_slice %arg4[%mul3A_2, %dma_wait3A_17] : memref<819200x128xf32, #tpu.memory_space<hbm>> -> memref<512x32xf32, #tpu.memory_space<hbm>>
    tpu.wait_dma2 semaphore(%arg18 : memref<!tpu.dma_semaphore, #tpu.memory_space<semaphore_mem>>) src(%arg8 : memref<512x32xf32, #tpu.memory_space<vmem>>) dst(%dma_wait3A_18 : memref<512x32xf32, #tpu.memory_space<hbm>>)
    %dma_wait3A_19 = arith.constant 0 : i32
    %dma_wait3A_20 = tpu.memref_slice %arg4[%mul3A_2, %dma_wait3A_19] : memref<819200x128xf32, #tpu.memory_space<hbm>> -> memref<512x32xf32, #tpu.memory_space<hbm>>
    %dma_wait3A_21 = arith.constant 0 : i32
    %dma_wait3A_22 = tpu.memref_slice %arg4[%mul3A_2, %dma_wait3A_21] : memref<819200x128xf32, #tpu.memory_space<hbm>> -> memref<512x32xf32, #tpu.memory_space<hbm>>
    tpu.wait_dma2 semaphore(%arg19 : memref<!tpu.dma_semaphore, #tpu.memory_space<semaphore_mem>>) src(%arg9 : memref<512x32xf32, #tpu.memory_space<vmem>>) dst(%dma_wait3A_22 : memref<512x32xf32, #tpu.memory_space<hbm>>)
    %dma_wait3A_23 = arith.constant 0 : i32
    %dma_wait3A_24 = tpu.memref_slice %arg4[%mul3A_2, %dma_wait3A_23] : memref<819200x128xf32, #tpu.memory_space<hbm>> -> memref<512x32xf32, #tpu.memory_space<hbm>>
    %dma_wait3A_25 = arith.constant 0 : i32
    %dma_wait3A_26 = tpu.memref_slice %arg4[%mul3A_2, %dma_wait3A_25] : memref<819200x128xf32, #tpu.memory_space<hbm>> -> memref<512x32xf32, #tpu.memory_space<hbm>>
    tpu.wait_dma2 semaphore(%arg20 : memref<!tpu.dma_semaphore, #tpu.memory_space<semaphore_mem>>) src(%arg10 : memref<512x32xf32, #tpu.memory_space<vmem>>) dst(%dma_wait3A_26 : memref<512x32xf32, #tpu.memory_space<hbm>>)
    return
  }
}

</mosaic_0001>

<sc_bundles>
// kernel: kernel.4.cloned.1.call-start
scs
__scs_entry_jumppad:
0x0: {  	(pc) =	sbr.rel $0x88, $3  }
0x1: {  	(tag) =	ssettag $0x0;
	lr =	simm.s32 $0x1  }
0x2: {  	[smem:$0x3F9F] =	sst lr;
	_ =	strace $0xD0000000  }
0x3: {  	_ = 	snop  }
0x4: {  	_ = 	snop  }
0x5: {  	_ = 	snop  }
0x6: {  	_ = 	snop  }
0x7: {  	_ = 	snop  }
__scs_overlays_trampoline_lowered:
0x8: {  	[smem:$0x3FAE] =	sst s0  }
0x9: {  	[smem:$0x3FAF] =	sst s1  }
0xa: {  	[smem:$0x3FB0] =	sst s2  }
0xb: {  	[smem:$0x3FB1] =	sst s3  }
0xc: {  	[smem:$0x3FB2] =	sst s4  }
0xd: {  	[smem:$0x3FB3] =	sst s5  }
0xe: {  	[smem:$0x3FB4] =	sst s6  }
0xf: {  	[smem:$0x3FB5] =	sst s7  }
0x10: {  	[smem:$0x3FB6] =	sst s8  }
0x11: {  	[smem:$0x3FB7] =	sst s9;
	s0 =	simm.s32 @!p0 $0x0  }
0x12: {  	s1 =	sld [smem:$0x3F9D];
	s0 =	simm.s32 @p0 $0x1  }
0x13: {  	[smem:$0x3FB8] =	sst s0;
	s0 =	simm.s32 @!p1 $0x0  }
0x14: {  	s2 =	sld [smem:$0x3F9C];
	s0 =	simm.s32 @p1 $0x1  }
0x15: {  	[smem:$0x3FB9] =	sst s0;
	s0 =	simm.s32 @!p2 $0x0  }
0x16: {  	s3 =	sld [smem:$0x3FDB];
	s0 =	simm.s32 @p2 $0x1  }
0x17: {  	s4 =	simm.s32 $0x1BF5;
	[smem:$0x3FBB] =	sst s0  }
0x18: {  	s0 =	sld [smem:$0x3F9E];
	_ =	swait.ge [sflag:s4], $0x0  }
0x19: {  	s7 =	sld [smem:$0x3F9F]  }
0x1a: {  	s8 =	sadd.s32 $0xFFFFE003, lr  }
0x1b: {  	s9 =	sadd.s32 $0xFFFFFEF7, lr;
	s5 =	simm.s32 $0xFFFFFFFF;
	p2 =	slt.u32 s8, $0xFFFFF086  }
0x1c: {  	p1 =	slt.u32 s9, $0xF7A;
	s5 =	simm.s32 @!p2 $0x0  }
0x1d: {  	s5 =	simm.s32 @p1 $0x1;
	p0 =	seq.s32 s7, s2  }
0x1e: {  	s7 =	smul.u32 @!p0 $0xF7A, s2;
	p2 =	seq.s32 @!p0 s5, $0x0  }
0x1f: {  	s9 =	smul.u32 $0xF7A, s1;
	s8 =	simm.s32 @!p0 $0x1BF5;
	p2 =	por !p2, p0  }
0x20: {  	[sflag:s8] =	ssyncset.s32 @!p0 $0xFFFFF086;
	s6 =	sadd.s32 @!p0 s3, s7;
	s7 =	simm.s32 @!p0 $0x108  }
0x21: {  	s3 =	sadd.s32 s3, s9;
	s6 =	sadd.s32 @!p0 $0x88, s6;
	s7 =	simm.s32 @p2 $0x1082  }
0x22: {  	[simem:s7], [sflag:s8] =	dma.local @!p0 [hbm:s6], $0xF7A  }
0x23: {  	s9 =	sor.u32 $0xD0000000, s2;
	s6 =	simm.s32 $0x108;
	_ =	swait.ge @!p0 [sflag:s8], $0x0  }
0x24: {  	s3 =	sadd.s32 $0x88, s3;
	s6 =	simm.s32 @!p1 $0x1082;
	[sflag:s4] =	ssyncset.s32 $0xFFFFF086  }
0x25: {  	[simem:s6], [sflag:s4] =	dma.local [hbm:s3], $0xF7A  }
0x26: {  	[smem:$0x3F9F] =	sst s1;
	(tag) =	ssettag s2;
	_ =	strace s9  }
0x27: {  	s1 =	sld [smem:$0x3FAF]  }
0x28: {  	s2 =	sld [smem:$0x3FB0]  }
0x29: {  	s4 =	sld [smem:$0x3FB2]  }
0x2a: {  	p0 =	seq.s32 s5, $0x0;
	s5 =	sld [smem:$0x3FB3]  }
0x2b: {  	s6 =	sld [smem:$0x3FB4]  }
0x2c: {  	s7 =	sld [smem:$0x3FB5]  }
0x2d: {  	s3 =	simm.s32 $0x108;
	s8 =	sld [smem:$0x3FB6]  }
0x2e: {  	s3 =	simm.s32 @!p0 $0x1082;
	s9 =	sld [smem:$0x3FB7]  }
0x2f: {  	lr =	sadd.s32 s0, s3;
	s0 =	sld [smem:$0x3FAE]  }
0x30: {  	s3 =	sld [smem:$0x3FB1]  }
0x31: {  	[smem:$0x3FBA] =	sst s10  }
0x32: {  	s10 =	sld [smem:$0x3FB8];
	_ =	sdelay $0x3  }
0x33: {  	p0 =	seq.s32 s10, $0x1;
	s10 =	sld [smem:$0x3FBA];
	_ =	sdelay $0x3  }
0x34: {  	[smem:$0x3FBA] =	sst s10  }
0x35: {  	s10 =	sld [smem:$0x3FB9];
	_ =	sdelay $0x3  }
0x36: {  	p1 =	seq.s32 s10, $0x1;
	s10 =	sld [smem:$0x3FBA];
	_ =	sdelay $0x3  }
0x37: {  	[smem:$0x3FBA] =	sst s10  }
0x38: {  	s10 =	sld [smem:$0x3FBB]  }
0x39: {  	_ = 	snop;
	(pc) =	sbr.ind lr, $3  }
0x3a: {  	_ = 	snop  }
0x3b: {  	_ = 	snop  }
0x3c: {  	p2 =	seq.s32 s10, $0x1;
	s10 =	sld [smem:$0x3FBA]  }
0x3d: {  	_ =	shalt  }
0x3e: {  	_ =	shalt  }
0x3f: {  	_ =	shalt  }
0x40: {  	_ =	shalt  }
0x41: {  	_ =	shalt  }
0x42: {  	_ =	shalt  }
0x43: {  	_ =	shalt  }
0x44: {  	_ =	shalt  }
0x45: {  	_ =	shalt  }
0x46: {  	_ =	shalt  }
0x47: {  	_ =	shalt  }
0x48: {  	_ =	shalt  }
0x49: {  	_ =	shalt  }
0x4a: {  	_ =	shalt  }
0x4b: {  	_ =	shalt  }
0x4c: {  	_ =	shalt  }
0x4d: {  	_ =	shalt  }
0x4e: {  	_ =	shalt  }
0x4f: {  	_ =	shalt  }
0x50: {  	_ =	shalt  }
0x51: {  	_ =	shalt  }
0x52: {  	_ =	shalt  }
0x53: {  	_ =	shalt  }
0x54: {  	_ =	shalt  }
0x55: {  	_ =	shalt  }
0x56: {  	_ =	shalt  }
0x57: {  	_ =	shalt  }
0x58: {  	_ =	shalt  }
0x59: {  	_ =	shalt  }
0x5a: {  	_ =	shalt  }
0x5b: {  	_ =	shalt  }
0x5c: {  	_ =	shalt  }
0x5d: {  	_ =	shalt  }
0x5e: {  	_ =	shalt  }
0x5f: {  	_ =	shalt  }
0x60: {  	_ =	shalt  }
0x61: {  	_ =	shalt  }
0x62: {  	_ =	shalt  }
0x63: {  	_ =	shalt  }
0x64: {  	_ =	shalt  }
0x65: {  	_ =	shalt  }
0x66: {  	_ =	shalt  }
0x67: {  	_ =	shalt  }
0x68: {  	_ =	shalt  }
0x69: {  	_ =	shalt  }
0x6a: {  	_ =	shalt  }
0x6b: {  	_ =	shalt  }
0x6c: {  	_ =	shalt  }
0x6d: {  	_ =	shalt  }
0x6e: {  	_ =	shalt  }
0x6f: {  	_ =	shalt  }
0x70: {  	_ =	shalt  }
0x71: {  	_ =	shalt  }
0x72: {  	_ =	shalt  }
0x73: {  	_ =	shalt  }
0x74: {  	_ =	shalt  }
0x75: {  	_ =	shalt  }
0x76: {  	_ =	shalt  }
0x77: {  	_ =	shalt  }
0x78: {  	_ =	shalt  }
0x79: {  	_ =	shalt  }
0x7a: {  	_ =	shalt  }
0x7b: {  	_ =	shalt  }
0x7c: {  	_ =	shalt  }
0x7d: {  	_ =	shalt  }
0x7e: {  	_ =	shalt  }
0x7f: {  	_ =	shalt  }
0x80: {  	_ =	shalt  }
0x81: {  	_ =	shalt  }
0x82: {  	_ =	shalt  }
0x83: {  	_ =	shalt  }
0x84: {  	_ =	shalt  }
0x85: {  	_ =	shalt  }
0x86: {  	_ =	shalt  }
0x87: {  	_ =	shalt  }
.Lfunc_end0:
.L_simem_size_0:
called_computation.1_lowered:
.L_overlay_start_0:
0x88: {  	s2 =	sld [smem:$0x3FD9]  }
0x89: {  	s3 =	sld [smem:$0x3FFE];
	_ =	sdelay $0x1  }
0x8a: {  	s1 =	srdreg.scid  }
0x8b: {  	s0 =	sand.u32 $0x1, s1  }
0x8c: {  	s17 =	sshll.u32 s0, $0xA;
	s2 =	sadd.s32 s3, s2  }
0x8d: {  	s2 =	sadd.s32 s2, s17  }
0x8e: {  	[smem:$0x3FC6] =	sst s2  }
0x8f: {  	_ = 	snop  }
0x90: {  	s2 =	sld [smem:$0x3FC8];
	(tm) =	ssettm $0x1  }
0x91: {  	s18 =	sld [smem:$0x3FFB];
	_ =	sdelay $0x3  }
0x92: {  	_ =	strace s18  }
0x93: {  	s3 =	sld [smem:$0x3FFC];
	_ =	sdelay $0x3  }
0x94: {  	_ =	strace s3  }
0x95: {  	s3 =	sld [smem:$0x3FFD];
	_ =	sdelay $0x3  }
0x96: {  	_ =	strace s3  }
0x97: {  	_ =	strace $0x8FFFFFFF  }
0x98: {  	s19 =	sld [smem:$0x3FDB];
	_ =	sdelay $0x1  }
0x99: {  	s4 =	simm.s32 $_scs_section_size  }
0x9a: {  	s5 =	simm.s32 $_size__tile_overlayer_lowered;
	s6 =	simm.s32 $_tile_overlayer_lowered  }
0x9b: {  	s22 =	simm.s32 $0x1BFF;
	s21 =	sshll.u32 s6, $0x1;
	s3 =	sadd.s32 s4, s19  }
0x9c: {  	s7 =	simm.s32 $0x0;
	s20 =	sshll.u32 s5, $0x1;
	s5 =	sadd.s32 s21, s3  }
0x9d: {  	[timem:s7], [sflag:s22] =	dma.local [hbm:s5], s20  }
0x9e: {  	_ =	swait.ge [sflag:s22], s20  }
0x9f: {  	s4 =	ssub.s32 $0x0, s20;
	[sflag:s22] =	ssyncset.done $0x0  }
0xa0: {  	[sflag:s22] =	ssyncadd.s32 s4;
	_ =	sdelay $0x1  }
0xa1: {  	s23 =	simm.s32 $0x1B8B  }
0xa2: {  	_ =	swait.ge [sflag:s23], $0x1  }
0xa3: {  	[sflag:s23] =	ssyncset.done $0x0  }
0xa4: {  	s25 =	simm.s32 $0x1B8E;
	s24 =	sld [smem:$0x3FFE];
	[sflag:s23] =	ssyncadd.s32 $0xFFFFFFFF  }
0xa5: {  	s26 =	simm.s32 $execute0_lowered;
	[smem:$0x3FD2] =	sst s25  }
0xa6: {  	s5 =	sshll.u32 s26, $0x1;
	_ =	strace $0x80000046;
	[dreg:$0x1] =	wrdreg $0xFFFFFFFF  }
0xa7: {  	s28 =	simm.s32 $_size_execute0_lowered;
	s3 =	sadd.s32 s3, s5;
	[dreg:$0x0] =	wrdreg $0x0  }
0xa8: {  	s5 =	sshll.u32 s28, $0x1;
	[dreg:$0x2] =	wrdreg s3  }
0xa9: {  	[dreg:$0x3] =	wrdreg s5  }
0xaa: {  	[dreg:$0x4] =	wrdreg $0xC0  }
0xab: {  	_ =	task [dreg:s7], $0x5FFFF  }
0xac: {  	[dreg:$0x1] =	wrdreg $0xFFFFFFFF  }
0xad: {  	[dreg:$0x0] =	wrdreg $0x60  }
0xae: {  	[dreg:$0x2] =	wrdreg s2  }
0xaf: {  	[dreg:$0x3] =	wrdreg s24  }
0xb0: {  	[dreg:$0x4] =	wrdreg $0x9  }
0xb1: {  	_ =	task.clear_ibuf [dreg:s7], $0x5FFFF;
	_ =	strace $0x90000046  }
0xb2: {  	s29 =	simm.s32 $0x9;
	_ =	strace $0x80000048  }
0xb3: {  	_ =	swait.ge [sflag:s29], $0x1  }
0xb4: {  	[sflag:s29] =	ssyncadd.s32 $0xFFFFFFFF  }
0xb5: {  	_ =	strace $0x90000048  }
0xb6: {  	_ =	sfence  }
0xb7: {  	s30 =	sld [smem:$0x0];
	_ =	sdelay $0x2  }
0xb8: {  	s31 =	sshll.u32 s1, $0xD;
	s1 =	sshrl.u32 s1, $0x2  }
0xb9: {  	s3 =	sand.u32 $0x4000, s31;
	s1 =	sadd.s32 s1, s30  }
0xba: {  	s0 =	sor.u32 s3, s0;
	s1 =	sshll.u32 s1, $0x11  }
0xbb: {  	s0 =	sor.u32 s1, s0  }
0xbc: {  	s0 =	sadd.s32 $0x8F2B, s0  }
0xbd: {  	[sflag:s0] =	ssyncadd.remote.s32 $0x1  }
0xbe: {  	_ =	sfence.sel $0xFFFF  }
0xbf: {  	[dreg:$0x0] =	wrdreg $0xFFFFFFFF;
	(pc) =	sbr.abs _section_cstart, $3  }
0xc0: {  	[dreg:$0x1] =	wrdreg $0xFFFFFFFF  }
0xc1: {  	_ =	task.clear_ibuf [dreg:s7], $0x2FFFF;
	_ =	strace $0x9FFFFFFF  }
0xc2: {  	(tm) =	ssettm $0x7FFFFFFF  }
0xc3: {  	_ =	shalt  }
tec
execute0_lowered:
.L_overlay_start_1:
0x0: {  	(tag) =	ssettag $0x1  }
0x1: {  	s1 =	rddreg [dreg:$0x0]  }
0x2: {  	s0 =	rddreg [dreg:$0x1];
	s3 =	simm.s32 $0x0  }
0x3: {  	s2 =	srdreg.scid;
	s5 =	stileid.u32;
	s13 =	simm.s32 $0x1000  }
0x4: {  	s14 =	simm.s32 $0x7A1400;
	s15 =	simm.s32 $0x1;
	s16 =	simm.s32 $0x4000  }
0x5: {  	s17 =	simm.s32 $0x8000;
	s18 =	simm.s32 $0x2;
	s19 =	simm.s32 $0xC000  }
0x6: {  	s20 =	simm.s32 $0x3;
	s21 =	simm.s32 $0x4;
	s23 =	simm.s32 $0x5  }
0x7: {  	s24 =	simm.s32 $0x15000;
	s25 =	simm.s32 $0x0;
	[smem:$0x7FF] =	sst s3  }
0x8: {  	s2 =	sand.u32 $0x1, s2;
	s4 =	sadd.s32 $0xE00, s0;
	s6 =	sshll.u32 s5, $0x1  }
0x9: {  	s5 =	sadd.s32 $0x1800, s0;
	s0 =	sadd.s32 $0x3D1800, s0;
	_ =	strace $0x80000047  }
0xa: {  	[dreg:$0x3] =	wrdreg s4;
	s30 =	ssub.s32 $0x2, s2;
	s2 =	sor.u32 s2, s6  }
.Ltmp0:
0xb: {  	[dreg:$0x6] =	wrdreg s0;
	s7 =	sshrl.u32 s30, $0x1;
	(pc) =	sbr.rel .LBB2_1-.Ltmp0, $4  }
0xc: {  	s6 =	sshll.u32 s2, $0x9;
	s8 =	sshll.u32 s2, $0xB;
	s12 =	sor.u32 $0x20, s2  }
0xd: {  	v0 =	vlaneseq.u32;
	p0 =	sne.s32 s2, $0x0;
	s6 =	sadd.s32 s1, s6;
	s8 =	sadd.s32 s5, s8  }
0xe: {  	v0 =	vmul.u32 $0x20, v0;
	s4 =	ssub.s32 s30, s7;
	[dreg:$0x4] =	wrdreg s6;
	s31 =	sadd.s32 $0x3C0000, s8  }
0xf: {  	s7 =	sor.u32 $0x40, s2;
	s11 =	smax.u32 s4, $0x1;
	[dreg:$0x5] =	wrdreg s31  }
.LBB2_33:
0x10: {  	s25 =	sadd.s32 $0x1, s25  }
0x11: {  	p1 =	sne.s32 s25, s11  }
.Ltmp1:
0x12: {  	_ = 	snop;
	(pc) =	sbr.rel @!p1 .LBB2_34-.Ltmp1, $1  }
0x13: {  	_ =	sdelay $0x3  }
.LBB2_1:
0x14: {  	s0 =	rddreg [dreg:$0x4];
	s26 =	simm.s32 $0x0  }
0x15: {  	[tilespmem:s3], [sflag:$0x1] =	stream.strided.gather [hbm4b:s0+s13], $0x4000, s14, s13, $0x38;
	[tilespmem:$0x1A000] =	vst v63  }
.LBB2_2:
0x16: {  	s29 =	sshll.u32 s26, $0x6  }
0x17: {  	s28 =	sor.u32 s12, s29  }
0x18: {  	_ =	swait.ge [sflag:s15], $0x4000;
	s0 =	sshll.u32 s28, $0x9  }
0x19: {  	[sflag:s15] =	ssyncset.done $0x0;
	s0 =	sand.u32 $0x1FFFFE00, s0  }
0x1a: {  	p1 =	seq.s32 s26, $0x0;
	[sflag:s15] =	ssyncadd.s32 $0xFFFFC000;
	s0 =	sadd.s32 s1, s0  }
0x1b: {  	[tilespmem:s16], [sflag:$0x2] =	stream.strided.gather [hbm4b:s0+s13], $0x4000, s14, s13, $0x38;
	[tilespmem:$0x1A000] =	vst v63  }
0x1c: {  	s0 =	simm.s32 @!p1 $0x3  }
0x1d: {  	s30 =	simm.s32 $0x0;
	_ =	swait.ge @!p1 [sflag:s0], $0x4000  }
0x1e: {  	s9 =	sor.u32 s30, s30;
	s2 =	sand.u32 $0x70, s30;
	[sflag:s0] =	ssyncset.done @!p1 $0x0  }
0x1f: {  	s4 =	sand.u32 $0xC00, s30;
	[sflag:s0] =	ssyncadd.s32 @!p1 $0xFFFFC000;
	s0 =	sor.u32 $0x380, s9  }
0x20: {  	s31 =	sor.u32 s2, s4;
	v6 =	vld [tilespmem:s0+$0x0]  }
0x21: {  	v16 =	vld [tilespmem:s31+$0x200]  }
0x22: {  	v4 =	vld [tilespmem:s31+$0x1080]  }
0x23: {  	v3 =	vld [tilespmem:s31+$0x1100]  }
0x24: {  	v1 =	vld [tilespmem:s31+$0x1300]  }
0x25: {  	v2 =	vld [tilespmem:s31+$0x1280]  }
0x26: {  	v5 =	vld [tilespmem:s31+$0x1180]  }
0x27: {  	v7 =	vld [tilespmem:s31+$0x300]  }
0x28: {  	v14 =	vld [tilespmem:s31+$0x180]  }
0x29: {  	s10 =	simm.s32 $0x0;
	v12 =	vld [tilespmem:s31+$0x100]  }
0x2a: {  	s22 =	simm.s32 $0x1;
	v15 =	vor.u32 s10, v0;
	v17 =	vld [tilespmem:s31+$0x0]  }
0x2b: {  	v18 =	vor.u32 s22, v0;
	s2 =	simm.s32 $0x2;
	v13 =	vld [tilespmem:s31+$0x80]  }
0x2c: {  	s4 =	simm.s32 $0x3;
	v19 =	vor.u32 s2, v0;
	v10 =	vld [tilespmem:s31+$0x1000]  }
0x2d: {  	s6 =	simm.s32 $0x4;
	v20 =	vor.u32 s4, v0;
	v11 =	vld [tilespmem:s31+$0x280]  }
0x2e: {  	v21 =	vor.u32 s6, v0;
	s9 =	simm.s32 $0x5;
	v9 =	vld [tilespmem:s31+$0x1200]  }
0x2f: {  	v8 =	vld [tilespmem:s31+$0x1380];
	[tilespmem:v15+s17+$0x0] =	vst.idx.msk $0xffff, v17;
	v17 =	vor.u32 s9, v0  }
0x30: {  	s10 =	simm.s32 $0x6;
	[tilespmem:v18+s17+$0x0] =	vst.idx.msk $0xffff, v13  }
0x31: {  	s22 =	simm.s32 $0x7;
	s6 =	simm.s32 $0x9;
	s2 =	simm.s32 $0x20F;
	v13 =	vor.u32 s10, v0;
	[tilespmem:v19+s17+$0x0] =	vst.idx.msk $0xffff, v12  }
0x32: {  	s4 =	simm.s32 $0x0;
	s9 =	simm.s32 $0xA;
	v12 =	vor.u32 s22, v0;
	s22 =	simm.s32 $0x8;
	[tilespmem:v20+s17+$0x0] =	vst.idx.msk $0xffff, v14  }
0x33: {  	s0 =	simm.s32 $0xF;
	v15 =	vor.u32 s6, v0;
	s10 =	simm.s32 $0xB;
	v14 =	vor.u32 s22, v0;
	s22 =	simm.s32 $0x0;
	[tilespmem:v21+s17+$0x0] =	vst.idx.msk $0xffff, v16;
	v16 =	vor.u32 s9, v0  }
.LBB2_3:
0x34: {  	[tilespmem:v17+s17+$0x0] =	vst.idx.msk $0xffff, v11;
	v11 =	vor.u32 s10, v0;
	s10 =	sadd.s32 $0xFFFFFFFD, s0  }
0x35: {  	s22 =	sadd.s32 $0x80, s22;
	s4 =	sadd.s32 $0x10, s4;
	s6 =	smov.u32 s2  }
0x36: {  	p2 =	sne.s32 s2, $0x3E0F;
	s2 =	sadd.s32 $0x200, s2;
	[tilespmem:v13+s17+$0x0] =	vst.idx.msk $0xffff, v7;
	v7 =	vor.u32 s10, v0;
	s10 =	sadd.s32 $0xFFFFFFFE, s0  }
0x37: {  	[tilespmem:v12+s17+$0x0] =	vst.idx.msk $0xffff, v6;
	v6 =	vor.u32 s10, v0;
	s10 =	sadd.s32 $0xFFFFFFFF, s0  }
0x38: {  	[tilespmem:v14+s17+$0x0] =	vst.idx.msk $0xffff, v10;
	v10 =	vor.u32 s10, v0  }
0x39: {  	[tilespmem:v15+s17+$0x0] =	vst.idx.msk $0xffff, v4;
	v4 =	vor.u32 s0, v0;
	s0 =	smov.u32 s6  }
0x3a: {  	[tilespmem:v16+s17+$0x0] =	vst.idx.msk $0xffff, v3  }
0x3b: {  	[tilespmem:v11+s17+$0x0] =	vst.idx.msk $0xffff, v5  }
0x3c: {  	[tilespmem:v7+s17+$0x0] =	vst.idx.msk $0xffff, v9  }
0x3d: {  	[tilespmem:v6+s17+$0x0] =	vst.idx.msk $0xffff, v2  }
0x3e: {  	s6 =	sor.u32 s22, s4;
	[tilespmem:v10+s17+$0x0] =	vst.idx.msk $0xffff, v1  }
0x3f: {  	s9 =	sand.u32 $0xC00, s22;
	s10 =	sand.u32 $0x70, s4;
	s6 =	sor.u32 $0x380, s6;
	[tilespmem:v4+s17+$0x0] =	vst.idx.msk $0xffff, v8  }
0x40: {  	s9 =	sor.u32 s10, s9;
	v6 =	vld [tilespmem:s6+$0x0]  }
0x41: {  	v16 =	vld [tilespmem:s9+$0x200]  }
0x42: {  	v4 =	vld [tilespmem:s9+$0x1080]  }
0x43: {  	v3 =	vld [tilespmem:s9+$0x1100]  }
0x44: {  	v1 =	vld [tilespmem:s9+$0x1300]  }
0x45: {  	v2 =	vld [tilespmem:s9+$0x1280]  }
0x46: {  	v5 =	vld [tilespmem:s9+$0x1180]  }
0x47: {  	v7 =	vld [tilespmem:s9+$0x300]  }
0x48: {  	v15 =	vld [tilespmem:s9+$0x180]  }
0x49: {  	s6 =	sadd.s32 $0xFFFFFFF1, s0;
	v14 =	vld [tilespmem:s9+$0x100]  }
0x4a: {  	v13 =	vor.u32 s6, v0;
	s6 =	sadd.s32 $0xFFFFFFF2, s0;
	v12 =	vld [tilespmem:s9+$0x80]  }
0x4b: {  	v19 =	vor.u32 s6, v0;
	s6 =	sadd.s32 $0xFFFFFFF3, s0;
	v18 =	vld [tilespmem:s9+$0x0]  }
0x4c: {  	v20 =	vor.u32 s6, v0;
	s6 =	sadd.s32 $0xFFFFFFF4, s0;
	v10 =	vld [tilespmem:s9+$0x1000]  }
0x4d: {  	v21 =	vor.u32 s6, v0;
	s6 =	sadd.s32 $0xFFFFFFF5, s0;
	v11 =	vld [tilespmem:s9+$0x280]  }
0x4e: {  	v22 =	vor.u32 s6, v0;
	s6 =	sadd.s32 $0xFFFFFFF6, s0;
	v9 =	vld [tilespmem:s9+$0x1200]  }
0x4f: {  	v17 =	vor.u32 s6, v0;
	s6 =	sadd.s32 $0xFFFFFFF7, s0;
	v8 =	vld [tilespmem:s9+$0x1380]  }
.Ltmp2:
0x50: {  	[tilespmem:v13+s17+$0x0] =	vst.idx.msk $0xffff, v18;
	v13 =	vor.u32 s6, v0;
	s6 =	sadd.s32 $0xFFFFFFF8, s0;
	(pc) =	sbr.rel @p2 .LBB2_3-.Ltmp2, $4  }
0x51: {  	[tilespmem:v19+s17+$0x0] =	vst.idx.msk $0xffff, v12;
	v12 =	vor.u32 s6, v0;
	s6 =	sadd.s32 $0xFFFFFFF9, s0  }
0x52: {  	[tilespmem:v20+s17+$0x0] =	vst.idx.msk $0xffff, v14;
	v14 =	vor.u32 s6, v0;
	s6 =	sadd.s32 $0xFFFFFFFA, s0  }
0x53: {  	[tilespmem:v21+s17+$0x0] =	vst.idx.msk $0xffff, v15;
	v15 =	vor.u32 s6, v0;
	s6 =	sadd.s32 $0xFFFFFFFB, s0  }
0x54: {  	s10 =	sadd.s32 $0xFFFFFFFC, s0;
	[tilespmem:v22+s17+$0x0] =	vst.idx.msk $0xffff, v16;
	v16 =	vor.u32 s6, v0  }
0x55: {  	_ =	sdelay $0x3  }
0x56: {  	[tilespmem:v17+s17+$0x0] =	vst.idx.msk $0xffff, v11  }
0x57: {  	v11 =	vor.u32 s10, v0;
	s2 =	sadd.s32 $0xFFFFFFFD, s0;
	[tilespmem:v13+s17+$0x0] =	vst.idx.msk $0xffff, v7  }
0x58: {  	s6 =	sadd.s32 $0xFFFFFFFE, s0;
	v7 =	vor.u32 s2, v0;
	[tilespmem:v12+s17+$0x0] =	vst.idx.msk $0xffff, v6  }
0x59: {  	s9 =	sadd.s32 $0xFFFFFFFF, s0;
	v6 =	vor.u32 s6, v0;
	[tilespmem:v14+s17+$0x0] =	vst.idx.msk $0xffff, v10  }
0x5a: {  	v10 =	vor.u32 s9, v0;
	[tilespmem:v15+s17+$0x0] =	vst.idx.msk $0xffff, v4  }
0x5b: {  	v4 =	vor.u32 s0, v0;
	[tilespmem:v16+s17+$0x0] =	vst.idx.msk $0xffff, v3  }
0x5c: {  	[tilespmem:v11+s17+$0x0] =	vst.idx.msk $0xffff, v5  }
0x5d: {  	[tilespmem:v7+s17+$0x0] =	vst.idx.msk $0xffff, v9  }
0x5e: {  	[tilespmem:v6+s17+$0x0] =	vst.idx.msk $0xffff, v2  }
0x5f: {  	[tilespmem:v10+s17+$0x0] =	vst.idx.msk $0xffff, v1  }
0x60: {  	[tilespmem:v4+s17+$0x0] =	vst.idx.msk $0xffff, v8  }
0x61: {  	v1 =	vld [tilespmem:s31+$0x3380]  }
0x62: {  	v2 =	vld [tilespmem:s31+$0x3300]  }
0x63: {  	v3 =	vld [tilespmem:s31+$0x3280]  }
0x64: {  	v4 =	vld [tilespmem:s31+$0x3200]  }
0x65: {  	v5 =	vld [tilespmem:s31+$0x3180]  }
0x66: {  	v6 =	vld [tilespmem:s31+$0x3100]  }
0x67: {  	v7 =	vld [tilespmem:s31+$0x3080]  }
0x68: {  	v8 =	vld [tilespmem:s31+$0x3000]  }
0x69: {  	v9 =	vld [tilespmem:s31+$0x2300]  }
0x6a: {  	s10 =	simm.s32 $0x10;
	v14 =	vld [tilespmem:s31+$0x2180]  }
0x6b: {  	s22 =	simm.s32 $0x11;
	v16 =	vor.u32 s10, v0;
	v13 =	vld [tilespmem:s31+$0x2000]  }
0x6c: {  	v18 =	vor.u32 s22, v0;
	v17 =	vld [tilespmem:s31+$0x2080]  }
0x6d: {  	v15 =	vld [tilespmem:s31+$0x2100]  }
0x6e: {  	s2 =	simm.s32 $0x12;
	v10 =	vld [tilespmem:s31+$0x2380]  }
0x6f: {  	s4 =	simm.s32 $0x13;
	v19 =	vor.u32 s2, v0;
	v12 =	vld [tilespmem:s31+$0x2200]  }
0x70: {  	v20 =	vor.u32 s4, v0;
	s6 =	simm.s32 $0x14;
	v11 =	vld [tilespmem:s31+$0x2280];
	[tilespmem:v16+s17+$0x0] =	vst.idx.msk $0xffff, v13  }
0x71: {  	[tilespmem:v18+s17+$0x0] =	vst.idx.msk $0xffff, v17;
	v17 =	vor.u32 s6, v0  }
0x72: {  	s9 =	simm.s32 $0x15  }
0x73: {  	s10 =	simm.s32 $0x16;
	v13 =	vor.u32 s9, v0  }
0x74: {  	s22 =	simm.s32 $0x17;
	s4 =	simm.s32 $0x18;
	s2 =	simm.s32 $0x0;
	v16 =	vor.u32 s10, v0;
	[tilespmem:v19+s17+$0x0] =	vst.idx.msk $0xffff, v15  }
0x75: {  	s0 =	simm.s32 $0x21F;
	s31 =	simm.s32 $0x1F;
	v15 =	vor.u32 s22, v0;
	[tilespmem:v20+s17+$0x0] =	vst.idx.msk $0xffff, v14;
	v14 =	vor.u32 s4, v0;
	s4 =	simm.s32 $0x19  }
.LBB2_5:
0x76: {  	[tilespmem:v17+s17+$0x0] =	vst.idx.msk $0xffff, v12;
	v12 =	vor.u32 s4, v0;
	s4 =	sadd.s32 $0xFFFFFFFB, s31  }
0x77: {  	s30 =	sadd.s32 $0x80, s30;
	s2 =	sadd.s32 $0x10, s2;
	s6 =	smov.u32 s0  }
0x78: {  	p2 =	sne.s32 s0, $0x3E1F;
	s0 =	sadd.s32 $0x200, s0;
	[tilespmem:v13+s17+$0x0] =	vst.idx.msk $0xffff, v11;
	v11 =	vor.u32 s4, v0;
	s4 =	sadd.s32 $0xFFFFFFFC, s31  }
0x79: {  	[tilespmem:v16+s17+$0x0] =	vst.idx.msk $0xffff, v9;
	v9 =	vor.u32 s4, v0;
	s4 =	sadd.s32 $0xFFFFFFFD, s31  }
0x7a: {  	[tilespmem:v15+s17+$0x0] =	vst.idx.msk $0xffff, v10;
	v10 =	vor.u32 s4, v0;
	s4 =	sadd.s32 $0xFFFFFFFE, s31  }
0x7b: {  	[tilespmem:v14+s17+$0x0] =	vst.idx.msk $0xffff, v8;
	v8 =	vor.u32 s4, v0;
	s4 =	sadd.s32 $0xFFFFFFFF, s31  }
0x7c: {  	[tilespmem:v12+s17+$0x0] =	vst.idx.msk $0xffff, v7;
	v7 =	vor.u32 s4, v0  }
0x7d: {  	[tilespmem:v11+s17+$0x0] =	vst.idx.msk $0xffff, v6;
	v6 =	vor.u32 s31, v0;
	s31 =	smov.u32 s6  }
0x7e: {  	[tilespmem:v9+s17+$0x0] =	vst.idx.msk $0xffff, v5  }
0x7f: {  	[tilespmem:v10+s17+$0x0] =	vst.idx.msk $0xffff, v4  }
0x80: {  	[tilespmem:v8+s17+$0x0] =	vst.idx.msk $0xffff, v3  }
0x81: {  	s4 =	sand.u32 $0x70, s2;
	s6 =	sand.u32 $0xC00, s30;
	[tilespmem:v7+s17+$0x0] =	vst.idx.msk $0xffff, v2  }
0x82: {  	s4 =	sor.u32 s4, s6;
	[tilespmem:v6+s17+$0x0] =	vst.idx.msk $0xffff, v1  }
0x83: {  	v1 =	vld [tilespmem:s4+$0x3380]  }
0x84: {  	v2 =	vld [tilespmem:s4+$0x3300]  }
0x85: {  	v3 =	vld [tilespmem:s4+$0x3280]  }
0x86: {  	v4 =	vld [tilespmem:s4+$0x3200]  }
0x87: {  	v5 =	vld [tilespmem:s4+$0x3180]  }
0x88: {  	v6 =	vld [tilespmem:s4+$0x3100]  }
0x89: {  	v7 =	vld [tilespmem:s4+$0x3080]  }
0x8a: {  	v8 =	vld [tilespmem:s4+$0x3000]  }
0x8b: {  	v9 =	vld [tilespmem:s4+$0x2300]  }
0x8c: {  	v14 =	vld [tilespmem:s4+$0x2180]  }
0x8d: {  	s6 =	sadd.s32 $0xFFFFFFF1, s31;
	v15 =	vld [tilespmem:s4+$0x2100]  }
0x8e: {  	v16 =	vor.u32 s6, v0;
	s6 =	sadd.s32 $0xFFFFFFF2, s31;
	v13 =	vld [tilespmem:s4+$0x2000]  }
0x8f: {  	v19 =	vor.u32 s6, v0;
	s6 =	sadd.s32 $0xFFFFFFF3, s31;
	v18 =	vld [tilespmem:s4+$0x2080]  }
0x90: {  	v20 =	vor.u32 s6, v0;
	s6 =	sadd.s32 $0xFFFFFFF4, s31;
	v10 =	vld [tilespmem:s4+$0x2380]  }
0x91: {  	v21 =	vor.u32 s6, v0;
	s6 =	sadd.s32 $0xFFFFFFF5, s31;
	v12 =	vld [tilespmem:s4+$0x2200]  }
.Ltmp3:
0x92: {  	v17 =	vor.u32 s6, v0;
	v11 =	vld [tilespmem:s4+$0x2280];
	s4 =	sadd.s32 $0xFFFFFFF6, s31;
	(pc) =	sbr.rel @p2 .LBB2_5-.Ltmp3, $4  }
0x93: {  	[tilespmem:v16+s17+$0x0] =	vst.idx.msk $0xffff, v13;
	v13 =	vor.u32 s4, v0;
	s4 =	sadd.s32 $0xFFFFFFF7, s31  }
0x94: {  	[tilespmem:v19+s17+$0x0] =	vst.idx.msk $0xffff, v18;
	v16 =	vor.u32 s4, v0;
	s4 =	sadd.s32 $0xFFFFFFF8, s31  }
0x95: {  	[tilespmem:v20+s17+$0x0] =	vst.idx.msk $0xffff, v15;
	v15 =	vor.u32 s4, v0;
	s4 =	sadd.s32 $0xFFFFFFF9, s31  }
0x96: {  	[tilespmem:v21+s17+$0x0] =	vst.idx.msk $0xffff, v14;
	v14 =	vor.u32 s4, v0;
	s4 =	sadd.s32 $0xFFFFFFFA, s31  }
0x97: {  	_ =	sdelay $0x3  }
0x98: {  	[tilespmem:v17+s17+$0x0] =	vst.idx.msk $0xffff, v12;
	v12 =	vor.u32 s4, v0;
	s0 =	sadd.s32 $0xFFFFFFFB, s31  }
0x99: {  	s22 =	sadd.s32 $0xFFFFFFFC, s31;
	[tilespmem:v13+s17+$0x0] =	vst.idx.msk $0xffff, v11;
	v11 =	vor.u32 s0, v0  }
0x9a: {  	s2 =	sadd.s32 $0xFFFFFFFD, s31;
	[tilespmem:v16+s17+$0x0] =	vst.idx.msk $0xffff, v9;
	v9 =	vor.u32 s22, v0  }
0x9b: {  	s4 =	sadd.s32 $0xFFFFFFFE, s31;
	[tilespmem:v15+s17+$0x0] =	vst.idx.msk $0xffff, v10;
	v10 =	vor.u32 s2, v0  }
0x9c: {  	s6 =	sadd.s32 $0xFFFFFFFF, s31;
	[tilespmem:v14+s17+$0x0] =	vst.idx.msk $0xffff, v8;
	v8 =	vor.u32 s4, v0  }
0x9d: {  	[tilespmem:v12+s17+$0x0] =	vst.idx.msk $0xffff, v7;
	v7 =	vor.u32 s6, v0  }
0x9e: {  	[tilespmem:v11+s17+$0x0] =	vst.idx.msk $0xffff, v6;
	v6 =	vor.u32 s31, v0  }
0x9f: {  	[tilespmem:v9+s17+$0x0] =	vst.idx.msk $0xffff, v5  }
0xa0: {  	[tilespmem:v10+s17+$0x0] =	vst.idx.msk $0xffff, v4  }
0xa1: {  	[tilespmem:v8+s17+$0x0] =	vst.idx.msk $0xffff, v3  }
0xa2: {  	s9 =	sshll.u32 s26, $0x11;
	[tilespmem:v7+s17+$0x0] =	vst.idx.msk $0xffff, v2  }
0xa3: {  	s0 =	sadd.s32 s9, s8;
	[tilespmem:v6+s17+$0x0] =	vst.idx.msk $0xffff, v1  }
0xa4: {  	[hbm4b:s0+s3] =	stream.linear.scatter [tilespmem:s17], [sflag:$0x3], $0x4000, $0x38;
	[tilespmem:$0x1A000] =	vst v63  }
0xa5: {  	s10 =	sadd.s32 s7, s29;
	_ =	swait.ge [sflag:s18], $0x4000  }
0xa6: {  	s0 =	sshll.u32 s10, $0x9;
	[sflag:s18] =	ssyncset.done $0x0  }
0xa7: {  	s0 =	sadd.s32 s1, s0;
	[sflag:s18] =	ssyncadd.s32 $0xFFFFC000  }
0xa8: {  	[tilespmem:s3], [sflag:$0x1] =	stream.strided.gather [hbm4b:s0+s13], $0x4000, s14, s13, $0x38;
	[tilespmem:$0x1A000] =	vst v63  }
0xa9: {  	s0 =	simm.s32 @!p1 $0x4  }
0xaa: {  	s29 =	simm.s32 $0x0;
	_ =	swait.ge @!p1 [sflag:s0], $0x4000  }
0xab: {  	s22 =	sor.u32 s29, s29;
	s2 =	sand.u32 $0x70, s29;
	[sflag:s0] =	ssyncset.done @!p1 $0x0  }
0xac: {  	s31 =	sand.u32 $0xC00, s29;
	[sflag:s0] =	ssyncadd.s32 @!p1 $0xFFFFC000;
	s0 =	sor.u32 $0x380, s22  }
0xad: {  	s30 =	sor.u32 s2, s31;
	v6 =	vld [tilespmem:s0+$0x4000]  }
0xae: {  	v16 =	vld [tilespmem:s30+$0x4200]  }
0xaf: {  	v4 =	vld [tilespmem:s30+$0x5080]  }
0xb0: {  	v3 =	vld [tilespmem:s30+$0x5100]  }
0xb1: {  	v1 =	vld [tilespmem:s30+$0x5300]  }
0xb2: {  	v2 =	vld [tilespmem:s30+$0x5280]  }
0xb3: {  	v5 =	vld [tilespmem:s30+$0x5180]  }
0xb4: {  	v7 =	vld [tilespmem:s30+$0x4300]  }
0xb5: {  	v14 =	vld [tilespmem:s30+$0x4180]  }
0xb6: {  	s4 =	simm.s32 $0x0;
	v12 =	vld [tilespmem:s30+$0x4100]  }
0xb7: {  	v15 =	vor.u32 s4, v0;
	s6 =	simm.s32 $0x1;
	v17 =	vld [tilespmem:s30+$0x4000]  }
0xb8: {  	s9 =	simm.s32 $0x2;
	v18 =	vor.u32 s6, v0;
	v13 =	vld [tilespmem:s30+$0x4080]  }
0xb9: {  	v19 =	vor.u32 s9, v0;
	s10 =	simm.s32 $0x3;
	v10 =	vld [tilespmem:s30+$0x5000]  }
0xba: {  	v20 =	vor.u32 s10, v0;
	s22 =	simm.s32 $0x4;
	v11 =	vld [tilespmem:s30+$0x4280]  }
0xbb: {  	v9 =	vld [tilespmem:s30+$0x5200];
	v21 =	vor.u32 s22, v0  }
0xbc: {  	s31 =	simm.s32 $0x5;
	v8 =	vld [tilespmem:s30+$0x5380];
	[tilespmem:v15+s19+$0x0] =	vst.idx.msk $0xffff, v17  }
0xbd: {  	s6 =	simm.s32 $0x6;
	v17 =	vor.u32 s31, v0;
	[tilespmem:v18+s19+$0x0] =	vst.idx.msk $0xffff, v13  }
0xbe: {  	s9 =	simm.s32 $0x7;
	s4 =	simm.s32 $0x0;
	s2 =	simm.s32 $0x20F;
	v13 =	vor.u32 s6, v0;
	[tilespmem:v19+s19+$0x0] =	vst.idx.msk $0xffff, v12  }
0xbf: {  	s10 =	simm.s32 $0x8;
	s22 =	simm.s32 $0x9;
	s31 =	simm.s32 $0xA;
	v12 =	vor.u32 s9, v0;
	[tilespmem:v20+s19+$0x0] =	vst.idx.msk $0xffff, v14  }
0xc0: {  	s0 =	simm.s32 $0xF;
	v15 =	vor.u32 s22, v0;
	s22 =	simm.s32 $0x0;
	v14 =	vor.u32 s10, v0;
	s10 =	simm.s32 $0xB;
	[tilespmem:v21+s19+$0x0] =	vst.idx.msk $0xffff, v16;
	v16 =	vor.u32 s31, v0  }
.LBB2_7:
0xc1: {  	s6 =	sadd.s32 $0xFFFFFFFD, s0  }
0xc2: {  	[tilespmem:v17+s19+$0x0] =	vst.idx.msk $0xffff, v11;
	v11 =	vor.u32 s10, v0;
	s22 =	sadd.s32 $0x80, s22;
	s4 =	sadd.s32 $0x10, s4;
	s9 =	smov.u32 s2  }
0xc3: {  	p1 =	sne.s32 s2, $0x3E0F;
	s2 =	sadd.s32 $0x200, s2;
	[tilespmem:v13+s19+$0x0] =	vst.idx.msk $0xffff, v7;
	v7 =	vor.u32 s6, v0;
	s6 =	sadd.s32 $0xFFFFFFFE, s0  }
0xc4: {  	[tilespmem:v12+s19+$0x0] =	vst.idx.msk $0xffff, v6;
	v6 =	vor.u32 s6, v0;
	s6 =	sadd.s32 $0xFFFFFFFF, s0  }
0xc5: {  	[tilespmem:v14+s19+$0x0] =	vst.idx.msk $0xffff, v10;
	v10 =	vor.u32 s6, v0  }
0xc6: {  	[tilespmem:v15+s19+$0x0] =	vst.idx.msk $0xffff, v4;
	v4 =	vor.u32 s0, v0;
	s0 =	smov.u32 s9  }
0xc7: {  	[tilespmem:v16+s19+$0x0] =	vst.idx.msk $0xffff, v3  }
0xc8: {  	[tilespmem:v11+s19+$0x0] =	vst.idx.msk $0xffff, v5  }
0xc9: {  	[tilespmem:v7+s19+$0x0] =	vst.idx.msk $0xffff, v9  }
0xca: {  	[tilespmem:v6+s19+$0x0] =	vst.idx.msk $0xffff, v2  }
0xcb: {  	s6 =	sor.u32 s22, s4;
	[tilespmem:v10+s19+$0x0] =	vst.idx.msk $0xffff, v1  }
0xcc: {  	s10 =	sand.u32 $0xC00, s22;
	s9 =	sand.u32 $0x70, s4;
	s6 =	sor.u32 $0x380, s6;
	[tilespmem:v4+s19+$0x0] =	vst.idx.msk $0xffff, v8  }
0xcd: {  	s9 =	sor.u32 s9, s10;
	v6 =	vld [tilespmem:s6+$0x4000]  }
0xce: {  	v16 =	vld [tilespmem:s9+$0x4200]  }
0xcf: {  	v4 =	vld [tilespmem:s9+$0x5080]  }
0xd0: {  	v3 =	vld [tilespmem:s9+$0x5100]  }
0xd1: {  	v1 =	vld [tilespmem:s9+$0x5300]  }
0xd2: {  	v2 =	vld [tilespmem:s9+$0x5280]  }
0xd3: {  	v5 =	vld [tilespmem:s9+$0x5180]  }
0xd4: {  	v7 =	vld [tilespmem:s9+$0x4300]  }
0xd5: {  	v15 =	vld [tilespmem:s9+$0x4180]  }
0xd6: {  	s6 =	sadd.s32 $0xFFFFFFF1, s0;
	v14 =	vld [tilespmem:s9+$0x4100]  }
0xd7: {  	v13 =	vor.u32 s6, v0;
	s6 =	sadd.s32 $0xFFFFFFF2, s0;
	v12 =	vld [tilespmem:s9+$0x4080]  }
0xd8: {  	v19 =	vor.u32 s6, v0;
	s6 =	sadd.s32 $0xFFFFFFF3, s0;
	v18 =	vld [tilespmem:s9+$0x4000]  }
0xd9: {  	v20 =	vor.u32 s6, v0;
	s6 =	sadd.s32 $0xFFFFFFF4, s0;
	v10 =	vld [tilespmem:s9+$0x5000]  }
0xda: {  	v21 =	vor.u32 s6, v0;
	s6 =	sadd.s32 $0xFFFFFFF5, s0;
	v11 =	vld [tilespmem:s9+$0x4280]  }
0xdb: {  	v22 =	vor.u32 s6, v0;
	s6 =	sadd.s32 $0xFFFFFFF6, s0;
	v9 =	vld [tilespmem:s9+$0x5200]  }
0xdc: {  	v17 =	vor.u32 s6, v0;
	s6 =	sadd.s32 $0xFFFFFFF7, s0;
	v8 =	vld [tilespmem:s9+$0x5380]  }
.Ltmp4:
0xdd: {  	[tilespmem:v13+s19+$0x0] =	vst.idx.msk $0xffff, v18;
	v13 =	vor.u32 s6, v0;
	s6 =	sadd.s32 $0xFFFFFFF8, s0;
	(pc) =	sbr.rel @p1 .LBB2_7-.Ltmp4, $4  }
0xde: {  	[tilespmem:v19+s19+$0x0] =	vst.idx.msk $0xffff, v12;
	v12 =	vor.u32 s6, v0;
	s6 =	sadd.s32 $0xFFFFFFF9, s0  }
0xdf: {  	[tilespmem:v20+s19+$0x0] =	vst.idx.msk $0xffff, v14;
	v14 =	vor.u32 s6, v0;
	s6 =	sadd.s32 $0xFFFFFFFA, s0  }
0xe0: {  	[tilespmem:v21+s19+$0x0] =	vst.idx.msk $0xffff, v15;
	v15 =	vor.u32 s6, v0;
	s6 =	sadd.s32 $0xFFFFFFFB, s0  }
0xe1: {  	s10 =	sadd.s32 $0xFFFFFFFC, s0;
	[tilespmem:v22+s19+$0x0] =	vst.idx.msk $0xffff, v16;
	v16 =	vor.u32 s6, v0  }
0xe2: {  	_ =	sdelay $0x3  }
0xe3: {  	[tilespmem:v17+s19+$0x0] =	vst.idx.msk $0xffff, v11  }
0xe4: {  	v11 =	vor.u32 s10, v0;
	s2 =	sadd.s32 $0xFFFFFFFD, s0;
	[tilespmem:v13+s19+$0x0] =	vst.idx.msk $0xffff, v7  }
0xe5: {  	s10 =	sadd.s32 $0xFFFFFFFE, s0;
	v7 =	vor.u32 s2, v0;
	[tilespmem:v12+s19+$0x0] =	vst.idx.msk $0xffff, v6  }
0xe6: {  	s22 =	sadd.s32 $0xFFFFFFFF, s0;
	v6 =	vor.u32 s10, v0;
	[tilespmem:v14+s19+$0x0] =	vst.idx.msk $0xffff, v10  }
0xe7: {  	v10 =	vor.u32 s22, v0;
	[tilespmem:v15+s19+$0x0] =	vst.idx.msk $0xffff, v4  }
0xe8: {  	v4 =	vor.u32 s0, v0;
	[tilespmem:v16+s19+$0x0] =	vst.idx.msk $0xffff, v3  }
0xe9: {  	[tilespmem:v11+s19+$0x0] =	vst.idx.msk $0xffff, v5  }
0xea: {  	[tilespmem:v7+s19+$0x0] =	vst.idx.msk $0xffff, v9  }
0xeb: {  	[tilespmem:v6+s19+$0x0] =	vst.idx.msk $0xffff, v2  }
0xec: {  	[tilespmem:v10+s19+$0x0] =	vst.idx.msk $0xffff, v1  }
0xed: {  	[tilespmem:v4+s19+$0x0] =	vst.idx.msk $0xffff, v8  }
0xee: {  	v1 =	vld [tilespmem:s30+$0x7380]  }
0xef: {  	v2 =	vld [tilespmem:s30+$0x7300]  }
0xf0: {  	v3 =	vld [tilespmem:s30+$0x7280]  }
0xf1: {  	v4 =	vld [tilespmem:s30+$0x7200]  }
0xf2: {  	v5 =	vld [tilespmem:s30+$0x7180]  }
0xf3: {  	v6 =	vld [tilespmem:s30+$0x7100]  }
0xf4: {  	v7 =	vld [tilespmem:s30+$0x7080]  }
0xf5: {  	v8 =	vld [tilespmem:s30+$0x7000]  }
0xf6: {  	v9 =	vld [tilespmem:s30+$0x6300]  }
0xf7: {  	s31 =	simm.s32 $0x10;
	v14 =	vld [tilespmem:s30+$0x6180]  }
0xf8: {  	s2 =	simm.s32 $0x11;
	v16 =	vor.u32 s31, v0;
	v13 =	vld [tilespmem:s30+$0x6000]  }
0xf9: {  	v18 =	vor.u32 s2, v0;
	v17 =	vld [tilespmem:s30+$0x6080]  }
0xfa: {  	v15 =	vld [tilespmem:s30+$0x6100]  }
0xfb: {  	s4 =	simm.s32 $0x12;
	v10 =	vld [tilespmem:s30+$0x6380]  }
0xfc: {  	s6 =	simm.s32 $0x13;
	v19 =	vor.u32 s4, v0;
	v12 =	vld [tilespmem:s30+$0x6200]  }
0xfd: {  	s9 =	simm.s32 $0x14;
	v20 =	vor.u32 s6, v0;
	v11 =	vld [tilespmem:s30+$0x6280];
	[tilespmem:v16+s19+$0x0] =	vst.idx.msk $0xffff, v13  }
0xfe: {  	[tilespmem:v18+s19+$0x0] =	vst.idx.msk $0xffff, v17;
	v17 =	vor.u32 s9, v0  }
0xff: {  	s10 =	simm.s32 $0x15  }
0x100: {  	s22 =	simm.s32 $0x16;
	v13 =	vor.u32 s10, v0  }
0x101: {  	s4 =	simm.s32 $0x18;
	s2 =	simm.s32 $0x0;
	s31 =	simm.s32 $0x17;
	v16 =	vor.u32 s22, v0;
	[tilespmem:v19+s19+$0x0] =	vst.idx.msk $0xffff, v15  }
0x102: {  	s0 =	simm.s32 $0x21F;
	s30 =	simm.s32 $0x1F;
	v15 =	vor.u32 s31, v0;
	[tilespmem:v20+s19+$0x0] =	vst.idx.msk $0xffff, v14;
	v14 =	vor.u32 s4, v0;
	s4 =	simm.s32 $0x19  }
.LBB2_9:
0x103: {  	[tilespmem:v17+s19+$0x0] =	vst.idx.msk $0xffff, v12;
	v12 =	vor.u32 s4, v0;
	s4 =	sadd.s32 $0xFFFFFFFB, s30  }
0x104: {  	s29 =	sadd.s32 $0x80, s29;
	s2 =	sadd.s32 $0x10, s2;
	s6 =	smov.u32 s0  }
0x105: {  	p1 =	sne.s32 s0, $0x3E1F;
	s0 =	sadd.s32 $0x200, s0;
	[tilespmem:v13+s19+$0x0] =	vst.idx.msk $0xffff, v11;
	v11 =	vor.u32 s4, v0;
	s4 =	sadd.s32 $0xFFFFFFFC, s30  }
0x106: {  	[tilespmem:v16+s19+$0x0] =	vst.idx.msk $0xffff, v9;
	v9 =	vor.u32 s4, v0;
	s4 =	sadd.s32 $0xFFFFFFFD, s30  }
0x107: {  	[tilespmem:v15+s19+$0x0] =	vst.idx.msk $0xffff, v10;
	v10 =	vor.u32 s4, v0;
	s4 =	sadd.s32 $0xFFFFFFFE, s30  }
0x108: {  	[tilespmem:v14+s19+$0x0] =	vst.idx.msk $0xffff, v8;
	v8 =	vor.u32 s4, v0;
	s4 =	sadd.s32 $0xFFFFFFFF, s30  }
0x109: {  	[tilespmem:v12+s19+$0x0] =	vst.idx.msk $0xffff, v7;
	v7 =	vor.u32 s4, v0  }
0x10a: {  	[tilespmem:v11+s19+$0x0] =	vst.idx.msk $0xffff, v6;
	v6 =	vor.u32 s30, v0;
	s30 =	smov.u32 s6  }
0x10b: {  	[tilespmem:v9+s19+$0x0] =	vst.idx.msk $0xffff, v5  }
0x10c: {  	[tilespmem:v10+s19+$0x0] =	vst.idx.msk $0xffff, v4  }
0x10d: {  	[tilespmem:v8+s19+$0x0] =	vst.idx.msk $0xffff, v3  }
0x10e: {  	s4 =	sand.u32 $0x70, s2;
	s6 =	sand.u32 $0xC00, s29;
	[tilespmem:v7+s19+$0x0] =	vst.idx.msk $0xffff, v2  }
0x10f: {  	s4 =	sor.u32 s4, s6;
	[tilespmem:v6+s19+$0x0] =	vst.idx.msk $0xffff, v1  }
0x110: {  	v1 =	vld [tilespmem:s4+$0x7380]  }
0x111: {  	v2 =	vld [tilespmem:s4+$0x7300]  }
0x112: {  	v3 =	vld [tilespmem:s4+$0x7280]  }
0x113: {  	v4 =	vld [tilespmem:s4+$0x7200]  }
0x114: {  	v5 =	vld [tilespmem:s4+$0x7180]  }
0x115: {  	v6 =	vld [tilespmem:s4+$0x7100]  }
0x116: {  	v7 =	vld [tilespmem:s4+$0x7080]  }
0x117: {  	v8 =	vld [tilespmem:s4+$0x7000]  }
0x118: {  	v9 =	vld [tilespmem:s4+$0x6300]  }
0x119: {  	v14 =	vld [tilespmem:s4+$0x6180]  }
0x11a: {  	s6 =	sadd.s32 $0xFFFFFFF1, s30;
	v15 =	vld [tilespmem:s4+$0x6100]  }
0x11b: {  	v16 =	vor.u32 s6, v0;
	s6 =	sadd.s32 $0xFFFFFFF2, s30;
	v13 =	vld [tilespmem:s4+$0x6000]  }
0x11c: {  	v19 =	vor.u32 s6, v0;
	s6 =	sadd.s32 $0xFFFFFFF3, s30;
	v18 =	vld [tilespmem:s4+$0x6080]  }
0x11d: {  	v20 =	vor.u32 s6, v0;
	s6 =	sadd.s32 $0xFFFFFFF4, s30;
	v10 =	vld [tilespmem:s4+$0x6380]  }
0x11e: {  	v21 =	vor.u32 s6, v0;
	s6 =	sadd.s32 $0xFFFFFFF5, s30;
	v12 =	vld [tilespmem:s4+$0x6200]  }
.Ltmp5:
0x11f: {  	v17 =	vor.u32 s6, v0;
	v11 =	vld [tilespmem:s4+$0x6280];
	s4 =	sadd.s32 $0xFFFFFFF6, s30;
	(pc) =	sbr.rel @p1 .LBB2_9-.Ltmp5, $4  }
0x120: {  	[tilespmem:v16+s19+$0x0] =	vst.idx.msk $0xffff, v13;
	v13 =	vor.u32 s4, v0;
	s4 =	sadd.s32 $0xFFFFFFF7, s30  }
0x121: {  	[tilespmem:v19+s19+$0x0] =	vst.idx.msk $0xffff, v18;
	v16 =	vor.u32 s4, v0;
	s4 =	sadd.s32 $0xFFFFFFF8, s30  }
0x122: {  	[tilespmem:v20+s19+$0x0] =	vst.idx.msk $0xffff, v15;
	v15 =	vor.u32 s4, v0;
	s4 =	sadd.s32 $0xFFFFFFF9, s30  }
0x123: {  	[tilespmem:v21+s19+$0x0] =	vst.idx.msk $0xffff, v14;
	v14 =	vor.u32 s4, v0;
	s4 =	sadd.s32 $0xFFFFFFFA, s30  }
0x124: {  	_ =	sdelay $0x3  }
0x125: {  	[tilespmem:v17+s19+$0x0] =	vst.idx.msk $0xffff, v12;
	v57 =	vor.u32 s4, v0;
	s0 =	sadd.s32 $0xFFFFFFFB, s30  }
0x126: {  	s9 =	sadd.s32 $0xFFFFFFFC, s30;
	[tilespmem:v13+s19+$0x0] =	vst.idx.msk $0xffff, v11;
	v58 =	vor.u32 s0, v0  }
0x127: {  	s10 =	sadd.s32 $0xFFFFFFFD, s30;
	v59 =	vor.u32 s9, v0;
	[tilespmem:v16+s19+$0x0] =	vst.idx.msk $0xffff, v9  }
0x128: {  	s22 =	sadd.s32 $0xFFFFFFFE, s30;
	v60 =	vor.u32 s10, v0;
	[tilespmem:v15+s19+$0x0] =	vst.idx.msk $0xffff, v10  }
0x129: {  	s29 =	sadd.s32 $0xFFFFFFFF, s30;
	v61 =	vor.u32 s22, v0;
	[tilespmem:v14+s19+$0x0] =	vst.idx.msk $0xffff, v8  }
0x12a: {  	v62 =	vor.u32 s29, v0;
	[tilespmem:v57+s19+$0x0] =	vst.idx.msk $0xffff, v7  }
0x12b: {  	v63 =	vor.u32 s30, v0;
	s26 =	sadd.s32 $0x1, s26;
	[tilespmem:v58+s19+$0x0] =	vst.idx.msk $0xffff, v6  }
0x12c: {  	p1 =	sne.s32 s26, $0x1E;
	[tilespmem:v59+s19+$0x0] =	vst.idx.msk $0xffff, v5  }
.Ltmp6:
0x12d: {  	[tilespmem:v60+s19+$0x0] =	vst.idx.msk $0xffff, v4;
	(pc) =	sbr.rel @p1 .LBB2_2-.Ltmp6, $4  }
0x12e: {  	s31 =	sshll.u32 s28, $0xB;
	[tilespmem:v61+s19+$0x0] =	vst.idx.msk $0xffff, v3  }
0x12f: {  	s0 =	sand.u32 $0x1FFFF800, s31;
	[tilespmem:v62+s19+$0x0] =	vst.idx.msk $0xffff, v2  }
0x130: {  	s0 =	sadd.s32 s5, s0;
	[tilespmem:v63+s19+$0x0] =	vst.idx.msk $0xffff, v1  }
0x131: {  	[hbm4b:s0+s3] =	stream.linear.scatter [tilespmem:s19], [sflag:$0x4], $0x4000, $0x38;
	[tilespmem:$0x1A000] =	vst v63  }
0x132: {  	_ =	swait.ge [sflag:s15], $0x4000  }
0x133: {  	[sflag:s15] =	ssyncset.done $0x0  }
0x134: {  	[sflag:s15] =	ssyncadd.s32 $0xFFFFC000  }
0x135: {  	s26 =	simm.s32 $0x0;
	_ =	swait.ge [sflag:s20], $0x4000  }
0x136: {  	s0 =	sor.u32 s26, s26;
	s2 =	sand.u32 $0x70, s26;
	[sflag:s20] =	ssyncset.done $0x0  }
0x137: {  	s4 =	sand.u32 $0xC00, s26;
	s0 =	sor.u32 $0x380, s0;
	[sflag:s20] =	ssyncadd.s32 $0xFFFFC000  }
0x138: {  	s28 =	sor.u32 s2, s4;
	v6 =	vld [tilespmem:s0+$0x0]  }
0x139: {  	v16 =	vld [tilespmem:s28+$0x200]  }
0x13a: {  	v4 =	vld [tilespmem:s28+$0x1080]  }
0x13b: {  	v3 =	vld [tilespmem:s28+$0x1100]  }
0x13c: {  	v1 =	vld [tilespmem:s28+$0x1300]  }
0x13d: {  	v2 =	vld [tilespmem:s28+$0x1280]  }
0x13e: {  	v5 =	vld [tilespmem:s28+$0x1180]  }
0x13f: {  	v7 =	vld [tilespmem:s28+$0x300]  }
0x140: {  	v14 =	vld [tilespmem:s28+$0x180]  }
0x141: {  	s2 =	simm.s32 $0x0;
	v12 =	vld [tilespmem:s28+$0x100]  }
0x142: {  	s4 =	simm.s32 $0x1;
	v15 =	vor.u32 s2, v0;
	v17 =	vld [tilespmem:s28+$0x0]  }
0x143: {  	s6 =	simm.s32 $0x2;
	v18 =	vor.u32 s4, v0;
	v13 =	vld [tilespmem:s28+$0x80]  }
0x144: {  	s9 =	simm.s32 $0x3;
	v19 =	vor.u32 s6, v0;
	v10 =	vld [tilespmem:s28+$0x1000]  }
0x145: {  	s10 =	simm.s32 $0x4;
	v20 =	vor.u32 s9, v0;
	v11 =	vld [tilespmem:s28+$0x280]  }
0x146: {  	v21 =	vor.u32 s10, v0;
	v9 =	vld [tilespmem:s28+$0x1200]  }
0x147: {  	s22 =	simm.s32 $0x5;
	v8 =	vld [tilespmem:s28+$0x1380];
	[tilespmem:v15+s17+$0x0] =	vst.idx.msk $0xffff, v17  }
0x148: {  	s6 =	simm.s32 $0x6;
	v17 =	vor.u32 s22, v0;
	[tilespmem:v18+s17+$0x0] =	vst.idx.msk $0xffff, v13  }
0x149: {  	s29 =	simm.s32 $0x8;
	s30 =	simm.s32 $0x9;
	s9 =	simm.s32 $0x7;
	v13 =	vor.u32 s6, v0;
	[tilespmem:v19+s17+$0x0] =	vst.idx.msk $0xffff, v12  }
0x14a: {  	s31 =	simm.s32 $0xA;
	s10 =	simm.s32 $0xB;
	s2 =	simm.s32 $0x20F;
	v12 =	vor.u32 s9, v0;
	[tilespmem:v20+s17+$0x0] =	vst.idx.msk $0xffff, v14  }
0x14b: {  	s4 =	simm.s32 $0x0;
	s0 =	simm.s32 $0xF;
	v15 =	vor.u32 s30, v0;
	s22 =	simm.s32 $0x0;
	v14 =	vor.u32 s29, v0;
	[tilespmem:v21+s17+$0x0] =	vst.idx.msk $0xffff, v16;
	v16 =	vor.u32 s31, v0  }
.LBB2_12:
0x14c: {  	s6 =	sadd.s32 $0xFFFFFFFD, s0  }
0x14d: {  	[tilespmem:v17+s17+$0x0] =	vst.idx.msk $0xffff, v11;
	v11 =	vor.u32 s10, v0;
	s22 =	sadd.s32 $0x80, s22;
	s4 =	sadd.s32 $0x10, s4;
	s9 =	smov.u32 s2  }
0x14e: {  	p1 =	sne.s32 s2, $0x3E0F;
	s2 =	sadd.s32 $0x200, s2;
	[tilespmem:v13+s17+$0x0] =	vst.idx.msk $0xffff, v7;
	v7 =	vor.u32 s6, v0;
	s6 =	sadd.s32 $0xFFFFFFFE, s0  }
0x14f: {  	[tilespmem:v12+s17+$0x0] =	vst.idx.msk $0xffff, v6;
	v6 =	vor.u32 s6, v0;
	s6 =	sadd.s32 $0xFFFFFFFF, s0  }
0x150: {  	[tilespmem:v14+s17+$0x0] =	vst.idx.msk $0xffff, v10;
	v10 =	vor.u32 s6, v0  }
0x151: {  	[tilespmem:v15+s17+$0x0] =	vst.idx.msk $0xffff, v4;
	v4 =	vor.u32 s0, v0;
	s0 =	smov.u32 s9  }
0x152: {  	[tilespmem:v16+s17+$0x0] =	vst.idx.msk $0xffff, v3  }
0x153: {  	[tilespmem:v11+s17+$0x0] =	vst.idx.msk $0xffff, v5  }
0x154: {  	[tilespmem:v7+s17+$0x0] =	vst.idx.msk $0xffff, v9  }
0x155: {  	[tilespmem:v6+s17+$0x0] =	vst.idx.msk $0xffff, v2  }
0x156: {  	s6 =	sor.u32 s22, s4;
	[tilespmem:v10+s17+$0x0] =	vst.idx.msk $0xffff, v1  }
0x157: {  	s10 =	sand.u32 $0xC00, s22;
	s9 =	sand.u32 $0x70, s4;
	s6 =	sor.u32 $0x380, s6;
	[tilespmem:v4+s17+$0x0] =	vst.idx.msk $0xffff, v8  }
0x158: {  	s9 =	sor.u32 s9, s10;
	v6 =	vld [tilespmem:s6+$0x0]  }
0x159: {  	v16 =	vld [tilespmem:s9+$0x200]  }
0x15a: {  	v4 =	vld [tilespmem:s9+$0x1080]  }
0x15b: {  	v3 =	vld [tilespmem:s9+$0x1100]  }
0x15c: {  	v1 =	vld [tilespmem:s9+$0x1300]  }
0x15d: {  	v2 =	vld [tilespmem:s9+$0x1280]  }
0x15e: {  	v5 =	vld [tilespmem:s9+$0x1180]  }
0x15f: {  	v7 =	vld [tilespmem:s9+$0x300]  }
0x160: {  	v15 =	vld [tilespmem:s9+$0x180]  }
0x161: {  	s6 =	sadd.s32 $0xFFFFFFF1, s0;
	v14 =	vld [tilespmem:s9+$0x100]  }
0x162: {  	v13 =	vor.u32 s6, v0;
	s6 =	sadd.s32 $0xFFFFFFF2, s0;
	v12 =	vld [tilespmem:s9+$0x80]  }
0x163: {  	v19 =	vor.u32 s6, v0;
	s6 =	sadd.s32 $0xFFFFFFF3, s0;
	v18 =	vld [tilespmem:s9+$0x0]  }
0x164: {  	v20 =	vor.u32 s6, v0;
	s6 =	sadd.s32 $0xFFFFFFF4, s0;
	v10 =	vld [tilespmem:s9+$0x1000]  }
0x165: {  	v21 =	vor.u32 s6, v0;
	s6 =	sadd.s32 $0xFFFFFFF5, s0;
	v11 =	vld [tilespmem:s9+$0x280]  }
0x166: {  	v22 =	vor.u32 s6, v0;
	s6 =	sadd.s32 $0xFFFFFFF6, s0;
	v9 =	vld [tilespmem:s9+$0x1200]  }
0x167: {  	v17 =	vor.u32 s6, v0;
	s6 =	sadd.s32 $0xFFFFFFF7, s0;
	v8 =	vld [tilespmem:s9+$0x1380]  }
.Ltmp7:
0x168: {  	[tilespmem:v13+s17+$0x0] =	vst.idx.msk $0xffff, v18;
	v13 =	vor.u32 s6, v0;
	s6 =	sadd.s32 $0xFFFFFFF8, s0;
	(pc) =	sbr.rel @p1 .LBB2_12-.Ltmp7, $4  }
0x169: {  	[tilespmem:v19+s17+$0x0] =	vst.idx.msk $0xffff, v12;
	v12 =	vor.u32 s6, v0;
	s6 =	sadd.s32 $0xFFFFFFF9, s0  }
0x16a: {  	[tilespmem:v20+s17+$0x0] =	vst.idx.msk $0xffff, v14;
	v14 =	vor.u32 s6, v0;
	s6 =	sadd.s32 $0xFFFFFFFA, s0  }
0x16b: {  	[tilespmem:v21+s17+$0x0] =	vst.idx.msk $0xffff, v15;
	v15 =	vor.u32 s6, v0;
	s6 =	sadd.s32 $0xFFFFFFFB, s0  }
0x16c: {  	s10 =	sadd.s32 $0xFFFFFFFC, s0;
	[tilespmem:v22+s17+$0x0] =	vst.idx.msk $0xffff, v16;
	v16 =	vor.u32 s6, v0  }
0x16d: {  	_ =	sdelay $0x3  }
0x16e: {  	[tilespmem:v17+s17+$0x0] =	vst.idx.msk $0xffff, v11  }
0x16f: {  	v11 =	vor.u32 s10, v0;
	s2 =	sadd.s32 $0xFFFFFFFD, s0;
	[tilespmem:v13+s17+$0x0] =	vst.idx.msk $0xffff, v7  }
0x170: {  	s30 =	sadd.s32 $0xFFFFFFFE, s0;
	v7 =	vor.u32 s2, v0;
	[tilespmem:v12+s17+$0x0] =	vst.idx.msk $0xffff, v6  }
0x171: {  	s31 =	sadd.s32 $0xFFFFFFFF, s0;
	v6 =	vor.u32 s30, v0;
	[tilespmem:v14+s17+$0x0] =	vst.idx.msk $0xffff, v10  }
0x172: {  	v10 =	vor.u32 s31, v0;
	[tilespmem:v15+s17+$0x0] =	vst.idx.msk $0xffff, v4  }
0x173: {  	v4 =	vor.u32 s0, v0;
	[tilespmem:v16+s17+$0x0] =	vst.idx.msk $0xffff, v3  }
0x174: {  	[tilespmem:v11+s17+$0x0] =	vst.idx.msk $0xffff, v5  }
0x175: {  	[tilespmem:v7+s17+$0x0] =	vst.idx.msk $0xffff, v9  }
0x176: {  	[tilespmem:v6+s17+$0x0] =	vst.idx.msk $0xffff, v2  }
0x177: {  	[tilespmem:v10+s17+$0x0] =	vst.idx.msk $0xffff, v1  }
0x178: {  	[tilespmem:v4+s17+$0x0] =	vst.idx.msk $0xffff, v8  }
0x179: {  	v1 =	vld [tilespmem:s28+$0x3380]  }
0x17a: {  	v2 =	vld [tilespmem:s28+$0x3300]  }
0x17b: {  	v3 =	vld [tilespmem:s28+$0x3280]  }
0x17c: {  	v4 =	vld [tilespmem:s28+$0x3200]  }
0x17d: {  	v5 =	vld [tilespmem:s28+$0x3180]  }
0x17e: {  	v6 =	vld [tilespmem:s28+$0x3100]  }
0x17f: {  	v7 =	vld [tilespmem:s28+$0x3080]  }
0x180: {  	v8 =	vld [tilespmem:s28+$0x3000]  }
0x181: {  	v9 =	vld [tilespmem:s28+$0x2300]  }
0x182: {  	s4 =	simm.s32 $0x10;
	v14 =	vld [tilespmem:s28+$0x2180]  }
0x183: {  	s6 =	simm.s32 $0x11;
	v16 =	vor.u32 s4, v0;
	v13 =	vld [tilespmem:s28+$0x2000]  }
0x184: {  	v18 =	vor.u32 s6, v0;
	v17 =	vld [tilespmem:s28+$0x2080]  }
0x185: {  	v15 =	vld [tilespmem:s28+$0x2100]  }
0x186: {  	s9 =	simm.s32 $0x12;
	v10 =	vld [tilespmem:s28+$0x2380]  }
0x187: {  	s10 =	simm.s32 $0x13;
	v19 =	vor.u32 s9, v0;
	v12 =	vld [tilespmem:s28+$0x2200]  }
0x188: {  	s22 =	simm.s32 $0x14;
	v20 =	vor.u32 s10, v0;
	v11 =	vld [tilespmem:s28+$0x2280];
	[tilespmem:v16+s17+$0x0] =	vst.idx.msk $0xffff, v13  }
0x189: {  	[tilespmem:v18+s17+$0x0] =	vst.idx.msk $0xffff, v17;
	v17 =	vor.u32 s22, v0  }
0x18a: {  	s29 =	simm.s32 $0x15  }
0x18b: {  	s30 =	simm.s32 $0x16;
	v13 =	vor.u32 s29, v0  }
0x18c: {  	s2 =	simm.s32 $0x0;
	s31 =	simm.s32 $0x17;
	s4 =	simm.s32 $0x18;
	v16 =	vor.u32 s30, v0;
	[tilespmem:v19+s17+$0x0] =	vst.idx.msk $0xffff, v15  }
0x18d: {  	s0 =	simm.s32 $0x21F;
	s28 =	simm.s32 $0x1F;
	v15 =	vor.u32 s31, v0;
	[tilespmem:v20+s17+$0x0] =	vst.idx.msk $0xffff, v14;
	v14 =	vor.u32 s4, v0;
	s4 =	simm.s32 $0x19  }
.LBB2_14:
0x18e: {  	[tilespmem:v17+s17+$0x0] =	vst.idx.msk $0xffff, v12;
	v12 =	vor.u32 s4, v0;
	s4 =	sadd.s32 $0xFFFFFFFB, s28  }
0x18f: {  	s26 =	sadd.s32 $0x80, s26;
	s2 =	sadd.s32 $0x10, s2;
	s6 =	smov.u32 s0  }
0x190: {  	p1 =	sne.s32 s0, $0x3E1F;
	s0 =	sadd.s32 $0x200, s0;
	[tilespmem:v13+s17+$0x0] =	vst.idx.msk $0xffff, v11;
	v11 =	vor.u32 s4, v0;
	s4 =	sadd.s32 $0xFFFFFFFC, s28  }
0x191: {  	[tilespmem:v16+s17+$0x0] =	vst.idx.msk $0xffff, v9;
	v9 =	vor.u32 s4, v0;
	s4 =	sadd.s32 $0xFFFFFFFD, s28  }
0x192: {  	[tilespmem:v15+s17+$0x0] =	vst.idx.msk $0xffff, v10;
	v10 =	vor.u32 s4, v0;
	s4 =	sadd.s32 $0xFFFFFFFE, s28  }
0x193: {  	[tilespmem:v14+s17+$0x0] =	vst.idx.msk $0xffff, v8;
	v8 =	vor.u32 s4, v0;
	s4 =	sadd.s32 $0xFFFFFFFF, s28  }
0x194: {  	[tilespmem:v12+s17+$0x0] =	vst.idx.msk $0xffff, v7;
	v7 =	vor.u32 s4, v0  }
0x195: {  	[tilespmem:v11+s17+$0x0] =	vst.idx.msk $0xffff, v6;
	v6 =	vor.u32 s28, v0;
	s28 =	smov.u32 s6  }
0x196: {  	[tilespmem:v9+s17+$0x0] =	vst.idx.msk $0xffff, v5  }
0x197: {  	[tilespmem:v10+s17+$0x0] =	vst.idx.msk $0xffff, v4  }
0x198: {  	[tilespmem:v8+s17+$0x0] =	vst.idx.msk $0xffff, v3  }
0x199: {  	s4 =	sand.u32 $0x70, s2;
	s6 =	sand.u32 $0xC00, s26;
	[tilespmem:v7+s17+$0x0] =	vst.idx.msk $0xffff, v2  }
0x19a: {  	s4 =	sor.u32 s4, s6;
	[tilespmem:v6+s17+$0x0] =	vst.idx.msk $0xffff, v1  }
0x19b: {  	v1 =	vld [tilespmem:s4+$0x3380]  }
0x19c: {  	v2 =	vld [tilespmem:s4+$0x3300]  }
0x19d: {  	v3 =	vld [tilespmem:s4+$0x3280]  }
0x19e: {  	v4 =	vld [tilespmem:s4+$0x3200]  }
0x19f: {  	v5 =	vld [tilespmem:s4+$0x3180]  }
0x1a0: {  	v6 =	vld [tilespmem:s4+$0x3100]  }
0x1a1: {  	v7 =	vld [tilespmem:s4+$0x3080]  }
0x1a2: {  	v8 =	vld [tilespmem:s4+$0x3000]  }
0x1a3: {  	v9 =	vld [tilespmem:s4+$0x2300]  }
0x1a4: {  	v14 =	vld [tilespmem:s4+$0x2180]  }
0x1a5: {  	s6 =	sadd.s32 $0xFFFFFFF1, s28;
	v15 =	vld [tilespmem:s4+$0x2100]  }
0x1a6: {  	v16 =	vor.u32 s6, v0;
	s6 =	sadd.s32 $0xFFFFFFF2, s28;
	v13 =	vld [tilespmem:s4+$0x2000]  }
0x1a7: {  	v19 =	vor.u32 s6, v0;
	s6 =	sadd.s32 $0xFFFFFFF3, s28;
	v18 =	vld [tilespmem:s4+$0x2080]  }
0x1a8: {  	v20 =	vor.u32 s6, v0;
	s6 =	sadd.s32 $0xFFFFFFF4, s28;
	v10 =	vld [tilespmem:s4+$0x2380]  }
0x1a9: {  	v21 =	vor.u32 s6, v0;
	s6 =	sadd.s32 $0xFFFFFFF5, s28;
	v12 =	vld [tilespmem:s4+$0x2200]  }
.Ltmp8:
0x1aa: {  	v17 =	vor.u32 s6, v0;
	v11 =	vld [tilespmem:s4+$0x2280];
	s4 =	sadd.s32 $0xFFFFFFF6, s28;
	(pc) =	sbr.rel @p1 .LBB2_14-.Ltmp8, $4  }
0x1ab: {  	[tilespmem:v16+s17+$0x0] =	vst.idx.msk $0xffff, v13;
	v13 =	vor.u32 s4, v0;
	s4 =	sadd.s32 $0xFFFFFFF7, s28  }
0x1ac: {  	[tilespmem:v19+s17+$0x0] =	vst.idx.msk $0xffff, v18;
	v16 =	vor.u32 s4, v0;
	s4 =	sadd.s32 $0xFFFFFFF8, s28  }
0x1ad: {  	[tilespmem:v20+s17+$0x0] =	vst.idx.msk $0xffff, v15;
	v15 =	vor.u32 s4, v0;
	s4 =	sadd.s32 $0xFFFFFFF9, s28  }
0x1ae: {  	[tilespmem:v21+s17+$0x0] =	vst.idx.msk $0xffff, v14;
	v14 =	vor.u32 s4, v0;
	s4 =	sadd.s32 $0xFFFFFFFA, s28  }
0x1af: {  	_ =	sdelay $0x3  }
0x1b0: {  	[tilespmem:v17+s17+$0x0] =	vst.idx.msk $0xffff, v12;
	v57 =	vor.u32 s4, v0;
	s0 =	sadd.s32 $0xFFFFFFFB, s28  }
0x1b1: {  	s22 =	sadd.s32 $0xFFFFFFFC, s28;
	[tilespmem:v13+s17+$0x0] =	vst.idx.msk $0xffff, v11;
	v58 =	vor.u32 s0, v0  }
0x1b2: {  	s26 =	sadd.s32 $0xFFFFFFFD, s28;
	v59 =	vor.u32 s22, v0;
	[tilespmem:v16+s17+$0x0] =	vst.idx.msk $0xffff, v9  }
0x1b3: {  	s29 =	sadd.s32 $0xFFFFFFFE, s28;
	v60 =	vor.u32 s26, v0;
	[tilespmem:v15+s17+$0x0] =	vst.idx.msk $0xffff, v10  }
0x1b4: {  	s30 =	sadd.s32 $0xFFFFFFFF, s28;
	v61 =	vor.u32 s29, v0;
	[tilespmem:v14+s17+$0x0] =	vst.idx.msk $0xffff, v8  }
0x1b5: {  	v62 =	vor.u32 s30, v0;
	[tilespmem:v57+s17+$0x0] =	vst.idx.msk $0xffff, v7  }
0x1b6: {  	v63 =	vor.u32 s28, v0;
	[tilespmem:v58+s17+$0x0] =	vst.idx.msk $0xffff, v6  }
0x1b7: {  	[tilespmem:v59+s17+$0x0] =	vst.idx.msk $0xffff, v5  }
0x1b8: {  	[tilespmem:v60+s17+$0x0] =	vst.idx.msk $0xffff, v4  }
0x1b9: {  	[tilespmem:v61+s17+$0x0] =	vst.idx.msk $0xffff, v3  }
0x1ba: {  	[tilespmem:v62+s17+$0x0] =	vst.idx.msk $0xffff, v2  }
0x1bb: {  	s31 =	rddreg [dreg:$0x5];
	[tilespmem:v63+s17+$0x0] =	vst.idx.msk $0xffff, v1  }
0x1bc: {  	[hbm4b:s31+s3] =	stream.linear.scatter [tilespmem:s17], [sflag:$0x3], $0x4000, $0x38;
	[tilespmem:$0x1A000] =	vst v63  }
0x1bd: {  	_ =	swait.ge [sflag:s20], $0x4000  }
.Ltmp9:
0x1be: {  	[sflag:s20] =	ssyncset.done $0x0;
	(pc) =	sbr.rel @p0 .LBB2_33-.Ltmp9, $4  }
0x1bf: {  	[sflag:s20] =	ssyncadd.s32 $0xFFFFC000  }
0x1c0: {  	_ =	swait.ge [sflag:s21], $0x4000  }
0x1c1: {  	[sflag:s21] =	ssyncset.done $0x0  }
0x1c2: {  	[sflag:s21] =	ssyncadd.s32 $0xFFFFC000  }
0x1c3: {  	s2 =	simm.s32 $0x0;
	s0 =	rddreg [dreg:$0x3];
	s4 =	simm.s32 $0x10000  }
0x1c4: {  	[tilespmem:s4], [sflag:$0x5] =	stream.linear.gather [hbm4b:s0+s2], $0x5000, $0x38;
	[tilespmem:$0x1A000] =	vst v63  }
0x1c5: {  	_ =	swait.ge [sflag:s23], $0x5000  }
0x1c6: {  	s26 =	sand.u32 $0x70, s2;
	s4 =	sand.u32 $0x1C00, s2;
	[sflag:s23] =	ssyncset.done $0x0  }
0x1c7: {  	s0 =	sor.u32 s26, s4;
	[sflag:s23] =	ssyncadd.s32 $0xFFFFB000  }
0x1c8: {  	v3 =	vor.u32 s2, v0;
	v2 =	vld [tilespmem:s0+$0x10000]  }
0x1c9: {  	s6 =	simm.s32 $0x1  }
0x1ca: {  	s30 =	simm.s32 $0x2;
	v5 =	vor.u32 s6, v0;
	v4 =	vld [tilespmem:s0+$0x10080]  }
0x1cb: {  	v7 =	vor.u32 s30, v0;
	v6 =	vld [tilespmem:s0+$0x10100]  }
0x1cc: {  	s31 =	simm.s32 $0x3  }
0x1cd: {  	v1 =	vld [tilespmem:s0+$0x10180];
	[tilespmem:v3+s24+$0x0] =	vst.idx.msk $0xffff, v2;
	v2 =	vor.u32 s31, v0;
	_ =	sdelay $0x1  }
0x1ce: {  	s28 =	simm.s32 $0x20;
	s22 =	simm.s32 $0x80;
	s0 =	simm.s32 $0x10;
	[tilespmem:v5+s24+$0x0] =	vst.idx.msk $0xffff, v4  }
0x1cf: {  	s10 =	sand.u32 $0x1C00, s22;
	s26 =	simm.s32 $0x0;
	s29 =	sand.u32 $0x70, s0;
	[tilespmem:v7+s24+$0x0] =	vst.idx.msk $0xffff, v6  }
.LBB2_17:
0x1d0: {  	s6 =	sor.u32 s29, s10  }
0x1d1: {  	[tilespmem:v2+s24+$0x0] =	vst.idx.msk $0xffff, v1;
	s26 =	sadd.s32 $0x200, s26;
	s9 =	smov.u32 s28;
	s30 =	sadd.s32 $0x10, s28  }
0x1d2: {  	p1 =	sne.s32 s28, $0x230;
	v3 =	vld [tilespmem:s6+$0x10000];
	v4 =	vor.u32 s26, v0;
	s10 =	sadd.s32 $0x1, s26  }
0x1d3: {  	v5 =	vld [tilespmem:s6+$0x10080];
	v6 =	vor.u32 s10, v0;
	s10 =	sadd.s32 $0x2, s26  }
0x1d4: {  	v7 =	vld [tilespmem:s6+$0x10100];
	v8 =	vor.u32 s10, v0;
	s10 =	sadd.s32 $0x3, s26  }
.Ltmp10:
0x1d5: {  	v1 =	vld [tilespmem:s6+$0x10180];
	v2 =	vor.u32 s10, v0;
	(pc) =	sbr.rel @p1 .LBB2_17-.Ltmp10, $4  }
0x1d6: {  	_ = 	snop  }
0x1d7: {  	[tilespmem:v4+s24+$0x0] =	vst.idx.msk $0xffff, v3  }
0x1d8: {  	s22 =	sadd.s32 $0x80, s22;
	[tilespmem:v6+s24+$0x0] =	vst.idx.msk $0xffff, v5  }
0x1d9: {  	s29 =	sand.u32 $0x70, s9;
	s28 =	smov.u32 s30;
	s10 =	sand.u32 $0x1C00, s22;
	[tilespmem:v8+s24+$0x0] =	vst.idx.msk $0xffff, v7  }
0x1da: {  	_ =	sdelay $0x3  }
0x1db: {  	s6 =	sor.u32 s29, s10;
	[tilespmem:v2+s24+$0x0] =	vst.idx.msk $0xffff, v1;
	s9 =	sadd.s32 $0x200, s26  }
0x1dc: {  	v1 =	vld [tilespmem:s6+$0x10000];
	v2 =	vor.u32 s9, v0;
	s30 =	sadd.s32 $0x1, s9  }
0x1dd: {  	v3 =	vld [tilespmem:s6+$0x10080];
	s31 =	sadd.s32 $0x2, s9;
	v4 =	vor.u32 s30, v0  }
0x1de: {  	v5 =	vld [tilespmem:s6+$0x10100];
	s9 =	sadd.s32 $0x3, s9;
	v6 =	vor.u32 s31, v0  }
0x1df: {  	v7 =	vld [tilespmem:s6+$0x10180];
	v8 =	vor.u32 s9, v0;
	_ =	sdelay $0x1  }
0x1e0: {  	[tilespmem:v2+s24+$0x0] =	vst.idx.msk $0xffff, v1  }
0x1e1: {  	[tilespmem:v4+s24+$0x0] =	vst.idx.msk $0xffff, v3  }
0x1e2: {  	s22 =	sand.u32 $0x70, s2;
	[tilespmem:v6+s24+$0x0] =	vst.idx.msk $0xffff, v5  }
0x1e3: {  	s26 =	simm.s32 $0x4;
	s4 =	sor.u32 s22, s4;
	[tilespmem:v8+s24+$0x0] =	vst.idx.msk $0xffff, v7  }
0x1e4: {  	v3 =	vor.u32 s26, v0;
	v2 =	vld [tilespmem:s4+$0x10200]  }
0x1e5: {  	s28 =	simm.s32 $0x5  }
0x1e6: {  	s29 =	simm.s32 $0x6;
	v62 =	vor.u32 s28, v0;
	v4 =	vld [tilespmem:s4+$0x10280]  }
0x1e7: {  	v63 =	vor.u32 s29, v0;
	s30 =	sor.u32 s2, s2;
	v6 =	vld [tilespmem:s4+$0x10300]  }
0x1e8: {  	s31 =	simm.s32 $0x7;
	s2 =	sor.u32 $0x380, s30  }
0x1e9: {  	v1 =	vld [tilespmem:s2+$0x10000];
	[tilespmem:v3+s24+$0x0] =	vst.idx.msk $0xffff, v2;
	v2 =	vor.u32 s31, v0;
	_ =	sdelay $0x1  }
0x1ea: {  	s22 =	simm.s32 $0x407;
	s4 =	simm.s32 $0x80;
	[tilespmem:v62+s24+$0x0] =	vst.idx.msk $0xffff, v4  }
0x1eb: {  	s26 =	sand.u32 $0x70, s0;
	s2 =	simm.s32 $0x207;
	s10 =	sand.u32 $0x1C00, s4;
	[tilespmem:v63+s24+$0x0] =	vst.idx.msk $0xffff, v6  }
.LBB2_19:
0x1ec: {  	s6 =	sor.u32 s26, s10  }
0x1ed: {  	s9 =	sadd.s32 $0xFFFFFFFD, s2;
	[tilespmem:v2+s24+$0x0] =	vst.idx.msk $0xffff, v1;
	s10 =	smov.u32 s22;
	s28 =	sadd.s32 $0x200, s22  }
0x1ee: {  	p1 =	sne.s32 s22, $0x4607;
	v3 =	vld [tilespmem:s6+$0x10200];
	v4 =	vor.u32 s9, v0;
	s9 =	sadd.s32 $0xFFFFFFFE, s2  }
0x1ef: {  	s22 =	sor.u32 s4, s0;
	v5 =	vld [tilespmem:s6+$0x10280];
	v6 =	vor.u32 s9, v0;
	s9 =	sadd.s32 $0xFFFFFFFF, s2  }
0x1f0: {  	v7 =	vld [tilespmem:s6+$0x10300];
	s6 =	sor.u32 $0x380, s22;
	v8 =	vor.u32 s9, v0  }
.Ltmp11:
0x1f1: {  	v2 =	vor.u32 s2, v0;
	s2 =	smov.u32 s10;
	v1 =	vld [tilespmem:s6+$0x10000];
	(pc) =	sbr.rel @p1 .LBB2_19-.Ltmp11, $4  }
0x1f2: {  	_ = 	snop  }
0x1f3: {  	[tilespmem:v4+s24+$0x0] =	vst.idx.msk $0xffff, v3  }
0x1f4: {  	s4 =	sadd.s32 $0x80, s4;
	s0 =	sadd.s32 $0x10, s0;
	[tilespmem:v6+s24+$0x0] =	vst.idx.msk $0xffff, v5  }
0x1f5: {  	s26 =	sand.u32 $0x70, s0;
	s10 =	sand.u32 $0x1C00, s4;
	s22 =	smov.u32 s28;
	[tilespmem:v8+s24+$0x0] =	vst.idx.msk $0xffff, v7  }
0x1f6: {  	_ =	sdelay $0x3  }
0x1f7: {  	s6 =	sor.u32 s26, s10;
	s9 =	sadd.s32 $0xFFFFFFFD, s2;
	[tilespmem:v2+s24+$0x0] =	vst.idx.msk $0xffff, v1  }
0x1f8: {  	s31 =	sadd.s32 $0xFFFFFFFE, s2;
	v1 =	vld [tilespmem:s6+$0x10200];
	v2 =	vor.u32 s9, v0  }
0x1f9: {  	s0 =	sor.u32 s4, s0;
	v3 =	vld [tilespmem:s6+$0x10280];
	v4 =	vor.u32 s31, v0;
	s9 =	sadd.s32 $0xFFFFFFFF, s2  }
0x1fa: {  	v5 =	vld [tilespmem:s6+$0x10300];
	s0 =	sor.u32 $0x380, s0;
	v6 =	vor.u32 s9, v0  }
0x1fb: {  	v8 =	vor.u32 s2, v0;
	v7 =	vld [tilespmem:s0+$0x10000];
	_ =	sdelay $0x1  }
0x1fc: {  	[tilespmem:v2+s24+$0x0] =	vst.idx.msk $0xffff, v1  }
0x1fd: {  	s10 =	simm.s32 $0x0;
	[tilespmem:v4+s24+$0x0] =	vst.idx.msk $0xffff, v3  }
0x1fe: {  	s22 =	sand.u32 $0x70, s10;
	s0 =	sand.u32 $0x1C00, s10;
	[tilespmem:v6+s24+$0x0] =	vst.idx.msk $0xffff, v5  }
0x1ff: {  	s26 =	simm.s32 $0x8;
	s0 =	sor.u32 s22, s0;
	[tilespmem:v8+s24+$0x0] =	vst.idx.msk $0xffff, v7  }
0x200: {  	v3 =	vor.u32 s26, v0;
	v2 =	vld [tilespmem:s0+$0x11400]  }
0x201: {  	s29 =	simm.s32 $0x9  }
0x202: {  	s30 =	simm.s32 $0xA;
	v62 =	vor.u32 s29, v0;
	v4 =	vld [tilespmem:s0+$0x11480]  }
0x203: {  	v63 =	vor.u32 s30, v0;
	v6 =	vld [tilespmem:s0+$0x11500]  }
0x204: {  	s31 =	simm.s32 $0xB  }
0x205: {  	v1 =	vld [tilespmem:s0+$0x11580];
	[tilespmem:v3+s24+$0x0] =	vst.idx.msk $0xffff, v2;
	v2 =	vor.u32 s31, v0;
	_ =	sdelay $0x1  }
0x206: {  	s4 =	simm.s32 $0x80;
	s2 =	simm.s32 $0x20B;
	s22 =	simm.s32 $0x10;
	[tilespmem:v62+s24+$0x0] =	vst.idx.msk $0xffff, v4  }
0x207: {  	s10 =	sand.u32 $0x1C00, s4;
	s28 =	sand.u32 $0x70, s22;
	s26 =	simm.s32 $0x40B;
	[tilespmem:v63+s24+$0x0] =	vst.idx.msk $0xffff, v6  }
.LBB2_21:
0x208: {  	s6 =	sor.u32 s28, s10  }
0x209: {  	s9 =	sadd.s32 $0xFFFFFFFD, s2;
	[tilespmem:v2+s24+$0x0] =	vst.idx.msk $0xffff, v1;
	s10 =	smov.u32 s26;
	s29 =	sadd.s32 $0x200, s26  }
0x20a: {  	p1 =	sne.s32 s26, $0x460B;
	v3 =	vld [tilespmem:s6+$0x11400];
	v4 =	vor.u32 s9, v0;
	s9 =	sadd.s32 $0xFFFFFFFE, s2  }
0x20b: {  	v5 =	vld [tilespmem:s6+$0x11480];
	v6 =	vor.u32 s9, v0;
	s9 =	sadd.s32 $0xFFFFFFFF, s2  }
0x20c: {  	v7 =	vld [tilespmem:s6+$0x11500];
	v8 =	vor.u32 s9, v0  }
.Ltmp12:
0x20d: {  	v2 =	vor.u32 s2, v0;
	s2 =	smov.u32 s10;
	v1 =	vld [tilespmem:s6+$0x11580];
	(pc) =	sbr.rel @p1 .LBB2_21-.Ltmp12, $4  }
0x20e: {  	_ = 	snop  }
0x20f: {  	[tilespmem:v4+s24+$0x0] =	vst.idx.msk $0xffff, v3  }
0x210: {  	s4 =	sadd.s32 $0x80, s4;
	s22 =	sadd.s32 $0x10, s22;
	[tilespmem:v6+s24+$0x0] =	vst.idx.msk $0xffff, v5  }
0x211: {  	s28 =	sand.u32 $0x70, s22;
	s26 =	smov.u32 s29;
	s10 =	sand.u32 $0x1C00, s4;
	[tilespmem:v8+s24+$0x0] =	vst.idx.msk $0xffff, v7  }
0x212: {  	_ =	sdelay $0x3  }
0x213: {  	s4 =	sor.u32 s28, s10;
	s6 =	sadd.s32 $0xFFFFFFFD, s2;
	[tilespmem:v2+s24+$0x0] =	vst.idx.msk $0xffff, v1  }
0x214: {  	s22 =	sadd.s32 $0xFFFFFFFE, s2;
	v1 =	vld [tilespmem:s4+$0x11400];
	v2 =	vor.u32 s6, v0  }
0x215: {  	s26 =	sadd.s32 $0xFFFFFFFF, s2;
	v3 =	vld [tilespmem:s4+$0x11480];
	v4 =	vor.u32 s22, v0  }
0x216: {  	v5 =	vld [tilespmem:s4+$0x11500];
	v6 =	vor.u32 s26, v0  }
0x217: {  	v8 =	vor.u32 s2, v0;
	v7 =	vld [tilespmem:s4+$0x11580];
	_ =	sdelay $0x1  }
0x218: {  	[tilespmem:v2+s24+$0x0] =	vst.idx.msk $0xffff, v1  }
0x219: {  	[tilespmem:v4+s24+$0x0] =	vst.idx.msk $0xffff, v3  }
0x21a: {  	[tilespmem:v6+s24+$0x0] =	vst.idx.msk $0xffff, v5  }
0x21b: {  	s28 =	simm.s32 $0xC;
	[tilespmem:v8+s24+$0x0] =	vst.idx.msk $0xffff, v7  }
0x21c: {  	v3 =	vor.u32 s28, v0;
	v2 =	vld [tilespmem:s0+$0x11600]  }
0x21d: {  	s29 =	simm.s32 $0xD  }
0x21e: {  	s30 =	simm.s32 $0xE;
	v62 =	vor.u32 s29, v0;
	v4 =	vld [tilespmem:s0+$0x11680]  }
0x21f: {  	v63 =	vor.u32 s30, v0;
	v6 =	vld [tilespmem:s0+$0x11700]  }
0x220: {  	s31 =	simm.s32 $0xF  }
0x221: {  	v1 =	vld [tilespmem:s0+$0x11780];
	[tilespmem:v3+s24+$0x0] =	vst.idx.msk $0xffff, v2;
	v2 =	vor.u32 s31, v0;
	_ =	sdelay $0x1  }
0x222: {  	s2 =	simm.s32 $0x80;
	s4 =	simm.s32 $0x10;
	s22 =	simm.s32 $0x40F;
	[tilespmem:v62+s24+$0x0] =	vst.idx.msk $0xffff, v4  }
0x223: {  	s10 =	sand.u32 $0x1C00, s2;
	s26 =	sand.u32 $0x70, s4;
	s0 =	simm.s32 $0x20F;
	[tilespmem:v63+s24+$0x0] =	vst.idx.msk $0xffff, v6  }
.LBB2_23:
0x224: {  	s6 =	sor.u32 s26, s10  }
0x225: {  	s9 =	sadd.s32 $0xFFFFFFFD, s0;
	[tilespmem:v2+s24+$0x0] =	vst.idx.msk $0xffff, v1;
	s10 =	smov.u32 s22;
	s28 =	sadd.s32 $0x200, s22  }
0x226: {  	p1 =	sne.s32 s22, $0x460F;
	v3 =	vld [tilespmem:s6+$0x11600];
	v4 =	vor.u32 s9, v0;
	s9 =	sadd.s32 $0xFFFFFFFE, s0  }
0x227: {  	v5 =	vld [tilespmem:s6+$0x11680];
	v6 =	vor.u32 s9, v0;
	s9 =	sadd.s32 $0xFFFFFFFF, s0  }
0x228: {  	v7 =	vld [tilespmem:s6+$0x11700];
	v8 =	vor.u32 s9, v0  }
.Ltmp13:
0x229: {  	v2 =	vor.u32 s0, v0;
	s0 =	smov.u32 s10;
	v1 =	vld [tilespmem:s6+$0x11780];
	(pc) =	sbr.rel @p1 .LBB2_23-.Ltmp13, $4  }
0x22a: {  	_ = 	snop  }
0x22b: {  	[tilespmem:v4+s24+$0x0] =	vst.idx.msk $0xffff, v3  }
0x22c: {  	s2 =	sadd.s32 $0x80, s2;
	s4 =	sadd.s32 $0x10, s4;
	[tilespmem:v6+s24+$0x0] =	vst.idx.msk $0xffff, v5  }
0x22d: {  	s26 =	sand.u32 $0x70, s4;
	s22 =	smov.u32 s28;
	s10 =	sand.u32 $0x1C00, s2;
	[tilespmem:v8+s24+$0x0] =	vst.idx.msk $0xffff, v7  }
0x22e: {  	_ =	sdelay $0x3  }
0x22f: {  	s2 =	sor.u32 s26, s10;
	s4 =	sadd.s32 $0xFFFFFFFD, s0;
	[tilespmem:v2+s24+$0x0] =	vst.idx.msk $0xffff, v1  }
0x230: {  	s9 =	sadd.s32 $0xFFFFFFFE, s0;
	v1 =	vld [tilespmem:s2+$0x11600];
	v2 =	vor.u32 s4, v0  }
0x231: {  	s10 =	sadd.s32 $0xFFFFFFFF, s0;
	v3 =	vld [tilespmem:s2+$0x11680];
	v4 =	vor.u32 s9, v0  }
0x232: {  	v5 =	vld [tilespmem:s2+$0x11700];
	v6 =	vor.u32 s10, v0  }
0x233: {  	v8 =	vor.u32 s0, v0;
	v7 =	vld [tilespmem:s2+$0x11780];
	_ =	sdelay $0x1  }
0x234: {  	[tilespmem:v2+s24+$0x0] =	vst.idx.msk $0xffff, v1  }
0x235: {  	s22 =	simm.s32 $0x0;
	[tilespmem:v4+s24+$0x0] =	vst.idx.msk $0xffff, v3  }
0x236: {  	s26 =	sand.u32 $0x70, s22;
	s0 =	sand.u32 $0x1C00, s22;
	[tilespmem:v6+s24+$0x0] =	vst.idx.msk $0xffff, v5  }
0x237: {  	s29 =	simm.s32 $0x10;
	s0 =	sor.u32 s26, s0;
	[tilespmem:v8+s24+$0x0] =	vst.idx.msk $0xffff, v7  }
0x238: {  	v3 =	vor.u32 s29, v0;
	v2 =	vld [tilespmem:s0+$0x12800]  }
0x239: {  	s30 =	simm.s32 $0x11  }
0x23a: {  	s31 =	simm.s32 $0x12;
	v62 =	vor.u32 s30, v0;
	v4 =	vld [tilespmem:s0+$0x12880]  }
0x23b: {  	v63 =	vor.u32 s31, v0;
	v6 =	vld [tilespmem:s0+$0x12900]  }
0x23c: {  	s6 =	simm.s32 $0x13  }
0x23d: {  	v1 =	vld [tilespmem:s0+$0x12980];
	[tilespmem:v3+s24+$0x0] =	vst.idx.msk $0xffff, v2;
	v2 =	vor.u32 s6, v0;
	_ =	sdelay $0x1  }
0x23e: {  	s2 =	simm.s32 $0x213;
	s4 =	simm.s32 $0x80;
	s22 =	simm.s32 $0x10;
	[tilespmem:v62+s24+$0x0] =	vst.idx.msk $0xffff, v4  }
0x23f: {  	s26 =	simm.s32 $0x413;
	s28 =	sand.u32 $0x70, s22;
	s10 =	sand.u32 $0x1C00, s4;
	[tilespmem:v63+s24+$0x0] =	vst.idx.msk $0xffff, v6  }
.LBB2_25:
0x240: {  	s6 =	sor.u32 s28, s10  }
0x241: {  	s9 =	sadd.s32 $0xFFFFFFFD, s2;
	[tilespmem:v2+s24+$0x0] =	vst.idx.msk $0xffff, v1;
	s10 =	smov.u32 s26;
	s29 =	sadd.s32 $0x200, s26  }
0x242: {  	p1 =	sne.s32 s26, $0x4613;
	v3 =	vld [tilespmem:s6+$0x12800];
	v4 =	vor.u32 s9, v0;
	s9 =	sadd.s32 $0xFFFFFFFE, s2  }
0x243: {  	v5 =	vld [tilespmem:s6+$0x12880];
	v6 =	vor.u32 s9, v0;
	s9 =	sadd.s32 $0xFFFFFFFF, s2  }
0x244: {  	v7 =	vld [tilespmem:s6+$0x12900];
	v8 =	vor.u32 s9, v0  }
.Ltmp14:
0x245: {  	v2 =	vor.u32 s2, v0;
	s2 =	smov.u32 s10;
	v1 =	vld [tilespmem:s6+$0x12980];
	(pc) =	sbr.rel @p1 .LBB2_25-.Ltmp14, $4  }
0x246: {  	_ = 	snop  }
0x247: {  	[tilespmem:v4+s24+$0x0] =	vst.idx.msk $0xffff, v3  }
0x248: {  	s4 =	sadd.s32 $0x80, s4;
	s22 =	sadd.s32 $0x10, s22;
	[tilespmem:v6+s24+$0x0] =	vst.idx.msk $0xffff, v5  }
0x249: {  	s28 =	sand.u32 $0x70, s22;
	s26 =	smov.u32 s29;
	s10 =	sand.u32 $0x1C00, s4;
	[tilespmem:v8+s24+$0x0] =	vst.idx.msk $0xffff, v7  }
0x24a: {  	_ =	sdelay $0x3  }
0x24b: {  	s4 =	sor.u32 s28, s10;
	s6 =	sadd.s32 $0xFFFFFFFD, s2;
	[tilespmem:v2+s24+$0x0] =	vst.idx.msk $0xffff, v1  }
0x24c: {  	s22 =	sadd.s32 $0xFFFFFFFE, s2;
	v1 =	vld [tilespmem:s4+$0x12800];
	v2 =	vor.u32 s6, v0  }
0x24d: {  	s26 =	sadd.s32 $0xFFFFFFFF, s2;
	v3 =	vld [tilespmem:s4+$0x12880];
	v4 =	vor.u32 s22, v0  }
0x24e: {  	v5 =	vld [tilespmem:s4+$0x12900];
	v6 =	vor.u32 s26, v0  }
0x24f: {  	v8 =	vor.u32 s2, v0;
	v7 =	vld [tilespmem:s4+$0x12980];
	_ =	sdelay $0x1  }
0x250: {  	[tilespmem:v2+s24+$0x0] =	vst.idx.msk $0xffff, v1  }
0x251: {  	[tilespmem:v4+s24+$0x0] =	vst.idx.msk $0xffff, v3  }
0x252: {  	[tilespmem:v6+s24+$0x0] =	vst.idx.msk $0xffff, v5  }
0x253: {  	s28 =	simm.s32 $0x14;
	[tilespmem:v8+s24+$0x0] =	vst.idx.msk $0xffff, v7  }
0x254: {  	v3 =	vor.u32 s28, v0;
	v2 =	vld [tilespmem:s0+$0x12A00]  }
0x255: {  	s29 =	simm.s32 $0x15  }
0x256: {  	s30 =	simm.s32 $0x16;
	v62 =	vor.u32 s29, v0;
	v4 =	vld [tilespmem:s0+$0x12A80]  }
0x257: {  	v63 =	vor.u32 s30, v0;
	v6 =	vld [tilespmem:s0+$0x12B00]  }
0x258: {  	s31 =	simm.s32 $0x17  }
0x259: {  	v1 =	vld [tilespmem:s0+$0x12B80];
	[tilespmem:v3+s24+$0x0] =	vst.idx.msk $0xffff, v2;
	v2 =	vor.u32 s31, v0;
	_ =	sdelay $0x1  }
0x25a: {  	s2 =	simm.s32 $0x80;
	s4 =	simm.s32 $0x10;
	s22 =	simm.s32 $0x417;
	[tilespmem:v62+s24+$0x0] =	vst.idx.msk $0xffff, v4  }
0x25b: {  	s10 =	sand.u32 $0x1C00, s2;
	s26 =	sand.u32 $0x70, s4;
	s0 =	simm.s32 $0x217;
	[tilespmem:v63+s24+$0x0] =	vst.idx.msk $0xffff, v6  }
.LBB2_27:
0x25c: {  	s6 =	sor.u32 s26, s10  }
0x25d: {  	s9 =	sadd.s32 $0xFFFFFFFD, s0;
	[tilespmem:v2+s24+$0x0] =	vst.idx.msk $0xffff, v1;
	s10 =	smov.u32 s22;
	s28 =	sadd.s32 $0x200, s22  }
0x25e: {  	p1 =	sne.s32 s22, $0x4617;
	v3 =	vld [tilespmem:s6+$0x12A00];
	v4 =	vor.u32 s9, v0;
	s9 =	sadd.s32 $0xFFFFFFFE, s0  }
0x25f: {  	v5 =	vld [tilespmem:s6+$0x12A80];
	v6 =	vor.u32 s9, v0;
	s9 =	sadd.s32 $0xFFFFFFFF, s0  }
0x260: {  	v7 =	vld [tilespmem:s6+$0x12B00];
	v8 =	vor.u32 s9, v0  }
.Ltmp15:
0x261: {  	v2 =	vor.u32 s0, v0;
	s0 =	smov.u32 s10;
	v1 =	vld [tilespmem:s6+$0x12B80];
	(pc) =	sbr.rel @p1 .LBB2_27-.Ltmp15, $4  }
0x262: {  	_ = 	snop  }
0x263: {  	[tilespmem:v4+s24+$0x0] =	vst.idx.msk $0xffff, v3  }
0x264: {  	s2 =	sadd.s32 $0x80, s2;
	s4 =	sadd.s32 $0x10, s4;
	[tilespmem:v6+s24+$0x0] =	vst.idx.msk $0xffff, v5  }
0x265: {  	s26 =	sand.u32 $0x70, s4;
	s22 =	smov.u32 s28;
	s10 =	sand.u32 $0x1C00, s2;
	[tilespmem:v8+s24+$0x0] =	vst.idx.msk $0xffff, v7  }
0x266: {  	_ =	sdelay $0x3  }
0x267: {  	s2 =	sor.u32 s26, s10;
	s4 =	sadd.s32 $0xFFFFFFFD, s0;
	[tilespmem:v2+s24+$0x0] =	vst.idx.msk $0xffff, v1  }
0x268: {  	s9 =	sadd.s32 $0xFFFFFFFE, s0;
	v1 =	vld [tilespmem:s2+$0x12A00];
	v2 =	vor.u32 s4, v0  }
0x269: {  	s10 =	sadd.s32 $0xFFFFFFFF, s0;
	v3 =	vld [tilespmem:s2+$0x12A80];
	v4 =	vor.u32 s9, v0  }
0x26a: {  	v5 =	vld [tilespmem:s2+$0x12B00];
	v6 =	vor.u32 s10, v0  }
0x26b: {  	v8 =	vor.u32 s0, v0;
	v7 =	vld [tilespmem:s2+$0x12B80];
	_ =	sdelay $0x1  }
0x26c: {  	[tilespmem:v2+s24+$0x0] =	vst.idx.msk $0xffff, v1  }
0x26d: {  	s22 =	simm.s32 $0x0;
	[tilespmem:v4+s24+$0x0] =	vst.idx.msk $0xffff, v3  }
0x26e: {  	s26 =	sand.u32 $0x70, s22;
	s0 =	sand.u32 $0x1C00, s22;
	[tilespmem:v6+s24+$0x0] =	vst.idx.msk $0xffff, v5  }
0x26f: {  	s29 =	simm.s32 $0x18;
	s0 =	sor.u32 s26, s0;
	[tilespmem:v8+s24+$0x0] =	vst.idx.msk $0xffff, v7  }
0x270: {  	v3 =	vor.u32 s29, v0;
	v2 =	vld [tilespmem:s0+$0x13C00]  }
0x271: {  	s30 =	simm.s32 $0x19  }
0x272: {  	s31 =	simm.s32 $0x1A;
	v62 =	vor.u32 s30, v0;
	v4 =	vld [tilespmem:s0+$0x13C80]  }
0x273: {  	v63 =	vor.u32 s31, v0;
	v6 =	vld [tilespmem:s0+$0x13D00]  }
0x274: {  	s6 =	simm.s32 $0x1B  }
0x275: {  	v1 =	vld [tilespmem:s0+$0x13D80];
	[tilespmem:v3+s24+$0x0] =	vst.idx.msk $0xffff, v2;
	v2 =	vor.u32 s6, v0;
	_ =	sdelay $0x1  }
0x276: {  	s2 =	simm.s32 $0x21B;
	s4 =	simm.s32 $0x80;
	s22 =	simm.s32 $0x10;
	[tilespmem:v62+s24+$0x0] =	vst.idx.msk $0xffff, v4  }
0x277: {  	s26 =	simm.s32 $0x41B;
	s28 =	sand.u32 $0x70, s22;
	s10 =	sand.u32 $0x1C00, s4;
	[tilespmem:v63+s24+$0x0] =	vst.idx.msk $0xffff, v6  }
.LBB2_29:
0x278: {  	s6 =	sor.u32 s28, s10  }
0x279: {  	s9 =	sadd.s32 $0xFFFFFFFD, s2;
	[tilespmem:v2+s24+$0x0] =	vst.idx.msk $0xffff, v1;
	s10 =	smov.u32 s26;
	s29 =	sadd.s32 $0x200, s26  }
0x27a: {  	p1 =	sne.s32 s26, $0x461B;
	v3 =	vld [tilespmem:s6+$0x13C00];
	v4 =	vor.u32 s9, v0;
	s9 =	sadd.s32 $0xFFFFFFFE, s2  }
0x27b: {  	v5 =	vld [tilespmem:s6+$0x13C80];
	v6 =	vor.u32 s9, v0;
	s9 =	sadd.s32 $0xFFFFFFFF, s2  }
0x27c: {  	v7 =	vld [tilespmem:s6+$0x13D00];
	v8 =	vor.u32 s9, v0  }
.Ltmp16:
0x27d: {  	v2 =	vor.u32 s2, v0;
	s2 =	smov.u32 s10;
	v1 =	vld [tilespmem:s6+$0x13D80];
	(pc) =	sbr.rel @p1 .LBB2_29-.Ltmp16, $4  }
0x27e: {  	_ = 	snop  }
0x27f: {  	[tilespmem:v4+s24+$0x0] =	vst.idx.msk $0xffff, v3  }
0x280: {  	s4 =	sadd.s32 $0x80, s4;
	s22 =	sadd.s32 $0x10, s22;
	[tilespmem:v6+s24+$0x0] =	vst.idx.msk $0xffff, v5  }
0x281: {  	s28 =	sand.u32 $0x70, s22;
	s26 =	smov.u32 s29;
	s10 =	sand.u32 $0x1C00, s4;
	[tilespmem:v8+s24+$0x0] =	vst.idx.msk $0xffff, v7  }
0x282: {  	_ =	sdelay $0x3  }
0x283: {  	s4 =	sor.u32 s28, s10;
	s6 =	sadd.s32 $0xFFFFFFFD, s2;
	[tilespmem:v2+s24+$0x0] =	vst.idx.msk $0xffff, v1  }
0x284: {  	s22 =	sadd.s32 $0xFFFFFFFE, s2;
	v1 =	vld [tilespmem:s4+$0x13C00];
	v2 =	vor.u32 s6, v0  }
0x285: {  	s26 =	sadd.s32 $0xFFFFFFFF, s2;
	v3 =	vld [tilespmem:s4+$0x13C80];
	v4 =	vor.u32 s22, v0  }
0x286: {  	v5 =	vld [tilespmem:s4+$0x13D00];
	v6 =	vor.u32 s26, v0  }
0x287: {  	v8 =	vor.u32 s2, v0;
	v7 =	vld [tilespmem:s4+$0x13D80];
	_ =	sdelay $0x1  }
0x288: {  	[tilespmem:v2+s24+$0x0] =	vst.idx.msk $0xffff, v1  }
0x289: {  	[tilespmem:v4+s24+$0x0] =	vst.idx.msk $0xffff, v3  }
0x28a: {  	[tilespmem:v6+s24+$0x0] =	vst.idx.msk $0xffff, v5  }
0x28b: {  	s28 =	simm.s32 $0x1C;
	[tilespmem:v8+s24+$0x0] =	vst.idx.msk $0xffff, v7  }
0x28c: {  	v3 =	vor.u32 s28, v0;
	v2 =	vld [tilespmem:s0+$0x13E00]  }
0x28d: {  	s29 =	simm.s32 $0x1D  }
0x28e: {  	s30 =	simm.s32 $0x1E;
	v62 =	vor.u32 s29, v0;
	v4 =	vld [tilespmem:s0+$0x13E80]  }
0x28f: {  	v63 =	vor.u32 s30, v0;
	v6 =	vld [tilespmem:s0+$0x13F00]  }
0x290: {  	s31 =	simm.s32 $0x1F  }
0x291: {  	v1 =	vld [tilespmem:s0+$0x13F80];
	[tilespmem:v3+s24+$0x0] =	vst.idx.msk $0xffff, v2;
	v2 =	vor.u32 s31, v0;
	_ =	sdelay $0x1  }
0x292: {  	s2 =	simm.s32 $0x80;
	s4 =	simm.s32 $0x10;
	s22 =	simm.s32 $0x41F;
	[tilespmem:v62+s24+$0x0] =	vst.idx.msk $0xffff, v4  }
0x293: {  	s10 =	sand.u32 $0x1C00, s2;
	s26 =	sand.u32 $0x70, s4;
	s0 =	simm.s32 $0x21F;
	[tilespmem:v63+s24+$0x0] =	vst.idx.msk $0xffff, v6  }
.LBB2_31:
0x294: {  	s6 =	sor.u32 s26, s10  }
0x295: {  	s9 =	sadd.s32 $0xFFFFFFFD, s0;
	[tilespmem:v2+s24+$0x0] =	vst.idx.msk $0xffff, v1;
	s10 =	smov.u32 s22;
	s28 =	sadd.s32 $0x200, s22  }
0x296: {  	p1 =	sne.s32 s22, $0x461F;
	v3 =	vld [tilespmem:s6+$0x13E00];
	v4 =	vor.u32 s9, v0;
	s9 =	sadd.s32 $0xFFFFFFFE, s0  }
0x297: {  	v5 =	vld [tilespmem:s6+$0x13E80];
	v6 =	vor.u32 s9, v0;
	s9 =	sadd.s32 $0xFFFFFFFF, s0  }
0x298: {  	v7 =	vld [tilespmem:s6+$0x13F00];
	v8 =	vor.u32 s9, v0  }
.Ltmp17:
0x299: {  	v2 =	vor.u32 s0, v0;
	s0 =	smov.u32 s10;
	v1 =	vld [tilespmem:s6+$0x13F80];
	(pc) =	sbr.rel @p1 .LBB2_31-.Ltmp17, $4  }
0x29a: {  	_ = 	snop  }
0x29b: {  	[tilespmem:v4+s24+$0x0] =	vst.idx.msk $0xffff, v3  }
0x29c: {  	s2 =	sadd.s32 $0x80, s2;
	s4 =	sadd.s32 $0x10, s4;
	[tilespmem:v6+s24+$0x0] =	vst.idx.msk $0xffff, v5  }
0x29d: {  	s26 =	sand.u32 $0x70, s4;
	s22 =	smov.u32 s28;
	s10 =	sand.u32 $0x1C00, s2;
	[tilespmem:v8+s24+$0x0] =	vst.idx.msk $0xffff, v7  }
0x29e: {  	_ =	sdelay $0x3  }
0x29f: {  	s2 =	sor.u32 s26, s10;
	s4 =	sadd.s32 $0xFFFFFFFD, s0;
	[tilespmem:v2+s24+$0x0] =	vst.idx.msk $0xffff, v1  }
0x2a0: {  	s29 =	sadd.s32 $0xFFFFFFFE, s0;
	v1 =	vld [tilespmem:s2+$0x13E00];
	v2 =	vor.u32 s4, v0  }
0x2a1: {  	s30 =	sadd.s32 $0xFFFFFFFF, s0;
	v3 =	vld [tilespmem:s2+$0x13E80];
	v4 =	vor.u32 s29, v0  }
0x2a2: {  	v5 =	vld [tilespmem:s2+$0x13F00];
	v6 =	vor.u32 s30, v0  }
0x2a3: {  	v8 =	vor.u32 s0, v0;
	v7 =	vld [tilespmem:s2+$0x13F80];
	_ =	sdelay $0x1  }
0x2a4: {  	[tilespmem:v2+s24+$0x0] =	vst.idx.msk $0xffff, v1  }
0x2a5: {  	[tilespmem:v4+s24+$0x0] =	vst.idx.msk $0xffff, v3  }
0x2a6: {  	[tilespmem:v6+s24+$0x0] =	vst.idx.msk $0xffff, v5  }
.Ltmp18:
0x2a7: {  	s31 =	rddreg [dreg:$0x6];
	[tilespmem:v8+s24+$0x0] =	vst.idx.msk $0xffff, v7;
	(pc) =	sbr.rel .LBB2_33-.Ltmp18, $4  }
0x2a8: {  	[hbm4b:s31+s3] =	stream.linear.scatter [tilespmem:s24], [sflag:$0x5], $0x4800, $0x38;
	[tilespmem:$0x1A000] =	vst v63  }
0x2a9: {  	_ =	swait.ge [sflag:s23], $0x4800  }
0x2aa: {  	[sflag:s23] =	ssyncset.done $0x0  }
0x2ab: {  	[sflag:s23] =	ssyncadd.s32 $0xFFFFB800  }
.LBB2_34:
0x2ac: {  	_ =	sfence.sel $0x180000  }
0x2ad: {  	[bflag:$0x0] =	sbarrier.arrive $0xFFFF  }
0x2ae: {  	_ =	strace $0x90000047  }
0x2af: {  	s0 =	stileid.u32;
	[bflag:$0x2] =	sbarrier.arrive $0xFFFF  }
0x2b0: {  	p0 =	sne.s32 s0, $0x0;
	s0 =	rddreg [dreg:$0x2]  }
0x2b1: {  	s0 =	sadd.s32 @!p0 $0x100000, s0  }
0x2b2: {  	[sflag:s0] =	ssyncadd.tile.s32 @!p0 $0x1;
	_ =	shalt  }
.Lfunc_end2:
_tile_overlayer_lowered:
.L_overlay_start_2:
0x2b3: {  	(tag) =	ssettag $0x2  }
0x2b4: {  	s0 =	rddreg [dreg:$0x0];
	s2 =	stileid.u32  }
0x2b5: {  	s1 =	rddreg [dreg:$0x1];
	p0 =	sne.s32 s2, $0x0  }
0x2b6: {  	s3 =	rddreg [dreg:$0x2];
	[bflag:$0x3] =	sbarrier.arrive $0xFFFF;
	s2 =	simm.s32 @!p0 $0x1C05  }
0x2b7: {  	[timem:s3], [sflag:s2] =	dma.local @!p0 [hbm:s0], s1  }
0x2b8: {  	s0 =	simm.s32 @!p0 $0x5  }
0x2b9: {  	_ =	swait.ge @!p0 [sflag:s0], s1  }
0x2ba: {  	s1 =	ssub.s32 @!p0 $0x0, s1;
	[sflag:s0] =	ssyncset.done @!p0 $0x0  }
0x2bb: {  	[sflag:s0] =	ssyncadd.s32 @!p0 s1  }
0x2bc: {  	[bflag:$0x3] =	sbarrier.arrive $0xFFFF  }
0x2bd: {  	_ =	shalt  }

// kernel: kernel.7.cloned.1.call-start
scs
__scs_entry_jumppad:
0x0: {  	(pc) =	sbr.rel $0x88, $3  }
0x1: {  	(tag) =	ssettag $0x0;
	lr =	simm.s32 $0x1  }
0x2: {  	[smem:$0x3F9F] =	sst lr;
	_ =	strace $0xD0000000  }
0x3: {  	_ = 	snop  }
0x4: {  	_ = 	snop  }
0x5: {  	_ = 	snop  }
0x6: {  	_ = 	snop  }
0x7: {  	_ = 	snop  }
__scs_overlays_trampoline_lowered:
0x8: {  	[smem:$0x3FAE] =	sst s0  }
0x9: {  	[smem:$0x3FAF] =	sst s1  }
0xa: {  	[smem:$0x3FB0] =	sst s2  }
0xb: {  	[smem:$0x3FB1] =	sst s3  }
0xc: {  	[smem:$0x3FB2] =	sst s4  }
0xd: {  	[smem:$0x3FB3] =	sst s5  }
0xe: {  	[smem:$0x3FB4] =	sst s6  }
0xf: {  	[smem:$0x3FB5] =	sst s7  }
0x10: {  	[smem:$0x3FB6] =	sst s8  }
0x11: {  	[smem:$0x3FB7] =	sst s9;
	s0 =	simm.s32 @!p0 $0x0  }
0x12: {  	s1 =	sld [smem:$0x3F9D];
	s0 =	simm.s32 @p0 $0x1  }
0x13: {  	[smem:$0x3FB8] =	sst s0;
	s0 =	simm.s32 @!p1 $0x0  }
0x14: {  	s2 =	sld [smem:$0x3F9C];
	s0 =	simm.s32 @p1 $0x1  }
0x15: {  	[smem:$0x3FB9] =	sst s0;
	s0 =	simm.s32 @!p2 $0x0  }
0x16: {  	s3 =	sld [smem:$0x3FDB];
	s0 =	simm.s32 @p2 $0x1  }
0x17: {  	s4 =	simm.s32 $0x1BF5;
	[smem:$0x3FBB] =	sst s0  }
0x18: {  	s0 =	sld [smem:$0x3F9E];
	_ =	swait.ge [sflag:s4], $0x0  }
0x19: {  	s7 =	sld [smem:$0x3F9F]  }
0x1a: {  	s8 =	sadd.s32 $0xFFFFE003, lr  }
0x1b: {  	s9 =	sadd.s32 $0xFFFFFEF7, lr;
	s5 =	simm.s32 $0xFFFFFFFF;
	p2 =	slt.u32 s8, $0xFFFFF086  }
0x1c: {  	p1 =	slt.u32 s9, $0xF7A;
	s5 =	simm.s32 @!p2 $0x0  }
0x1d: {  	s5 =	simm.s32 @p1 $0x1;
	p0 =	seq.s32 s7, s2  }
0x1e: {  	s7 =	smul.u32 @!p0 $0xF7A, s2;
	p2 =	seq.s32 @!p0 s5, $0x0  }
0x1f: {  	s9 =	smul.u32 $0xF7A, s1;
	s8 =	simm.s32 @!p0 $0x1BF5;
	p2 =	por !p2, p0  }
0x20: {  	[sflag:s8] =	ssyncset.s32 @!p0 $0xFFFFF086;
	s6 =	sadd.s32 @!p0 s3, s7;
	s7 =	simm.s32 @!p0 $0x108  }
0x21: {  	s3 =	sadd.s32 s3, s9;
	s6 =	sadd.s32 @!p0 $0x88, s6;
	s7 =	simm.s32 @p2 $0x1082  }
0x22: {  	[simem:s7], [sflag:s8] =	dma.local @!p0 [hbm:s6], $0xF7A  }
0x23: {  	s9 =	sor.u32 $0xD0000000, s2;
	s6 =	simm.s32 $0x108;
	_ =	swait.ge @!p0 [sflag:s8], $0x0  }
0x24: {  	s3 =	sadd.s32 $0x88, s3;
	s6 =	simm.s32 @!p1 $0x1082;
	[sflag:s4] =	ssyncset.s32 $0xFFFFF086  }
0x25: {  	[simem:s6], [sflag:s4] =	dma.local [hbm:s3], $0xF7A  }
0x26: {  	[smem:$0x3F9F] =	sst s1;
	(tag) =	ssettag s2;
	_ =	strace s9  }
0x27: {  	s1 =	sld [smem:$0x3FAF]  }
0x28: {  	s2 =	sld [smem:$0x3FB0]  }
0x29: {  	s4 =	sld [smem:$0x3FB2]  }
0x2a: {  	p0 =	seq.s32 s5, $0x0;
	s5 =	sld [smem:$0x3FB3]  }
0x2b: {  	s6 =	sld [smem:$0x3FB4]  }
0x2c: {  	s7 =	sld [smem:$0x3FB5]  }
0x2d: {  	s3 =	simm.s32 $0x108;
	s8 =	sld [smem:$0x3FB6]  }
0x2e: {  	s3 =	simm.s32 @!p0 $0x1082;
	s9 =	sld [smem:$0x3FB7]  }
0x2f: {  	lr =	sadd.s32 s0, s3;
	s0 =	sld [smem:$0x3FAE]  }
0x30: {  	s3 =	sld [smem:$0x3FB1]  }
0x31: {  	[smem:$0x3FBA] =	sst s10  }
0x32: {  	s10 =	sld [smem:$0x3FB8];
	_ =	sdelay $0x3  }
0x33: {  	p0 =	seq.s32 s10, $0x1;
	s10 =	sld [smem:$0x3FBA];
	_ =	sdelay $0x3  }
0x34: {  	[smem:$0x3FBA] =	sst s10  }
0x35: {  	s10 =	sld [smem:$0x3FB9];
	_ =	sdelay $0x3  }
0x36: {  	p1 =	seq.s32 s10, $0x1;
	s10 =	sld [smem:$0x3FBA];
	_ =	sdelay $0x3  }
0x37: {  	[smem:$0x3FBA] =	sst s10  }
0x38: {  	s10 =	sld [smem:$0x3FBB]  }
0x39: {  	_ = 	snop;
	(pc) =	sbr.ind lr, $3  }
0x3a: {  	_ = 	snop  }
0x3b: {  	_ = 	snop  }
0x3c: {  	p2 =	seq.s32 s10, $0x1;
	s10 =	sld [smem:$0x3FBA]  }
0x3d: {  	_ =	shalt  }
0x3e: {  	_ =	shalt  }
0x3f: {  	_ =	shalt  }
0x40: {  	_ =	shalt  }
0x41: {  	_ =	shalt  }
0x42: {  	_ =	shalt  }
0x43: {  	_ =	shalt  }
0x44: {  	_ =	shalt  }
0x45: {  	_ =	shalt  }
0x46: {  	_ =	shalt  }
0x47: {  	_ =	shalt  }
0x48: {  	_ =	shalt  }
0x49: {  	_ =	shalt  }
0x4a: {  	_ =	shalt  }
0x4b: {  	_ =	shalt  }
0x4c: {  	_ =	shalt  }
0x4d: {  	_ =	shalt  }
0x4e: {  	_ =	shalt  }
0x4f: {  	_ =	shalt  }
0x50: {  	_ =	shalt  }
0x51: {  	_ =	shalt  }
0x52: {  	_ =	shalt  }
0x53: {  	_ =	shalt  }
0x54: {  	_ =	shalt  }
0x55: {  	_ =	shalt  }
0x56: {  	_ =	shalt  }
0x57: {  	_ =	shalt  }
0x58: {  	_ =	shalt  }
0x59: {  	_ =	shalt  }
0x5a: {  	_ =	shalt  }
0x5b: {  	_ =	shalt  }
0x5c: {  	_ =	shalt  }
0x5d: {  	_ =	shalt  }
0x5e: {  	_ =	shalt  }
0x5f: {  	_ =	shalt  }
0x60: {  	_ =	shalt  }
0x61: {  	_ =	shalt  }
0x62: {  	_ =	shalt  }
0x63: {  	_ =	shalt  }
0x64: {  	_ =	shalt  }
0x65: {  	_ =	shalt  }
0x66: {  	_ =	shalt  }
0x67: {  	_ =	shalt  }
0x68: {  	_ =	shalt  }
0x69: {  	_ =	shalt  }
0x6a: {  	_ =	shalt  }
0x6b: {  	_ =	shalt  }
0x6c: {  	_ =	shalt  }
0x6d: {  	_ =	shalt  }
0x6e: {  	_ =	shalt  }
0x6f: {  	_ =	shalt  }
0x70: {  	_ =	shalt  }
0x71: {  	_ =	shalt  }
0x72: {  	_ =	shalt  }
0x73: {  	_ =	shalt  }
0x74: {  	_ =	shalt  }
0x75: {  	_ =	shalt  }
0x76: {  	_ =	shalt  }
0x77: {  	_ =	shalt  }
0x78: {  	_ =	shalt  }
0x79: {  	_ =	shalt  }
0x7a: {  	_ =	shalt  }
0x7b: {  	_ =	shalt  }
0x7c: {  	_ =	shalt  }
0x7d: {  	_ =	shalt  }
0x7e: {  	_ =	shalt  }
0x7f: {  	_ =	shalt  }
0x80: {  	_ =	shalt  }
0x81: {  	_ =	shalt  }
0x82: {  	_ =	shalt  }
0x83: {  	_ =	shalt  }
0x84: {  	_ =	shalt  }
0x85: {  	_ =	shalt  }
0x86: {  	_ =	shalt  }
0x87: {  	_ =	shalt  }
.Lfunc_end0:
.L_simem_size_0:
called_computation.2_lowered:
.L_overlay_start_0:
0x88: {  	s2 =	sld [smem:$0x3FD9]  }
0x89: {  	s3 =	sld [smem:$0x3FFE];
	_ =	sdelay $0x1  }
0x8a: {  	s1 =	srdreg.scid  }
0x8b: {  	s0 =	sand.u32 $0x1, s1  }
0x8c: {  	s17 =	sshll.u32 s0, $0xA;
	s2 =	sadd.s32 s3, s2  }
0x8d: {  	s2 =	sadd.s32 s2, s17  }
0x8e: {  	[smem:$0x3FC6] =	sst s2  }
0x8f: {  	_ = 	snop  }
0x90: {  	s2 =	sld [smem:$0x3FD0];
	(tm) =	ssettm $0x1  }
0x91: {  	s18 =	sld [smem:$0x3FFB];
	_ =	sdelay $0x3  }
0x92: {  	_ =	strace s18  }
0x93: {  	s3 =	sld [smem:$0x3FFC];
	_ =	sdelay $0x3  }
0x94: {  	_ =	strace s3  }
0x95: {  	s3 =	sld [smem:$0x3FFD];
	_ =	sdelay $0x3  }
0x96: {  	_ =	strace s3  }
0x97: {  	_ =	strace $0x8FFFFFFF  }
0x98: {  	s19 =	sld [smem:$0x3FDB];
	_ =	sdelay $0x1  }
0x99: {  	s4 =	simm.s32 $_scs_section_size  }
0x9a: {  	s5 =	simm.s32 $_size__tile_overlayer_lowered;
	s6 =	simm.s32 $_tile_overlayer_lowered  }
0x9b: {  	s22 =	simm.s32 $0x1BFF;
	s21 =	sshll.u32 s6, $0x1;
	s3 =	sadd.s32 s4, s19  }
0x9c: {  	s7 =	simm.s32 $0x0;
	s20 =	sshll.u32 s5, $0x1;
	s5 =	sadd.s32 s21, s3  }
0x9d: {  	[timem:s7], [sflag:s22] =	dma.local [hbm:s5], s20  }
0x9e: {  	_ =	swait.ge [sflag:s22], s20  }
0x9f: {  	s4 =	ssub.s32 $0x0, s20;
	[sflag:s22] =	ssyncset.done $0x0  }
0xa0: {  	[sflag:s22] =	ssyncadd.s32 s4;
	_ =	sdelay $0x1  }
0xa1: {  	s23 =	simm.s32 $0x1B8B  }
0xa2: {  	_ =	swait.ge [sflag:s23], $0x1  }
0xa3: {  	[sflag:s23] =	ssyncset.done $0x0  }
0xa4: {  	s25 =	simm.s32 $0x1B8E;
	s24 =	sld [smem:$0x3FFE];
	[sflag:s23] =	ssyncadd.s32 $0xFFFFFFFF  }
0xa5: {  	s26 =	simm.s32 $execute0_lowered;
	[smem:$0x3FD2] =	sst s25  }
0xa6: {  	s5 =	sshll.u32 s26, $0x1;
	_ =	strace $0x80000049;
	[dreg:$0x1] =	wrdreg $0xFFFFFFFF  }
0xa7: {  	s28 =	simm.s32 $_size_execute0_lowered;
	s3 =	sadd.s32 s3, s5;
	[dreg:$0x0] =	wrdreg $0x0  }
0xa8: {  	s5 =	sshll.u32 s28, $0x1;
	[dreg:$0x2] =	wrdreg s3  }
0xa9: {  	[dreg:$0x3] =	wrdreg s5  }
0xaa: {  	[dreg:$0x4] =	wrdreg $0xC0  }
0xab: {  	_ =	task [dreg:s7], $0x5FFFF  }
0xac: {  	[dreg:$0x1] =	wrdreg $0xFFFFFFFF  }
0xad: {  	[dreg:$0x0] =	wrdreg $0x60  }
0xae: {  	[dreg:$0x2] =	wrdreg s2  }
0xaf: {  	[dreg:$0x3] =	wrdreg s24  }
0xb0: {  	[dreg:$0x4] =	wrdreg $0x9  }
0xb1: {  	_ =	task.clear_ibuf [dreg:s7], $0x5FFFF;
	_ =	strace $0x90000049  }
0xb2: {  	s29 =	simm.s32 $0x9;
	_ =	strace $0x8000004B  }
0xb3: {  	_ =	swait.ge [sflag:s29], $0x1  }
0xb4: {  	[sflag:s29] =	ssyncadd.s32 $0xFFFFFFFF  }
0xb5: {  	_ =	strace $0x9000004B  }
0xb6: {  	_ =	sfence  }
0xb7: {  	s30 =	sld [smem:$0x0];
	_ =	sdelay $0x2  }
0xb8: {  	s31 =	sshll.u32 s1, $0xD;
	s1 =	sshrl.u32 s1, $0x2  }
0xb9: {  	s3 =	sand.u32 $0x4000, s31;
	s1 =	sadd.s32 s1, s30  }
0xba: {  	s0 =	sor.u32 s3, s0;
	s1 =	sshll.u32 s1, $0x11  }
0xbb: {  	s0 =	sor.u32 s1, s0  }
0xbc: {  	s0 =	sadd.s32 $0x8F2B, s0  }
0xbd: {  	[sflag:s0] =	ssyncadd.remote.s32 $0x1  }
0xbe: {  	_ =	sfence.sel $0xFFFF  }
0xbf: {  	[dreg:$0x0] =	wrdreg $0xFFFFFFFF;
	(pc) =	sbr.abs _section_cstart, $3  }
0xc0: {  	[dreg:$0x1] =	wrdreg $0xFFFFFFFF  }
0xc1: {  	_ =	task.clear_ibuf [dreg:s7], $0x2FFFF;
	_ =	strace $0x9FFFFFFF  }
0xc2: {  	(tm) =	ssettm $0x7FFFFFFF  }
0xc3: {  	_ =	shalt  }
tec
execute0_lowered:
.L_overlay_start_1:
0x0: {  	(tag) =	ssettag $0x1  }
0x1: {  	s0 =	rddreg [dreg:$0x0]  }
0x2: {  	s1 =	rddreg [dreg:$0x1]  }
0x3: {  	s3 =	srdreg.scid;
	s2 =	stileid.u32;
	s4 =	simm.s32 $0x0  }
0x4: {  	s26 =	simm.s32 $0x200;
	s10 =	simm.s32 $0x16400;
	s11 =	simm.s32 $0x1  }
0x5: {  	s12 =	simm.s32 $0x20;
	s28 =	simm.s32 $0x6400;
	s13 =	simm.s32 $0x80  }
0x6: {  	s29 =	simm.s32 $0xA400;
	s14 =	simm.s32 $0x2;
	s30 =	simm.s32 $0xE400  }
0x7: {  	s15 =	simm.s32 $0x3;
	s31 =	simm.s32 $0x12400;
	s16 =	simm.s32 $0x4  }
0x8: {  	s17 =	simm.s32 $0x5;
	s20 =	simm.s32 $0x8;
	s21 =	simm.s32 $0x9  }
0x9: {  	s6 =	sand.u32 $0x1, s3;
	s22 =	sshll.u32 s2, $0x1;
	[smem:$0x7FF] =	sst s4  }
0xa: {  	s3 =	sadd.s32 $0x1800, s1;
	_ =	strace $0x8000004A;
	[dreg:$0x3] =	wrdreg s26  }
0xb: {  	s5 =	sadd.s32 $0x3D2200, s1;
	s7 =	smul.u32 $0xC8000, s2;
	[dreg:$0x4] =	wrdreg s28  }
0xc: {  	s23 =	sor.u32 s6, s22;
	s24 =	ssub.s32 $0x2, s6;
	[dreg:$0x5] =	wrdreg s29  }
0xd: {  	[dreg:$0x6] =	wrdreg s30;
	s4 =	smul.u32 $0x6400, s23;
	s8 =	sshrl.u32 s24, $0x1  }
0xe: {  	s6 =	smul.u32 $0x64000, s6;
	[dreg:$0x7] =	wrdreg s31;
	s1 =	ssub.s32 s24, s8  }
0xf: {  	s22 =	simm.s32 $0xA;
	s9 =	sshrl.u32 s4, $0x3;
	s1 =	smax.u32 s1, $0x1  }
0x10: {  	s25 =	sadd.s32 s7, s5;
	s0 =	sadd.s32 s0, s9;
	[dreg:$0x9] =	wrdreg s1  }
0x11: {  	s23 =	simm.s32 $0x0;
	s8 =	sadd.s32 s6, s25;
	[dreg:$0x8] =	wrdreg s0  }
.LBB2_1:
0x12: {  	s2 =	simm.s32 $0x0;
	s0 =	rddreg [dreg:$0x8];
	s1 =	simm.s32 $0xB  }
0x13: {  	[tilespmem:s2], [sflag:$0xB] =	stream.linear.gather [hbm4b:s0+s2], $0x6400, $0x38;
	[tilespmem:$0x1A400] =	vst v63  }
0x14: {  	p0 =	por $0x0, $0x0;
	_ =	swait.ge [sflag:s1], $0x6400  }
0x15: {  	p1 =	por p0, p0;
	[sflag:s1] =	ssyncset.done $0x0  }
0x16: {  	s0 =	simm.s32 @p1 $0x6;
	[sflag:s1] =	ssyncadd.s32 $0xFFFF9C00  }
0x17: {  	_ =	swait.ge @p1 [sflag:s0], $0x4000  }
0x18: {  	s6 =	simm.s32 @p1 $0x6400;
	[sflag:s0] =	ssyncset.done @p1 $0x0  }
0x19: {  	s1 =	simm.s32 @p1 $0x7;
	[sflag:s0] =	ssyncadd.s32 @p1 $0xFFFFC000;
	s0 =	simm.s32 @p1 $0x200  }
0x1a: {  	[tilespmem:s6], [sflag:$0x1] =	stream.indirect.gather @p1 [hbm4b:s3+s0], $0x20, s2, s0, $0xb8;
	[tilespmem:$0x1A400] =	vst v63  }
0x1b: {  	_ =	swait.ge @p1 [sflag:s1], $0x4000  }
0x1c: {  	s7 =	simm.s32 @p1 $0xA400;
	[sflag:s1] =	ssyncset.done @p1 $0x0  }
0x1d: {  	s6 =	simm.s32 @p1 $0x8;
	[sflag:s1] =	ssyncadd.s32 @p1 $0xFFFFC000;
	s1 =	simm.s32 @p1 $0x200  }
0x1e: {  	[tilespmem:s7], [sflag:$0x2] =	stream.indirect.gather @p1 [hbm4b:s3+s0], $0x20, s1, s0, $0xb8;
	[tilespmem:$0x1A400] =	vst v63  }
0x1f: {  	_ =	swait.ge @p1 [sflag:s6], $0x4000  }
0x20: {  	s1 =	simm.s32 @p1 $0x9;
	[sflag:s6] =	ssyncset.done @p1 $0x0  }
0x21: {  	s7 =	simm.s32 @p1 $0xE400;
	[sflag:s6] =	ssyncadd.s32 @p1 $0xFFFFC000;
	s6 =	simm.s32 @p1 $0x400  }
0x22: {  	[tilespmem:s7], [sflag:$0x3] =	stream.indirect.gather @p1 [hbm4b:s3+s0], $0x20, s6, s0, $0xb8;
	[tilespmem:$0x1A400] =	vst v63  }
0x23: {  	_ =	swait.ge @p1 [sflag:s1], $0x4000  }
0x24: {  	s6 =	simm.s32 @p1 $0xA;
	[sflag:s1] =	ssyncset.done @p1 $0x0  }
0x25: {  	s7 =	simm.s32 @p1 $0x12400;
	[sflag:s1] =	ssyncadd.s32 @p1 $0xFFFFC000;
	s1 =	simm.s32 @p1 $0x600  }
0x26: {  	[tilespmem:s7], [sflag:$0x4] =	stream.indirect.gather @p1 [hbm4b:s3+s0], $0x20, s1, s0, $0xb8;
	[tilespmem:$0x1A400] =	vst v63  }
0x27: {  	_ =	swait.ge @p1 [sflag:s6], $0x4000  }
0x28: {  	[sflag:s6] =	ssyncset.done @p1 $0x0  }
0x29: {  	s1 =	simm.s32 @!p1 $0x200;
	s0 =	simm.s32 @!p1 $0x6400;
	[sflag:s6] =	ssyncadd.s32 @p1 $0xFFFFC000  }
0x2a: {  	[tilespmem:s0], [sflag:$0x1] =	stream.indirect.gather @!p1 [hbm4b:s3+s1], $0x20, s2, s1, $0xb8;
	[tilespmem:$0x1A400] =	vst v63  }
0x2b: {  	s0 =	simm.s32 @!p1 $0xA400  }
0x2c: {  	[tilespmem:s0], [sflag:$0x2] =	stream.indirect.gather @!p1 [hbm4b:s3+s1], $0x20, s1, s1, $0xb8;
	[tilespmem:$0x1A400] =	vst v63  }
0x2d: {  	s31 =	simm.s32 $0x1C00;
	s7 =	simm.s32 @!p1 $0xE400;
	s6 =	simm.s32 @!p1 $0x400  }
0x2e: {  	[tilespmem:s7], [sflag:$0x3] =	stream.indirect.gather @!p1 [hbm4b:s3+s1], $0x20, s6, s1, $0xb8;
	[tilespmem:$0x1A400] =	vst v63  }
0x2f: {  	s30 =	simm.s32 $0xA00;
	s6 =	simm.s32 @!p1 $0x600;
	s7 =	simm.s32 @!p1 $0x12400  }
0x30: {  	[tilespmem:s7], [sflag:$0x4] =	stream.indirect.gather @!p1 [hbm4b:s3+s1], $0x20, s6, s1, $0xb8;
	[tilespmem:$0x1A400] =	vst v63  }
0x31: {  	s24 =	rddreg [dreg:$0x3];
	s0 =	simm.s32 $0x800;
	s1 =	simm.s32 @p0 $0x200  }
0x32: {  	s0 =	simm.s32 @!p1 $0x800;
	s7 =	simm.s32 @p0 $0x400;
	s1 =	simm.s32 @!p0 $0x200  }
0x33: {  	[tilespmem:s10], [sflag:$0x5] =	stream.indirect.gather [hbm4b:s3+s24], $0x20, s0, s24, $0xb8;
	[tilespmem:$0x1A400] =	vst v63  }
0x34: {  	s7 =	simm.s32 @!p0 $0x400;
	s24 =	simm.s32 $0x1200;
	s1 =	sadd.s32 s4, s1  }
0x35: {  	s9 =	sadd.s32 s4, s7;
	s7 =	simm.s32 @p0 $0x600;
	s0 =	sadd.s32 s4, s0  }
0x36: {  	_ =	swait.ge [sflag:s11], $0x4000;
	s1 =	sshll.u32 s1, $0x4;
	s6 =	sshll.u32 s9, $0x4  }
0x37: {  	s7 =	simm.s32 @!p0 $0x600;
	p0 =	por $0x1, $0x1;
	s0 =	sshll.u32 s0, $0x4  }
0x38: {  	s2 =	rddreg [dreg:$0x4];
	[sflag:s11] =	ssyncset.done $0x0;
	s1 =	sand.u32 $0x1FFFE000, s1  }
0x39: {  	s6 =	sand.u32 $0x1FFFE000, s6;
	s7 =	sadd.s32 s4, s7;
	s26 =	simm.s32 @p0 $0x1000  }
0x3a: {  	s0 =	sand.u32 $0x1FFFE000, s0;
	[sflag:s11] =	ssyncadd.s32 $0xFFFFC000;
	s1 =	sadd.s32 s5, s1  }
0x3b: {  	[hbm4b:s8+s12] =	stream.strided.scatter [tilespmem:s2], [sflag:$0x6], $0x4000, s13, s12, $0x38;
	[tilespmem:$0x1A400] =	vst v63  }
0x3c: {  	s18 =	sshll.u32 s7, $0x4;
	s7 =	simm.s32 @p0 $0xC00;
	_ =	swait.ge [sflag:s14], $0x4000  }
0x3d: {  	s6 =	sadd.s32 s5, s6;
	s26 =	simm.s32 @!p0 $0x600;
	[sflag:s14] =	ssyncset.done $0x0  }
0x3e: {  	s7 =	simm.s32 @!p0 $0x200;
	s25 =	rddreg [dreg:$0x5];
	[sflag:s14] =	ssyncadd.s32 $0xFFFFC000  }
0x3f: {  	[hbm4b:s1+s12] =	stream.strided.scatter [tilespmem:s25], [sflag:$0x7], $0x4000, s13, s12, $0x38;
	[tilespmem:$0x1A400] =	vst v63  }
0x40: {  	s0 =	sadd.s32 s5, s0;
	s7 =	sadd.s32 s4, s7;
	_ =	swait.ge [sflag:s15], $0x4000  }
0x41: {  	s26 =	sadd.s32 s4, s26;
	s7 =	sshll.u32 s7, $0x4;
	[sflag:s15] =	ssyncset.done $0x0  }
0x42: {  	s1 =	sand.u32 $0x1FFFE000, s18;
	s19 =	rddreg [dreg:$0x6];
	[sflag:s15] =	ssyncadd.s32 $0xFFFFC000  }
0x43: {  	[hbm4b:s6+s12] =	stream.strided.scatter [tilespmem:s19], [sflag:$0x8], $0x4000, s13, s12, $0x38;
	[tilespmem:$0x1A400] =	vst v63  }
0x44: {  	s25 =	sand.u32 $0x1FFFE000, s7;
	s7 =	sshll.u32 s26, $0x4;
	_ =	swait.ge [sflag:s16], $0x4000  }
0x45: {  	s1 =	sadd.s32 s5, s1;
	s6 =	simm.s32 @p0 $0xE00;
	[sflag:s16] =	ssyncset.done $0x0  }
0x46: {  	s6 =	simm.s32 @!p0 $0x400;
	s29 =	rddreg [dreg:$0x7];
	[sflag:s16] =	ssyncadd.s32 $0xFFFFC000  }
0x47: {  	[hbm4b:s1+s12] =	stream.strided.scatter [tilespmem:s29], [sflag:$0x9], $0x4000, s13, s12, $0x38;
	[tilespmem:$0x1A400] =	vst v63  }
0x48: {  	s26 =	sand.u32 $0x1FFFE000, s7;
	s6 =	sadd.s32 s4, s6;
	_ =	swait.ge [sflag:s17], $0x4000  }
0x49: {  	p0 =	por p0, p0;
	s6 =	sshll.u32 s6, $0x4;
	[sflag:s17] =	ssyncset.done $0x0  }
0x4a: {  	s28 =	sand.u32 $0x1FFFE000, s6;
	s29 =	sadd.s32 $0xA000, s8;
	[sflag:s17] =	ssyncadd.s32 $0xFFFFC000  }
.LBB2_2:
0x4b: {  	[hbm4b:s0+s12] =	stream.strided.scatter [tilespmem:s10], [sflag:$0xA], $0x4000, s13, s12, $0x38;
	[tilespmem:$0x1A400] =	vst v63  }
0x4c: {  	s0 =	smov.u32 s31;
	s1 =	simm.s32 @p0 $0x6;
	s2 =	simm.s32 @p0 $0x7  }
0x4d: {  	s9 =	simm.s32 @p0 $0x200;
	p1 =	sne.s32 s0, $0x800;
	_ =	swait.ge @p0 [sflag:s1], $0x4000  }
0x4e: {  	s18 =	simm.s32 @p0 $0xA400;
	s6 =	sadd.s32 @p1 $0xFFFFFA00, s0;
	[sflag:s1] =	ssyncset.done @p0 $0x0  }
0x4f: {  	s6 =	simm.s32 @!p1 $0x200;
	[sflag:s1] =	ssyncadd.s32 @p0 $0xFFFFC000;
	s1 =	simm.s32 @p0 $0x6400  }
0x50: {  	[tilespmem:s1], [sflag:$0x1] =	stream.indirect.gather @p0 [hbm4b:s3+s9], $0x20, s30, s9, $0xb8;
	[tilespmem:$0x1A400] =	vst v63  }
0x51: {  	s7 =	sadd.s32 @p1 $0xFFFFFC00, s0;
	s6 =	sadd.s32 s4, s6;
	_ =	swait.ge @p0 [sflag:s2], $0x4000  }
0x52: {  	s7 =	simm.s32 @!p1 $0x400;
	s1 =	sshll.u32 s6, $0x4;
	[sflag:s2] =	ssyncset.done @p0 $0x0  }
0x53: {  	s6 =	simm.s32 @p0 $0x8;
	[sflag:s2] =	ssyncadd.s32 @p0 $0xFFFFC000;
	s2 =	sadd.s32 @p0 $0x200, s30  }
0x54: {  	[tilespmem:s18], [sflag:$0x2] =	stream.indirect.gather @p0 [hbm4b:s3+s9], $0x20, s2, s9, $0xb8;
	[tilespmem:$0x1A400] =	vst v63  }
0x55: {  	s18 =	sadd.s32 s4, s7;
	_ =	swait.ge @p0 [sflag:s6], $0x4000  }
0x56: {  	s7 =	simm.s32 @p0 $0x9;
	s2 =	sshll.u32 s18, $0x4;
	[sflag:s6] =	ssyncset.done @p0 $0x0  }
0x57: {  	s18 =	simm.s32 @p0 $0xE400;
	[sflag:s6] =	ssyncadd.s32 @p0 $0xFFFFC000;
	s6 =	sadd.s32 @p0 $0x400, s30  }
0x58: {  	[tilespmem:s18], [sflag:$0x3] =	stream.indirect.gather @p0 [hbm4b:s3+s9], $0x20, s6, s9, $0xb8;
	[tilespmem:$0x1A400] =	vst v63  }
0x59: {  	_ =	swait.ge @p0 [sflag:s7], $0x4000  }
0x5a: {  	s19 =	simm.s32 @p0 $0x12400;
	s6 =	sand.u32 $0x1FFFE000, s2;
	[sflag:s7] =	ssyncset.done @p0 $0x0  }
0x5b: {  	s2 =	simm.s32 @p0 $0xA;
	[sflag:s7] =	ssyncadd.s32 @p0 $0xFFFFC000;
	s7 =	sadd.s32 @p0 $0x600, s30  }
0x5c: {  	[tilespmem:s19], [sflag:$0x4] =	stream.indirect.gather @p0 [hbm4b:s3+s9], $0x20, s7, s9, $0xb8;
	[tilespmem:$0x1A400] =	vst v63  }
0x5d: {  	_ =	swait.ge @p0 [sflag:s2], $0x4000  }
0x5e: {  	s18 =	sadd.s32 @p1 $0xFFFFFE00, s0;
	[sflag:s2] =	ssyncset.done @p0 $0x0  }
0x5f: {  	s9 =	simm.s32 @!p0 $0x6400;
	[sflag:s2] =	ssyncadd.s32 @p0 $0xFFFFC000;
	s2 =	simm.s32 @!p0 $0x200  }
0x60: {  	[tilespmem:s9], [sflag:$0x1] =	stream.indirect.gather @!p0 [hbm4b:s3+s2], $0x20, s30, s2, $0xb8;
	[tilespmem:$0x1A400] =	vst v63  }
0x61: {  	s18 =	simm.s32 @!p1 $0x600;
	s9 =	simm.s32 @!p0 $0xA400  }
0x62: {  	[tilespmem:s9], [sflag:$0x2] =	stream.indirect.gather @!p0 [hbm4b:s3+s2], $0x20, s2, s2, $0xb8;
	[tilespmem:$0x1A400] =	vst v63  }
0x63: {  	s19 =	sadd.s32 s4, s18;
	s18 =	simm.s32 @!p0 $0xE400;
	s9 =	simm.s32 @!p0 $0x400  }
0x64: {  	[tilespmem:s18], [sflag:$0x3] =	stream.indirect.gather @!p0 [hbm4b:s3+s2], $0x20, s9, s2, $0xb8;
	[tilespmem:$0x1A400] =	vst v63  }
0x65: {  	s9 =	simm.s32 @!p0 $0x600;
	s18 =	simm.s32 @!p0 $0x12400  }
0x66: {  	[tilespmem:s18], [sflag:$0x4] =	stream.indirect.gather @!p0 [hbm4b:s3+s2], $0x20, s9, s2, $0xb8;
	[tilespmem:$0x1A400] =	vst v63  }
0x67: {  	s2 =	smov.u32 s24  }
0x68: {  	s7 =	sshll.u32 s19, $0x4;
	s19 =	rddreg [dreg:$0x3];
	s2 =	simm.s32 @!p0 $0x800  }
0x69: {  	[tilespmem:s10], [sflag:$0x5] =	stream.indirect.gather [hbm4b:s3+s19], $0x20, s2, s19, $0xb8;
	[tilespmem:$0x1A400] =	vst v63  }
0x6a: {  	_ =	swait.ge [sflag:s11], $0x4000  }
0x6b: {  	[sflag:s11] =	ssyncset.done $0x0  }
0x6c: {  	s9 =	rddreg [dreg:$0x4];
	[sflag:s11] =	ssyncadd.s32 $0xFFFFC000  }
0x6d: {  	[hbm4b:s29+s12] =	stream.strided.scatter [tilespmem:s9], [sflag:$0x6], $0x4000, s13, s12, $0x38;
	[tilespmem:$0x1A400] =	vst v63  }
0x6e: {  	_ =	swait.ge [sflag:s14], $0x4000  }
0x6f: {  	s31 =	sadd.s32 $0xA00, s31;
	s26 =	sadd.s32 s5, s26;
	[sflag:s14] =	ssyncset.done $0x0  }
0x70: {  	s19 =	sadd.s32 s5, s25;
	s18 =	rddreg [dreg:$0x5];
	[sflag:s14] =	ssyncadd.s32 $0xFFFFC000  }
0x71: {  	[hbm4b:s19+s12] =	stream.strided.scatter [tilespmem:s18], [sflag:$0x7], $0x4000, s13, s12, $0x38;
	[tilespmem:$0x1A400] =	vst v63  }
0x72: {  	p2 =	sne.s32 s31, $0x6C00;
	s1 =	sand.u32 $0x1FFFE000, s1;
	_ =	swait.ge [sflag:s15], $0x4000  }
0x73: {  	s7 =	sand.u32 $0x1FFFE000, s7;
	s30 =	sadd.s32 $0xA00, s30;
	[sflag:s15] =	ssyncset.done $0x0  }
0x74: {  	s18 =	sadd.s32 s5, s28;
	s9 =	rddreg [dreg:$0x6];
	[sflag:s15] =	ssyncadd.s32 $0xFFFFC000  }
0x75: {  	[hbm4b:s18+s12] =	stream.strided.scatter [tilespmem:s9], [sflag:$0x8], $0x4000, s13, s12, $0x38;
	[tilespmem:$0x1A400] =	vst v63  }
0x76: {  	s24 =	smov.u32 s0;
	s2 =	sadd.s32 s4, s2;
	_ =	swait.ge [sflag:s16], $0x4000  }
0x77: {  	p0 =	por p1, p1;
	s0 =	sshll.u32 s2, $0x4;
	[sflag:s16] =	ssyncset.done $0x0  }
.Ltmp0:
0x78: {  	s19 =	rddreg [dreg:$0x7];
	[sflag:s16] =	ssyncadd.s32 $0xFFFFC000;
	(pc) =	sbr.rel @p2 .LBB2_2-.Ltmp0, $4  }
0x79: {  	[hbm4b:s26+s12] =	stream.strided.scatter [tilespmem:s19], [sflag:$0x9], $0x4000, s13, s12, $0x38;
	[tilespmem:$0x1A400] =	vst v63  }
0x7a: {  	s25 =	smov.u32 s1;
	s0 =	sand.u32 $0x1FFFE000, s0;
	_ =	swait.ge [sflag:s17], $0x4000  }
0x7b: {  	s0 =	sadd.s32 s5, s0;
	s29 =	sadd.s32 $0xA000, s29;
	[sflag:s17] =	ssyncset.done $0x0  }
0x7c: {  	s28 =	smov.u32 s6;
	s26 =	smov.u32 s7;
	[sflag:s17] =	ssyncadd.s32 $0xFFFFC000  }
0x7d: {  	[hbm4b:s0+s12] =	stream.strided.scatter [tilespmem:s10], [sflag:$0xA], $0x4000, s13, s12, $0x38;
	[tilespmem:$0x1A400] =	vst v63  }
0x7e: {  	s0 =	simm.s32 @p0 $0x6  }
0x7f: {  	_ =	swait.ge @p0 [sflag:s0], $0x4000  }
0x80: {  	s1 =	simm.s32 @p0 $0x7;
	[sflag:s0] =	ssyncset.done @p0 $0x0  }
0x81: {  	s2 =	simm.s32 @p0 $0x6400;
	[sflag:s0] =	ssyncadd.s32 @p0 $0xFFFFC000;
	s0 =	simm.s32 @p0 $0x200  }
0x82: {  	[tilespmem:s2], [sflag:$0x1] =	stream.indirect.gather @p0 [hbm4b:s3+s0], $0x20, s30, s0, $0xb8;
	[tilespmem:$0x1A400] =	vst v63  }
0x83: {  	_ =	swait.ge @p0 [sflag:s1], $0x4000  }
0x84: {  	[sflag:s1] =	ssyncset.done @p0 $0x0  }
0x85: {  	s2 =	simm.s32 @p0 $0xA400;
	[sflag:s1] =	ssyncadd.s32 @p0 $0xFFFFC000;
	s1 =	sadd.s32 @p0 $0x200, s30  }
0x86: {  	[tilespmem:s2], [sflag:$0x2] =	stream.indirect.gather @p0 [hbm4b:s3+s0], $0x20, s1, s0, $0xb8;
	[tilespmem:$0x1A400] =	vst v63  }
0x87: {  	s1 =	simm.s32 @p0 $0x8  }
0x88: {  	_ =	swait.ge @p0 [sflag:s1], $0x4000  }
0x89: {  	[sflag:s1] =	ssyncset.done @p0 $0x0  }
0x8a: {  	s2 =	simm.s32 @p0 $0xE400;
	[sflag:s1] =	ssyncadd.s32 @p0 $0xFFFFC000;
	s1 =	sadd.s32 @p0 $0x400, s30  }
0x8b: {  	[tilespmem:s2], [sflag:$0x3] =	stream.indirect.gather @p0 [hbm4b:s3+s0], $0x20, s1, s0, $0xb8;
	[tilespmem:$0x1A400] =	vst v63  }
0x8c: {  	s1 =	simm.s32 @p0 $0x9  }
0x8d: {  	_ =	swait.ge @p0 [sflag:s1], $0x4000  }
0x8e: {  	[sflag:s1] =	ssyncset.done @p0 $0x0  }
0x8f: {  	s2 =	simm.s32 @p0 $0x12400;
	[sflag:s1] =	ssyncadd.s32 @p0 $0xFFFFC000;
	s1 =	sadd.s32 @p0 $0x600, s30  }
0x90: {  	[tilespmem:s2], [sflag:$0x4] =	stream.indirect.gather @p0 [hbm4b:s3+s0], $0x20, s1, s0, $0xb8;
	[tilespmem:$0x1A400] =	vst v63  }
0x91: {  	s0 =	simm.s32 @p0 $0xA  }
0x92: {  	_ =	swait.ge @p0 [sflag:s0], $0x4000  }
0x93: {  	[sflag:s0] =	ssyncset.done @p0 $0x0  }
0x94: {  	s1 =	simm.s32 @!p0 $0x6400;
	[sflag:s0] =	ssyncadd.s32 @p0 $0xFFFFC000;
	s0 =	simm.s32 @!p0 $0x200  }
0x95: {  	[tilespmem:s1], [sflag:$0x1] =	stream.indirect.gather @!p0 [hbm4b:s3+s0], $0x20, s30, s0, $0xb8;
	[tilespmem:$0x1A400] =	vst v63  }
0x96: {  	s1 =	simm.s32 @!p0 $0xA400  }
0x97: {  	[tilespmem:s1], [sflag:$0x2] =	stream.indirect.gather @!p0 [hbm4b:s3+s0], $0x20, s0, s0, $0xb8;
	[tilespmem:$0x1A400] =	vst v63  }
0x98: {  	s2 =	simm.s32 @!p0 $0xE400;
	s1 =	simm.s32 @!p0 $0x400  }
0x99: {  	[tilespmem:s2], [sflag:$0x3] =	stream.indirect.gather @!p0 [hbm4b:s3+s0], $0x20, s1, s0, $0xb8;
	[tilespmem:$0x1A400] =	vst v63  }
0x9a: {  	s1 =	simm.s32 @!p0 $0x600;
	s2 =	simm.s32 @!p0 $0x12400  }
0x9b: {  	[tilespmem:s2], [sflag:$0x4] =	stream.indirect.gather @!p0 [hbm4b:s3+s0], $0x20, s1, s0, $0xb8;
	[tilespmem:$0x1A400] =	vst v63  }
0x9c: {  	s24 =	simm.s32 @!p0 $0x800;
	s6 =	rddreg [dreg:$0x3]  }
0x9d: {  	[tilespmem:s10], [sflag:$0x5] =	stream.indirect.gather [hbm4b:s3+s6], $0x20, s24, s6, $0xb8;
	[tilespmem:$0x1A400] =	vst v63  }
0x9e: {  	_ =	swait.ge [sflag:s11], $0x4000  }
0x9f: {  	[sflag:s11] =	ssyncset.done $0x0  }
0xa0: {  	s6 =	rddreg [dreg:$0x4];
	[sflag:s11] =	ssyncadd.s32 $0xFFFFC000  }
0xa1: {  	[hbm4b:s29+s12] =	stream.strided.scatter [tilespmem:s6], [sflag:$0x6], $0x4000, s13, s12, $0x38;
	[tilespmem:$0x1A400] =	vst v63  }
0xa2: {  	_ =	swait.ge [sflag:s14], $0x4000  }
0xa3: {  	[sflag:s14] =	ssyncset.done $0x0  }
0xa4: {  	s9 =	sadd.s32 s5, s25;
	s7 =	rddreg [dreg:$0x5];
	[sflag:s14] =	ssyncadd.s32 $0xFFFFC000  }
0xa5: {  	[hbm4b:s9+s12] =	stream.strided.scatter [tilespmem:s7], [sflag:$0x7], $0x4000, s13, s12, $0x38;
	[tilespmem:$0x1A400] =	vst v63  }
0xa6: {  	_ =	swait.ge [sflag:s15], $0x4000  }
0xa7: {  	[sflag:s15] =	ssyncset.done $0x0  }
0xa8: {  	s19 =	sadd.s32 s5, s28;
	s18 =	rddreg [dreg:$0x6];
	[sflag:s15] =	ssyncadd.s32 $0xFFFFC000  }
0xa9: {  	[hbm4b:s19+s12] =	stream.strided.scatter [tilespmem:s18], [sflag:$0x8], $0x4000, s13, s12, $0x38;
	[tilespmem:$0x1A400] =	vst v63  }
0xaa: {  	_ =	swait.ge [sflag:s16], $0x4000  }
0xab: {  	s26 =	sadd.s32 s5, s26;
	[sflag:s16] =	ssyncset.done $0x0  }
0xac: {  	s28 =	sadd.s32 s4, s24;
	s25 =	rddreg [dreg:$0x7];
	[sflag:s16] =	ssyncadd.s32 $0xFFFFC000  }
0xad: {  	[hbm4b:s26+s12] =	stream.strided.scatter [tilespmem:s25], [sflag:$0x9], $0x4000, s13, s12, $0x38;
	[tilespmem:$0x1A400] =	vst v63  }
0xae: {  	s0 =	sshll.u32 s28, $0x4;
	_ =	swait.ge [sflag:s17], $0x4000  }
0xaf: {  	s0 =	sand.u32 $0x1FFFE000, s0;
	[sflag:s17] =	ssyncset.done $0x0  }
0xb0: {  	s0 =	sadd.s32 s5, s0;
	s29 =	simm.s32 $0x6;
	[sflag:s17] =	ssyncadd.s32 $0xFFFFC000  }
0xb1: {  	[hbm4b:s0+s12] =	stream.strided.scatter [tilespmem:s10], [sflag:$0xA], $0x4000, s13, s12, $0x38;
	[tilespmem:$0x1A400] =	vst v63  }
0xb2: {  	_ =	swait.ge [sflag:s29], $0x4000  }
0xb3: {  	[sflag:s29] =	ssyncset.done $0x0  }
0xb4: {  	s30 =	simm.s32 $0x7;
	[sflag:s29] =	ssyncadd.s32 $0xFFFFC000  }
0xb5: {  	_ =	swait.ge [sflag:s30], $0x4000  }
0xb6: {  	[sflag:s30] =	ssyncset.done $0x0  }
0xb7: {  	[sflag:s30] =	ssyncadd.s32 $0xFFFFC000  }
0xb8: {  	_ =	swait.ge [sflag:s20], $0x4000  }
0xb9: {  	[sflag:s20] =	ssyncset.done $0x0  }
0xba: {  	[sflag:s20] =	ssyncadd.s32 $0xFFFFC000  }
0xbb: {  	_ =	swait.ge [sflag:s21], $0x4000  }
0xbc: {  	[sflag:s21] =	ssyncset.done $0x0  }
0xbd: {  	[sflag:s21] =	ssyncadd.s32 $0xFFFFC000  }
0xbe: {  	_ =	swait.ge [sflag:s22], $0x4000  }
0xbf: {  	s23 =	sadd.s32 $0x1, s23;
	s31 =	rddreg [dreg:$0x9]  }
0xc0: {  	p0 =	sne.s32 s23, s31  }
.Ltmp1:
0xc1: {  	_ = 	snop;
	(pc) =	sbr.rel @p0 .LBB2_1-.Ltmp1, $3  }
0xc2: {  	_ =	sdelay $0x1  }
0xc3: {  	[sflag:s22] =	ssyncset.done $0x0  }
0xc4: {  	[sflag:s22] =	ssyncadd.s32 $0xFFFFC000  }
0xc5: {  	_ =	sfence.sel $0x180000  }
0xc6: {  	[bflag:$0x0] =	sbarrier.arrive $0xFFFF  }
0xc7: {  	_ =	strace $0x9000004A  }
0xc8: {  	s0 =	stileid.u32;
	[bflag:$0x2] =	sbarrier.arrive $0xFFFF  }
0xc9: {  	p0 =	sne.s32 s0, $0x0;
	s0 =	rddreg [dreg:$0x2]  }
0xca: {  	s0 =	sadd.s32 @!p0 $0x100000, s0  }
0xcb: {  	[sflag:s0] =	ssyncadd.tile.s32 @!p0 $0x1;
	_ =	shalt  }
.Lfunc_end2:
_tile_overlayer_lowered:
.L_overlay_start_2:
0xcc: {  	(tag) =	ssettag $0x2  }
0xcd: {  	s0 =	rddreg [dreg:$0x0];
	s2 =	stileid.u32  }
0xce: {  	s1 =	rddreg [dreg:$0x1];
	p0 =	sne.s32 s2, $0x0  }
0xcf: {  	s3 =	rddreg [dreg:$0x2];
	[bflag:$0x3] =	sbarrier.arrive $0xFFFF;
	s2 =	simm.s32 @!p0 $0x1C0B  }
0xd0: {  	[timem:s3], [sflag:s2] =	dma.local @!p0 [hbm:s0], s1  }
0xd1: {  	s0 =	simm.s32 @!p0 $0xB  }
0xd2: {  	_ =	swait.ge @!p0 [sflag:s0], s1  }
0xd3: {  	s1 =	ssub.s32 @!p0 $0x0, s1;
	[sflag:s0] =	ssyncset.done @!p0 $0x0  }
0xd4: {  	[sflag:s0] =	ssyncadd.s32 @!p0 s1  }
0xd5: {  	[bflag:$0x3] =	sbarrier.arrive $0xFFFF  }
0xd6: {  	_ =	shalt  }

// kernel: sparse-core-data-format-call.cloned.1.call-start
scs
called_computation_lowered:
.L_overlay_start_0:
0x0: {  	s2 =	sld [smem:$0x3FD9]  }
0x1: {  	s3 =	sld [smem:$0x3FFE];
	_ =	sdelay $0x1  }
0x2: {  	s1 =	srdreg.scid  }
0x3: {  	s0 =	sand.u32 $0x1, s1  }
0x4: {  	s18 =	sshll.u32 s0, $0xA;
	s2 =	sadd.s32 s3, s2  }
0x5: {  	s2 =	sadd.s32 s2, s18  }
0x6: {  	[smem:$0x3FC6] =	sst s2  }
0x7: {  	_ = 	snop  }
0x8: {  	s2 =	sld [smem:$0x3FD0];
	(tm) =	ssettm $0x1  }
0x9: {  	s19 =	sld [smem:$0x3FFB];
	_ =	sdelay $0x3  }
0xa: {  	_ =	strace s19  }
0xb: {  	s3 =	sld [smem:$0x3FFC];
	_ =	sdelay $0x3  }
0xc: {  	_ =	strace s3  }
0xd: {  	s3 =	sld [smem:$0x3FFD];
	_ =	sdelay $0x3  }
0xe: {  	_ =	strace s3  }
0xf: {  	_ =	strace $0x8FFFFFFF  }
0x10: {  	s20 =	sld [smem:$0x3FDB];
	_ =	sdelay $0x1  }
0x11: {  	s4 =	simm.s32 $_scs_section_size  }
0x12: {  	s5 =	simm.s32 $_size__tile_overlayer_lowered;
	s6 =	simm.s32 $_tile_overlayer_lowered  }
0x13: {  	s23 =	simm.s32 $0x1BFF;
	s22 =	sshll.u32 s6, $0x1;
	s3 =	sadd.s32 s4, s20  }
0x14: {  	s7 =	simm.s32 $0x0;
	s21 =	sshll.u32 s5, $0x1;
	s5 =	sadd.s32 s22, s3  }
0x15: {  	[timem:s7], [sflag:s23] =	dma.local [hbm:s5], s21  }
0x16: {  	_ =	swait.ge [sflag:s23], s21  }
0x17: {  	s4 =	ssub.s32 $0x0, s21;
	[sflag:s23] =	ssyncset.done $0x0  }
0x18: {  	[sflag:s23] =	ssyncadd.s32 s4;
	_ =	sdelay $0x1  }
0x19: {  	s24 =	simm.s32 $0x1B8B  }
0x1a: {  	_ =	swait.ge [sflag:s24], $0x1  }
0x1b: {  	[sflag:s24] =	ssyncset.done $0x0  }
0x1c: {  	s26 =	simm.s32 $0x1B8E;
	s25 =	sld [smem:$0x3FFE];
	[sflag:s24] =	ssyncadd.s32 $0xFFFFFFFF  }
0x1d: {  	s27 =	simm.s32 $execute0_lowered;
	[smem:$0x3FD2] =	sst s26  }
0x1e: {  	s5 =	sshll.u32 s27, $0x1;
	_ =	strace $0x8000004C;
	[dreg:$0x1] =	wrdreg $0xFFFFFFFF  }
0x1f: {  	s28 =	simm.s32 $_size_execute0_lowered;
	s3 =	sadd.s32 s3, s5;
	[dreg:$0x0] =	wrdreg $0x0  }
0x20: {  	s5 =	sshll.u32 s28, $0x1;
	[dreg:$0x2] =	wrdreg s3  }
0x21: {  	[dreg:$0x3] =	wrdreg s5  }
0x22: {  	[dreg:$0x4] =	wrdreg $0xC0  }
0x23: {  	_ =	task [dreg:s7], $0x5FFFF  }
0x24: {  	[dreg:$0x1] =	wrdreg $0xFFFFFFFF  }
0x25: {  	[dreg:$0x0] =	wrdreg $0x60  }
0x26: {  	[dreg:$0x2] =	wrdreg s25  }
0x27: {  	[dreg:$0x3] =	wrdreg s2  }
0x28: {  	[dreg:$0x4] =	wrdreg $0x9  }
0x29: {  	_ =	task.clear_ibuf [dreg:s7], $0x5FFFF;
	_ =	strace $0x9000004C  }
0x2a: {  	s29 =	simm.s32 $0x9;
	_ =	strace $0x8000004E  }
0x2b: {  	_ =	swait.ge [sflag:s29], $0x1  }
0x2c: {  	[sflag:s29] =	ssyncadd.s32 $0xFFFFFFFF  }
0x2d: {  	_ =	strace $0x9000004E  }
0x2e: {  	_ =	sfence  }
0x2f: {  	s30 =	sld [smem:$0x0];
	_ =	sdelay $0x2  }
0x30: {  	s31 =	sshll.u32 s1, $0xD;
	s1 =	sshrl.u32 s1, $0x2  }
0x31: {  	s3 =	sand.u32 $0x4000, s31;
	s1 =	sadd.s32 s1, s30  }
0x32: {  	s0 =	sor.u32 s3, s0;
	s1 =	sshll.u32 s1, $0x11  }
0x33: {  	s0 =	sor.u32 s1, s0  }
0x34: {  	s0 =	sadd.s32 $0x8F2B, s0  }
0x35: {  	[sflag:s0] =	ssyncadd.remote.s32 $0x1  }
0x36: {  	_ =	sfence.sel $0xFFFF  }
0x37: {  	[dreg:$0x0] =	wrdreg $0xFFFFFFFF;
	(pc) =	sbr.abs _section_cstart, $3  }
0x38: {  	[dreg:$0x1] =	wrdreg $0xFFFFFFFF  }
0x39: {  	_ =	task.clear_ibuf [dreg:s7], $0x2FFFF;
	_ =	strace $0x9FFFFFFF  }
0x3a: {  	(tm) =	ssettm $0x7FFFFFFF  }
0x3b: {  	_ =	shalt  }
tec
execute0_lowered:
.L_overlay_start_1:
0x0: {  	(tag) =	ssettag $0x1  }
0x1: {  	s0 =	srdreg.scid  }
0x2: {  	s1 =	sshll.u32 s0, $0x4  }
0x3: {  	s0 =	stileid.u32;
	s1 =	sand.u32 $0x10, s1  }
0x4: {  	s1 =	sor.u32 s0, s1  }
0x5: {  	s6 =	rddreg [dreg:$0x0];
	s4 =	simm.s32 $0x1;
	s2 =	sshll.u32 s1, $0x7  }
0x6: {  	s7 =	simm.s32 $0x2;
	s12 =	simm.s32 $0x0;
	s1 =	ssub.s32 $0x1000, s2  }
0x7: {  	s8 =	simm.s32 $0x8000;
	s13 =	simm.s32 $0x0;
	s3 =	sand.u32 $0xF80, s1  }
0x8: {  	s9 =	simm.s32 $0x0;
	s5 =	sshrl.u32 s1, $0xC;
	p0 =	sne.s32 s3, $0x0  }
.Ltmp0:
0x9: {  	s1 =	rddreg [dreg:$0x2];
	s4 =	simm.s32 @!p0 $0x0;
	(pc) =	sbr.rel .LBB1_1-.Ltmp0, $4  }
0xa: {  	s11 =	simm.s32 $0x0;
	s3 =	rddreg [dreg:$0x1];
	s5 =	sadd.s32 s4, s5  }
0xb: {  	_ =	strace $0x8000004D;
	s4 =	simm.s32 $0x1;
	s5 =	smul.u32 $0xC8, s5  }
0xc: {  	s6 =	sadd.s32 $0x3D2200, s6;
	s10 =	smov.u32 s2;
	[sflag:s4] =	ssyncpa.u1 $0x0  }
0xd: {  	p0 =	por $0x0, $0x0;
	[sflag:s7] =	ssyncpa.u1 $0x0;
	s7 =	sor.u32 $0x1, s5  }
.LBB1_4:
0xe: {  	s16 =	sshll.u32 s13, $0x3;
	s17 =	sand.u32 $0x78, s13  }
0xf: {  	s30 =	sand.u32 $0x3E00, s13;
	s12 =	sshll.u32 s12, $0xE;
	s16 =	sand.u32 $0xC00, s16  }
0x10: {  	s31 =	sand.u32 $0x7, s13;
	s16 =	sor.u32 s17, s16;
	s17 =	sadd.s32 s3, s30  }
0x11: {  	s13 =	sshll.u32 s31, $0x12;
	s16 =	sshrl.u32 s16, $0x3;
	s12 =	sadd.s32 s12, s17  }
0x12: {  	[tilespmem:s15+$0x0 ss:$0x81] =	vst.msk $0xffff, v0;
	s13 =	sor.u32 $0x400, s13;
	s12 =	sadd.s32 s16, s12  }
0x13: {  	[hbm4b:s12+s13] =	stream.strided.scatter [tilespmem:s14], [sflag:$0x2], $0x1000, s8, s13, $0x20;
	[tilespmem:$0x4040] =	vst v63  }
.LBB1_5:
0x14: {  	s14 =	sadd.s32 $0x1, s9  }
0x15: {  	s12 =	sadd.s32 $0x1000, s10;
	s16 =	smov.u32 s10;
	p2 =	sgt.s32 s14, $0xC7  }
0x16: {  	s16 =	smov.u32 @p2 s12  }
0x17: {  	s14 =	simm.s32 @p2 $0x0;
	p2 =	sgt.s32 s16, $0xFFF  }
0x18: {  	s16 =	smov.u32 @p2 s2;
	p2 =	sne.s32 s11, s7  }
.Ltmp1:
0x19: {  	p1 =	slt.u32 s11, $0x2;
	(pc) =	sbr.rel @!p2 .LBB1_6-.Ltmp1, $4  }
0x1a: {  	s15 =	simm.s32 @!p1 $0x2  }
0x1b: {  	s13 =	smov.u32 s10;
	p0 =	por !p0, !p0;
	_ =	swait.ge @!p1 [sflag:s15], $0x1000  }
0x1c: {  	s12 =	smov.u32 s9;
	[sflag:s15] =	ssyncset.done @!p1 $0x0;
	s9 =	smov.u32 s14  }
0x1d: {  	s11 =	sadd.s32 $0x1, s11;
	[sflag:s15] =	ssyncadd.s32 @!p1 $0xFFFFF000;
	s10 =	smov.u32 s16  }
.LBB1_1:
0x1e: {  	p1 =	sge.u32 s11, s5  }
0x1f: {  	s14 =	sand.u32 @!p1 $0x1FFFFFF, s9  }
0x20: {  	s15 =	smulhi.u32 @!p1 $0x147AE15, s14;
	_ =	sdelay $0x1  }
0x21: {  	s15 =	smul.u32 @!p1 $0xC8, s15  }
0x22: {  	s16 =	sxor.u32 @!p1 $0xFFFFFFFF, s11;
	s17 =	smul.u32 @!p1 $0xC80, s10  }
0x23: {  	s31 =	sadd.s32 $0xFFFFFFFF, s11;
	s16 =	sshll.u32 @!p1 s16, $0xC;
	s14 =	ssub.s32 @!p1 s14, s15  }
0x24: {  	s15 =	sand.u32 @!p1 $0x1000, s16;
	s16 =	sadd.s32 @!p1 s6, s17;
	s14 =	sshll.u32 @!p1 s14, $0x4  }
0x25: {  	s17 =	simm.s32 @!p1 $0x6400;
	s14 =	sadd.s32 @!p1 s14, s16;
	s16 =	simm.s32 @!p1 $0x20  }
0x26: {  	[tilespmem:s15], [sflag:$0x1] =	stream.strided.gather @!p1 [hbm4b:s14+s16], $0x1000, s17, s16, $0x38;
	[tilespmem:$0x4040] =	vst v63  }
0x27: {  	p1 =	sge.u32 s31, s5  }
.Ltmp2:
0x28: {  	_ = 	snop;
	(pc) =	sbr.rel @p1 .LBB1_5-.Ltmp2, $1  }
0x29: {  	_ =	sdelay $0x3  }
0x2a: {  	s14 =	simm.s32 $0x1  }
0x2b: {  	_ =	swait.ge [sflag:s4], $0x1000;
	s14 =	simm.s32 @!p0 $0x0  }
0x2c: {  	[sflag:s4] =	ssyncset.done $0x0;
	s15 =	sshll.u32 s14, $0xC  }
0x2d: {  	[sflag:s4] =	ssyncadd.s32 $0xFFFFF000;
	s18 =	sor.u32 $0x10, s15  }
0x2e: {  	s14 =	smul.u32 $0x4080, s14;
	v1 =	vld [tilespmem:s18+$0x0]  }
0x2f: {  	s30 =	sand.u32 $0x1, s11;
	v0 =	vld [tilespmem:s18+$0xFFFFFFF0]  }
0x30: {  	s15 =	smul.u32 $0x4080, s30;
	s14 =	sshrl.u32 s14, $0x2  }
0x31: {  	s16 =	sor.u32 $0x2000, s14  }
0x32: {  	s31 =	sshrl.u32 s15, $0x2;
	s15 =	sadd.s32 $0x0, s16  }
0x33: {  	s17 =	simm.s32 $0x4;
	s18 =	sadd.s32 $0x20, s18;
	s14 =	sor.u32 $0x2000, s31;
	[tilespmem:s15+$0x810 ss:$0x81] =	vst.msk $0xffff, v1  }
.LBB1_3:
0x34: {  	v1 =	vld [tilespmem:s18+$0x0];
	p1 =	sne.s32 s17, $0x1FC;
	[tilespmem:s15+$0x0 ss:$0x81] =	vst.msk $0xffff, v0;
	s15 =	smov.u32 s17;
	s17 =	sadd.s32 $0x4, s17  }
.Ltmp3:
0x35: {  	v0 =	vld [tilespmem:s18+$0xFFFFFFF0];
	(pc) =	sbr.rel @p1 .LBB1_3-.Ltmp3, $4  }
0x36: {  	_ = 	snop  }
0x37: {  	s15 =	sshra.s32 s15, $0x2  }
0x38: {  	s15 =	sadd.s32 s15, s16  }
0x39: {  	s18 =	sadd.s32 $0x20, s18;
	[tilespmem:s15+$0x810 ss:$0x81] =	vst.msk $0xffff, v1  }
.Ltmp4:
0x3a: {  	_ = 	snop;
	(pc) =	sbr.rel .LBB1_4-.Ltmp4, $1  }
0x3b: {  	_ =	sdelay $0x3  }
.LBB1_6:
0x3c: {  	_ =	sfence.sel $0x180000  }
0x3d: {  	s2 =	simm.s32 $0x1;
	[bflag:$0x0] =	sbarrier.arrive $0xFFFF  }
0x3e: {  	s31 =	simm.s32 $0x2;
	[sflag:s2] =	ssyncpa.u1 $0x1  }
0x3f: {  	[sflag:s31] =	ssyncpa.u1 $0x1  }
0x40: {  	p0 =	sne.s32 s0, $0x0;
	_ =	strace $0x9000004D  }
0x41: {  	s0 =	sadd.s32 @!p0 $0x100000, s1;
	[bflag:$0x2] =	sbarrier.arrive $0xFFFF  }
0x42: {  	[sflag:s0] =	ssyncadd.tile.s32 @!p0 $0x1;
	_ =	shalt  }
.Lfunc_end1:
_tile_overlayer_lowered:
.L_overlay_start_2:
0x43: {  	(tag) =	ssettag $0x2  }
0x44: {  	s0 =	rddreg [dreg:$0x0];
	s2 =	stileid.u32  }
0x45: {  	s1 =	rddreg [dreg:$0x1];
	p0 =	sne.s32 s2, $0x0  }
0x46: {  	s3 =	rddreg [dreg:$0x2];
	[bflag:$0x3] =	sbarrier.arrive $0xFFFF;
	s2 =	simm.s32 @!p0 $0x1C01  }
0x47: {  	[timem:s3], [sflag:s2] =	dma.local @!p0 [hbm:s0], s1  }
0x48: {  	s0 =	simm.s32 @!p0 $0x1  }
0x49: {  	_ =	swait.ge @!p0 [sflag:s0], s1  }
0x4a: {  	s1 =	ssub.s32 @!p0 $0x0, s1;
	[sflag:s0] =	ssyncset.done @!p0 $0x0  }
0x4b: {  	[sflag:s0] =	ssyncadd.s32 @!p0 s1  }
0x4c: {  	[bflag:$0x3] =	sbarrier.arrive $0xFFFF  }
0x4d: {  	_ =	shalt  }

</sc_bundles>
